<compile_context>
chip_gen: v7x
topology: tpu7x:2x2x1
jax: 0.10.2.dev20260603
libtpu: 0.0.44.dev20260713+nightly
codegen_flags: <defaults>
</compile_context>

<pallas_src>
import functools

import jax
import jax.numpy as jnp
from jax import lax
from jax.experimental import pallas as pl
from jax.experimental.pallas import tpu as pltpu
from jax.experimental.pallas import tpu_sc as plsc

B = 128
N = 32768
NC = 2
NS = 16
L = 16
NW = NC * NS
B_SC = 48
B_TC = B - B_SC
C = N // 4
PR = N // C
HC = PR * B_SC // NW
U = 8
RB = 8

_mesh = plsc.VectorSubcoreMesh(core_axis_name="c", subcore_axis_name="s")


@functools.partial(
    pl.kernel,
    mesh=_mesh,
    out_type=jax.ShapeDtypeStruct((B_SC, PR * L), jnp.float32),
    scratch_types=[
        pltpu.VMEM((C,), jnp.float32),
        pltpu.VMEM((C,), jnp.float32),
        pltpu.VMEM((C,), jnp.float32),
        pltpu.VMEM((C,), jnp.float32),
        pltpu.VMEM((HC, L), jnp.float32),
        pltpu.SemaphoreType.DMA,
        pltpu.SemaphoreType.DMA,
        pltpu.SemaphoreType.DMA,
        pltpu.SemaphoreType.DMA,
    ],
)
def _hinge_sc(x_hbm, y_hbm, out_hbm, xb0, xb1, yb0, yb1, ob,
              sx0, sx1, sy0, sy1):
    cid = lax.axis_index("c")
    sid = lax.axis_index("s")
    wid = sid * NC + cid
    j0 = HC * wid

    def start(j, xb, yb, sx, sy):
        r = j // PR
        off = (j % PR) * C
        pltpu.async_copy(x_hbm.at[r, pl.ds(off, C)], xb, sx)
        pltpu.async_copy(y_hbm.at[r, pl.ds(off, C)], yb, sy)

    def wait(xb, yb, sx, sy):
        pltpu.make_async_copy(x_hbm.at[0, pl.ds(0, C)], xb, sx).wait()
        pltpu.make_async_copy(y_hbm.at[0, pl.ds(0, C)], yb, sy).wait()

    def make_chunk(xb, yb):
        def body(i, ms):
            out = []
            for u in range(U):
                xv = xb[pl.ds(i + u * L, L)]
                yv = yb[pl.ds(i + u * L, L)]
                out.append(jnp.maximum(ms[u], jnp.where(yv >= 0.5, xv, 0.0)))
            return tuple(out)
        return body

    def tree_max(ms):
        m = ms[0]
        for u in range(1, U):
            m = jnp.maximum(m, ms[u])
        return m

    init = tuple(jnp.full((L,), -jnp.inf, jnp.float32) for _ in range(U))
    xbufs, ybufs = (xb0, xb1), (yb0, yb1)
    sxs, sys_ = (sx0, sx1), (sy0, sy1)

    start(j0, xb0, yb0, sx0, sy0)
    start(j0 + 1, xb1, yb1, sx1, sy1)

    for jj in range(HC):
        s = jj % 2
        wait(xbufs[s], ybufs[s], sxs[s], sys_[s])
        ms = plsc.parallel_loop(0, C, L * U, unroll=4, carry=init)(
            make_chunk(xbufs[s], ybufs[s]))
        if jj + 2 < HC:
            start(j0 + jj + 2, xbufs[s], ybufs[s], sxs[s], sys_[s])
        ob[jj, :] = tree_max(ms)

    for jj in range(HC):
        j = j0 + jj
        pltpu.sync_copy(ob.at[jj],
                        out_hbm.at[j // PR, pl.ds((j % PR) * L, L)])


def _rowmax_tc(x_ref, y_ref, o_ref):
    s = jnp.where(y_ref[...] >= 0.5, x_ref[...], 0.0)
    o_ref[...] = jnp.max(s, axis=1, keepdims=True)


_tcmax = pl.pallas_call(
    _rowmax_tc,
    grid=(B_TC // RB,),
    in_specs=[
        pl.BlockSpec((RB, N), lambda i: (i + B_SC // RB, 0)),
        pl.BlockSpec((RB, N), lambda i: (i + B_SC // RB, 0)),
    ],
    out_specs=pl.BlockSpec((RB, 1), lambda i: (i, 0)),
    out_shape=jax.ShapeDtypeStruct((B_TC, 1), jnp.float32),
)


def _combine_tc(sc_ref, tc_ref, o_ref):
    sc_sum = jnp.sum(jnp.max(sc_ref[...], axis=1))
    tc_sum = jnp.sum(tc_ref[...])
    o_ref[0, 0] = (sc_sum + tc_sum) * (1.0 / B)


_combine = pl.pallas_call(
    _combine_tc,
    out_shape=jax.ShapeDtypeStruct((1, 1), jnp.float32),
    out_specs=pl.BlockSpec(memory_space=pltpu.SMEM),
)


@jax.jit
def kernel(x, y):
    sc_partials = _hinge_sc(x, y)
    tc_max = _tcmax(x, y)
    return _combine(sc_partials, tc_max)[0, 0]

# --- scband reference (transcript-rebuilt; emitter-appended) ---
"""Pipeline reference for scband-hinge-loss-73607149518933 (READ-ONLY COPY).

The authoritative reference and input builder live on the scoring server;
editing this copy changes nothing except your own understanding.
"""

import jax, jax.numpy as jnp
import numpy as np


def setup_inputs(seed: int = 0) -> dict:
    key = jax.random.key(seed)
    k1, k2 = jax.random.split(key)
    x = jax.random.normal(k1, (128, 32768), dtype=jnp.float32)
    y = jax.random.uniform(k2, (128, 32768), dtype=jnp.float32)
    return {"x": x, "y": y}


def reference(x, y):
    # HingeLoss.forward with defaults: valid=1, conf=1, M=1.0, negative=False,
    # complete=False, n_samples=1.
    n_samples = 1
    negs = (y < 0.5).astype(jnp.float32)
    valid = 1.0
    conf = 1.0
    # n_samples > 0 and not complete and not negative branch:
    # posLoss = topk(x * (1 - negs) * valid * conf, n_samples, dim=-1)[0].mean(1).sum()
    scores = x * (1.0 - negs) * valid * conf
    topvals, _ = jax.lax.top_k(scores, n_samples)  # [B, n_samples]
    posLoss = topvals.mean(axis=1).sum()
    negLoss = 0.0
    return (negLoss + posLoss) / float(negs.shape[0])

if __name__ == "__main__":
    import jax
    _d = setup_inputs()
    print(jax.jit(kernel)(*tuple(_d.values())))

</pallas_src>

<mosaic_0001>
#map = affine_map<(d0, d1) -> (0, 0)>
module attributes {stable_mosaic.version = 14 : i64} {
  func.func @_hinge_sc(%arg0: i32, %arg1: i32, %arg2: memref<128x32768xf32, #tpu.memory_space<hbm>>, %arg3: memref<128x32768xf32, #tpu.memory_space<hbm>>, %arg4: memref<48x64xf32, #tpu.memory_space<hbm>>, %arg5: memref<8192xf32, #tpu.memory_space<vmem>>, %arg6: memref<8192xf32, #tpu.memory_space<vmem>>, %arg7: memref<8192xf32, #tpu.memory_space<vmem>>, %arg8: memref<8192xf32, #tpu.memory_space<vmem>>, %arg9: memref<6x16xf32, #tpu.memory_space<vmem>>, %arg10: memref<!tpu.dma_semaphore, #tpu.memory_space<semaphore_mem>>, %arg11: memref<!tpu.dma_semaphore, #tpu.memory_space<semaphore_mem>>, %arg12: memref<!tpu.dma_semaphore, #tpu.memory_space<semaphore_mem>>, %arg13: memref<!tpu.dma_semaphore, #tpu.memory_space<semaphore_mem>>) attributes {dimension_semantics = [#tpu.dimension_semantics<core_parallel>, #tpu.dimension_semantics<subcore_parallel>], iteration_bounds = array<i64: 2, 16>, scalar_prefetch = 0 : i64, scratch_operands = 9 : i64, tpu.core_type = #tpu.core_type<sc_vector_subcore>, window_params = [{transform_indices = #map}, {transform_indices = #map}, {transform_indices = #map}]} {
    %mul3A = arith.constant 2 : i32
    %mul3A_0 = arith.muli %arg1, %mul3A : i32
    %add3A = arith.addi %mul3A_0, %arg0 : i32
    %mul3A_1 = arith.constant 6 : i32
    %mul3A_2 = arith.muli %mul3A_1, %add3A : i32
    %broadcast_in_dim3A = arith.constant 0xFF800000 : f32
    %broadcast_in_dim3A_3 = vector.broadcast %broadcast_in_dim3A : f32 to vector<16xf32>
    %broadcast_in_dim3A_4 = arith.constant 0xFF800000 : f32
    %broadcast_in_dim3A_5 = vector.broadcast %broadcast_in_dim3A_4 : f32 to vector<16xf32>
    %broadcast_in_dim3A_6 = arith.constant 0xFF800000 : f32
    %broadcast_in_dim3A_7 = vector.broadcast %broadcast_in_dim3A_6 : f32 to vector<16xf32>
    %broadcast_in_dim3A_8 = arith.constant 0xFF800000 : f32
    %broadcast_in_dim3A_9 = vector.broadcast %broadcast_in_dim3A_8 : f32 to vector<16xf32>
    %broadcast_in_dim3A_10 = arith.constant 0xFF800000 : f32
    %broadcast_in_dim3A_11 = vector.broadcast %broadcast_in_dim3A_10 : f32 to vector<16xf32>
    %broadcast_in_dim3A_12 = arith.constant 0xFF800000 : f32
    %broadcast_in_dim3A_13 = vector.broadcast %broadcast_in_dim3A_12 : f32 to vector<16xf32>
    %broadcast_in_dim3A_14 = arith.constant 0xFF800000 : f32
    %broadcast_in_dim3A_15 = vector.broadcast %broadcast_in_dim3A_14 : f32 to vector<16xf32>
    %broadcast_in_dim3A_16 = arith.constant 0xFF800000 : f32
    %broadcast_in_dim3A_17 = vector.broadcast %broadcast_in_dim3A_16 : f32 to vector<16xf32>
    %jit3A = arith.constant 4 : i32
    %div3A = arith.divsi %mul3A_2, %jit3A : i32
    %sign3A = arith.constant 0 : i32
    %sign3A_18 = arith.cmpi sgt, %mul3A_2, %sign3A : i32
    %sign3A_19 = arith.extui %sign3A_18 : i1 to i32
    %sign3A_20 = arith.constant 0 : i32
    %sign3A_21 = arith.cmpi slt, %mul3A_2, %sign3A_20 : i32
    %sign3A_22 = arith.extui %sign3A_21 : i1 to i32
    %sign3A_23 = arith.subi %sign3A_19, %sign3A_22 : i32
    %sign3A_24 = arith.constant 0 : i32
    %sign3A_25 = arith.cmpi sgt, %jit3A, %sign3A_24 : i32
    %sign3A_26 = arith.extui %sign3A_25 : i1 to i32
    %sign3A_27 = arith.constant 0 : i32
    %sign3A_28 = arith.cmpi slt, %jit3A, %sign3A_27 : i32
    %sign3A_29 = arith.extui %sign3A_28 : i1 to i32
    %sign3A_30 = arith.subi %sign3A_26, %sign3A_29 : i32
    %ne3A = arith.cmpi ne, %sign3A_23, %sign3A_30 : i32
    %rem3A = arith.remsi %mul3A_2, %jit3A : i32
    %ne3A_31 = arith.constant 0 : i32
    %ne3A_32 = arith.cmpi ne, %rem3A, %ne3A_31 : i32
    %and3A = arith.andi %ne3A, %ne3A_32 : i1
    %sub3A = arith.constant 1 : i32
    %sub3A_33 = arith.subi %div3A, %sub3A : i32
    %select_n3A = arith.select %and3A, %sub3A_33, %div3A : i32
    %jit3A_34 = arith.constant 4 : i32
    %eq3A = arith.constant 0 : i32
    %eq3A_35 = arith.cmpi eq, %jit3A_34, %eq3A : i32
    %jit3A_36 = arith.constant 1 : i32
    %select_n3A_37 = arith.select %eq3A_35, %jit3A_36, %jit3A_34 : i32
    %rem3A_38 = arith.remsi %mul3A_2, %select_n3A_37 : i32
    %ne3A_39 = arith.constant 0 : i32
    %ne3A_40 = arith.cmpi ne, %rem3A_38, %ne3A_39 : i32
    %lt3A = arith.constant 0 : i32
    %lt3A_41 = arith.cmpi slt, %rem3A_38, %lt3A : i32
    %lt3A_42 = arith.constant 0 : i32
    %lt3A_43 = arith.cmpi slt, %select_n3A_37, %lt3A_42 : i32
    %ne3A_44 = arith.xori %lt3A_41, %lt3A_43 : i1
    %and3A_45 = arith.andi %ne3A_44, %ne3A_40 : i1
    %add3A_46 = arith.addi %rem3A_38, %select_n3A_37 : i32
    %select_n3A_47 = arith.select %and3A_45, %add3A_46, %rem3A_38 : i32
    %mul3A_48 = arith.constant 8192 : i32
    %mul3A_49 = arith.muli %select_n3A_47, %mul3A_48 : i32
    %dma_start3A = tpu.memref_slice %arg2[%select_n3A, %mul3A_49] : memref<128x32768xf32, #tpu.memory_space<hbm>> -> memref<1x8192xf32, #tpu.memory_space<hbm>>
    %dma_start3A_50 = tpu.memref_squeeze %dma_start3A : memref<1x8192xf32, #tpu.memory_space<hbm>> -> memref<8192xf32, #tpu.memory_space<hbm>>
    %dma_start3A_51 = tpu.memref_slice %arg2[%select_n3A, %mul3A_49] : memref<128x32768xf32, #tpu.memory_space<hbm>> -> memref<1x8192xf32, #tpu.memory_space<hbm>>
    %dma_start3A_52 = tpu.memref_squeeze %dma_start3A_51 : memref<1x8192xf32, #tpu.memory_space<hbm>> -> memref<8192xf32, #tpu.memory_space<hbm>>
    tpu.enqueue_dma source(%dma_start3A_52 : memref<8192xf32, #tpu.memory_space<hbm>>) target(%arg5 : memref<8192xf32, #tpu.memory_space<vmem>>) target_semaphore(%arg10 : memref<!tpu.dma_semaphore, #tpu.memory_space<semaphore_mem>>)
    %dma_start3A_53 = tpu.memref_slice %arg3[%select_n3A, %mul3A_49] : memref<128x32768xf32, #tpu.memory_space<hbm>> -> memref<1x8192xf32, #tpu.memory_space<hbm>>
    %dma_start3A_54 = tpu.memref_squeeze %dma_start3A_53 : memref<1x8192xf32, #tpu.memory_space<hbm>> -> memref<8192xf32, #tpu.memory_space<hbm>>
    %dma_start3A_55 = tpu.memref_slice %arg3[%select_n3A, %mul3A_49] : memref<128x32768xf32, #tpu.memory_space<hbm>> -> memref<1x8192xf32, #tpu.memory_space<hbm>>
    %dma_start3A_56 = tpu.memref_squeeze %dma_start3A_55 : memref<1x8192xf32, #tpu.memory_space<hbm>> -> memref<8192xf32, #tpu.memory_space<hbm>>
    tpu.enqueue_dma source(%dma_start3A_56 : memref<8192xf32, #tpu.memory_space<hbm>>) target(%arg7 : memref<8192xf32, #tpu.memory_space<vmem>>) target_semaphore(%arg12 : memref<!tpu.dma_semaphore, #tpu.memory_space<semaphore_mem>>)
    %add3A_57 = arith.constant 1 : i32
    %add3A_58 = arith.addi %mul3A_2, %add3A_57 : i32
    %jit3A_59 = arith.constant 4 : i32
    %div3A_60 = arith.divsi %add3A_58, %jit3A_59 : i32
    %sign3A_61 = arith.constant 0 : i32
    %sign3A_62 = arith.cmpi sgt, %add3A_58, %sign3A_61 : i32
    %sign3A_63 = arith.extui %sign3A_62 : i1 to i32
    %sign3A_64 = arith.constant 0 : i32
    %sign3A_65 = arith.cmpi slt, %add3A_58, %sign3A_64 : i32
    %sign3A_66 = arith.extui %sign3A_65 : i1 to i32
    %sign3A_67 = arith.subi %sign3A_63, %sign3A_66 : i32
    %sign3A_68 = arith.constant 0 : i32
    %sign3A_69 = arith.cmpi sgt, %jit3A_59, %sign3A_68 : i32
    %sign3A_70 = arith.extui %sign3A_69 : i1 to i32
    %sign3A_71 = arith.constant 0 : i32
    %sign3A_72 = arith.cmpi slt, %jit3A_59, %sign3A_71 : i32
    %sign3A_73 = arith.extui %sign3A_72 : i1 to i32
    %sign3A_74 = arith.subi %sign3A_70, %sign3A_73 : i32
    %ne3A_75 = arith.cmpi ne, %sign3A_67, %sign3A_74 : i32
    %rem3A_76 = arith.remsi %add3A_58, %jit3A_59 : i32
    %ne3A_77 = arith.constant 0 : i32
    %ne3A_78 = arith.cmpi ne, %rem3A_76, %ne3A_77 : i32
    %and3A_79 = arith.andi %ne3A_75, %ne3A_78 : i1
    %sub3A_80 = arith.constant 1 : i32
    %sub3A_81 = arith.subi %div3A_60, %sub3A_80 : i32
    %select_n3A_82 = arith.select %and3A_79, %sub3A_81, %div3A_60 : i32
    %jit3A_83 = arith.constant 4 : i32
    %eq3A_84 = arith.constant 0 : i32
    %eq3A_85 = arith.cmpi eq, %jit3A_83, %eq3A_84 : i32
    %jit3A_86 = arith.constant 1 : i32
    %select_n3A_87 = arith.select %eq3A_85, %jit3A_86, %jit3A_83 : i32
    %rem3A_88 = arith.remsi %add3A_58, %select_n3A_87 : i32
    %ne3A_89 = arith.constant 0 : i32
    %ne3A_90 = arith.cmpi ne, %rem3A_88, %ne3A_89 : i32
    %lt3A_91 = arith.constant 0 : i32
    %lt3A_92 = arith.cmpi slt, %rem3A_88, %lt3A_91 : i32
    %lt3A_93 = arith.constant 0 : i32
    %lt3A_94 = arith.cmpi slt, %select_n3A_87, %lt3A_93 : i32
    %ne3A_95 = arith.xori %lt3A_92, %lt3A_94 : i1
    %and3A_96 = arith.andi %ne3A_95, %ne3A_90 : i1
    %add3A_97 = arith.addi %rem3A_88, %select_n3A_87 : i32
    %select_n3A_98 = arith.select %and3A_96, %add3A_97, %rem3A_88 : i32
    %mul3A_99 = arith.constant 8192 : i32
    %mul3A_100 = arith.muli %select_n3A_98, %mul3A_99 : i32
    %dma_start3A_101 = tpu.memref_slice %arg2[%select_n3A_82, %mul3A_100] : memref<128x32768xf32, #tpu.memory_space<hbm>> -> memref<1x8192xf32, #tpu.memory_space<hbm>>
    %dma_start3A_102 = tpu.memref_squeeze %dma_start3A_101 : memref<1x8192xf32, #tpu.memory_space<hbm>> -> memref<8192xf32, #tpu.memory_space<hbm>>
    %dma_start3A_103 = tpu.memref_slice %arg2[%select_n3A_82, %mul3A_100] : memref<128x32768xf32, #tpu.memory_space<hbm>> -> memref<1x8192xf32, #tpu.memory_space<hbm>>
    %dma_start3A_104 = tpu.memref_squeeze %dma_start3A_103 : memref<1x8192xf32, #tpu.memory_space<hbm>> -> memref<8192xf32, #tpu.memory_space<hbm>>
    tpu.enqueue_dma source(%dma_start3A_104 : memref<8192xf32, #tpu.memory_space<hbm>>) target(%arg6 : memref<8192xf32, #tpu.memory_space<vmem>>) target_semaphore(%arg11 : memref<!tpu.dma_semaphore, #tpu.memory_space<semaphore_mem>>)
    %dma_start3A_105 = tpu.memref_slice %arg3[%select_n3A_82, %mul3A_100] : memref<128x32768xf32, #tpu.memory_space<hbm>> -> memref<1x8192xf32, #tpu.memory_space<hbm>>
    %dma_start3A_106 = tpu.memref_squeeze %dma_start3A_105 : memref<1x8192xf32, #tpu.memory_space<hbm>> -> memref<8192xf32, #tpu.memory_space<hbm>>
    %dma_start3A_107 = tpu.memref_slice %arg3[%select_n3A_82, %mul3A_100] : memref<128x32768xf32, #tpu.memory_space<hbm>> -> memref<1x8192xf32, #tpu.memory_space<hbm>>
    %dma_start3A_108 = tpu.memref_squeeze %dma_start3A_107 : memref<1x8192xf32, #tpu.memory_space<hbm>> -> memref<8192xf32, #tpu.memory_space<hbm>>
    tpu.enqueue_dma source(%dma_start3A_108 : memref<8192xf32, #tpu.memory_space<hbm>>) target(%arg8 : memref<8192xf32, #tpu.memory_space<vmem>>) target_semaphore(%arg13 : memref<!tpu.dma_semaphore, #tpu.memory_space<semaphore_mem>>)
    %dma_wait3A = arith.constant 0 : i32
    %dma_wait3A_109 = arith.constant 0 : i32
    %dma_wait3A_110 = tpu.memref_slice %arg2[%dma_wait3A, %dma_wait3A_109] : memref<128x32768xf32, #tpu.memory_space<hbm>> -> memref<1x8192xf32, #tpu.memory_space<hbm>>
    %dma_wait3A_111 = tpu.memref_squeeze %dma_wait3A_110 : memref<1x8192xf32, #tpu.memory_space<hbm>> -> memref<8192xf32, #tpu.memory_space<hbm>>
    %dma_wait3A_112 = arith.constant 0 : i32
    %dma_wait3A_113 = tpu.memref_slice %arg2[%dma_wait3A, %dma_wait3A_112] : memref<128x32768xf32, #tpu.memory_space<hbm>> -> memref<1x8192xf32, #tpu.memory_space<hbm>>
    %dma_wait3A_114 = tpu.memref_squeeze %dma_wait3A_113 : memref<1x8192xf32, #tpu.memory_space<hbm>> -> memref<8192xf32, #tpu.memory_space<hbm>>
    tpu.wait_dma2 semaphore(%arg10 : memref<!tpu.dma_semaphore, #tpu.memory_space<semaphore_mem>>) src(%dma_wait3A_114 : memref<8192xf32, #tpu.memory_space<hbm>>) dst(%arg5 : memref<8192xf32, #tpu.memory_space<vmem>>)
    %dma_wait3A_115 = arith.constant 0 : i32
    %dma_wait3A_116 = arith.constant 0 : i32
    %dma_wait3A_117 = tpu.memref_slice %arg3[%dma_wait3A_115, %dma_wait3A_116] : memref<128x32768xf32, #tpu.memory_space<hbm>> -> memref<1x8192xf32, #tpu.memory_space<hbm>>
    %dma_wait3A_118 = tpu.memref_squeeze %dma_wait3A_117 : memref<1x8192xf32, #tpu.memory_space<hbm>> -> memref<8192xf32, #tpu.memory_space<hbm>>
    %dma_wait3A_119 = arith.constant 0 : i32
    %dma_wait3A_120 = tpu.memref_slice %arg3[%dma_wait3A_115, %dma_wait3A_119] : memref<128x32768xf32, #tpu.memory_space<hbm>> -> memref<1x8192xf32, #tpu.memory_space<hbm>>
    %dma_wait3A_121 = tpu.memref_squeeze %dma_wait3A_120 : memref<1x8192xf32, #tpu.memory_space<hbm>> -> memref<8192xf32, #tpu.memory_space<hbm>>
    tpu.wait_dma2 semaphore(%arg12 : memref<!tpu.dma_semaphore, #tpu.memory_space<semaphore_mem>>) src(%dma_wait3A_121 : memref<8192xf32, #tpu.memory_space<hbm>>) dst(%arg7 : memref<8192xf32, #tpu.memory_space<vmem>>)
    %parallel_loop3A = arith.constant 0 : i32
    %parallel_loop3A_122 = arith.constant 8192 : i32
    %parallel_loop3A_123 = arith.constant 128 : i32
    %parallel_loop3A_124:8 = scf.for %parallel_loop3A_776 = %parallel_loop3A to %parallel_loop3A_122 step %parallel_loop3A_123 iter_args(%parallel_loop3A_777 = %broadcast_in_dim3A_3, %parallel_loop3A_778 = %broadcast_in_dim3A_5, %parallel_loop3A_779 = %broadcast_in_dim3A_7, %parallel_loop3A_780 = %broadcast_in_dim3A_9, %parallel_loop3A_781 = %broadcast_in_dim3A_11, %parallel_loop3A_782 = %broadcast_in_dim3A_13, %parallel_loop3A_783 = %broadcast_in_dim3A_15, %parallel_loop3A_784 = %broadcast_in_dim3A_17) -> (vector<16xf32>, vector<16xf32>, vector<16xf32>, vector<16xf32>, vector<16xf32>, vector<16xf32>, vector<16xf32>, vector<16xf32>)  : i32 {
      %parallel_loop3A_785 = arith.constant 0 : i32
      %parallel_loop3A_786 = arith.addi %parallel_loop3A_776, %parallel_loop3A_785 : i32
      %parallel_loop3A_787 = arith.index_cast %parallel_loop3A_786 : i32 to index
      %parallel_loop3A_788 = tpu.vector_load %arg5[%parallel_loop3A_787] {strides = array<i32>} : memref<8192xf32, #tpu.memory_space<vmem>>, vector<16xf32>,
      %parallel_loop3A_789 = vector.shape_cast %parallel_loop3A_788 : vector<16xf32> to vector<16xf32>
      %parallel_loop3A_790 = arith.constant 0 : i32
      %parallel_loop3A_791 = arith.addi %parallel_loop3A_776, %parallel_loop3A_790 : i32
      %parallel_loop3A_792 = arith.index_cast %parallel_loop3A_791 : i32 to index
      %parallel_loop3A_793 = tpu.vector_load %arg7[%parallel_loop3A_792] {strides = array<i32>} : memref<8192xf32, #tpu.memory_space<vmem>>, vector<16xf32>,
      %parallel_loop3A_794 = vector.shape_cast %parallel_loop3A_793 : vector<16xf32> to vector<16xf32>
      %parallel_loop3A_795 = arith.constant 5.000000e-01 : f32
      %parallel_loop3A_796 = vector.broadcast %parallel_loop3A_795 : f32 to vector<16xf32>
      %parallel_loop3A_797 = arith.cmpf oge, %parallel_loop3A_794, %parallel_loop3A_796 : vector<16xf32>
      %parallel_loop3A_798 = arith.constant 0.000000e+00 : f32
      %parallel_loop3A_799 = vector.broadcast %parallel_loop3A_798 : f32 to vector<16xf32>
      %parallel_loop3A_800 = arith.select %parallel_loop3A_797, %parallel_loop3A_789, %parallel_loop3A_799 : vector<16xi1>, vector<16xf32>
      %parallel_loop3A_801 = arith.maximumf %parallel_loop3A_777, %parallel_loop3A_800 : vector<16xf32>
      %parallel_loop3A_802 = arith.constant 16 : i32
      %parallel_loop3A_803 = arith.addi %parallel_loop3A_776, %parallel_loop3A_802 : i32
      %parallel_loop3A_804 = arith.index_cast %parallel_loop3A_803 : i32 to index
      %parallel_loop3A_805 = tpu.vector_load %arg5[%parallel_loop3A_804] {strides = array<i32>} : memref<8192xf32, #tpu.memory_space<vmem>>, vector<16xf32>,
      %parallel_loop3A_806 = vector.shape_cast %parallel_loop3A_805 : vector<16xf32> to vector<16xf32>
      %parallel_loop3A_807 = arith.constant 16 : i32
      %parallel_loop3A_808 = arith.addi %parallel_loop3A_776, %parallel_loop3A_807 : i32
      %parallel_loop3A_809 = arith.index_cast %parallel_loop3A_808 : i32 to index
      %parallel_loop3A_810 = tpu.vector_load %arg7[%parallel_loop3A_809] {strides = array<i32>} : memref<8192xf32, #tpu.memory_space<vmem>>, vector<16xf32>,
      %parallel_loop3A_811 = vector.shape_cast %parallel_loop3A_810 : vector<16xf32> to vector<16xf32>
      %parallel_loop3A_812 = arith.constant 5.000000e-01 : f32
      %parallel_loop3A_813 = vector.broadcast %parallel_loop3A_812 : f32 to vector<16xf32>
      %parallel_loop3A_814 = arith.cmpf oge, %parallel_loop3A_811, %parallel_loop3A_813 : vector<16xf32>
      %parallel_loop3A_815 = arith.constant 0.000000e+00 : f32
      %parallel_loop3A_816 = vector.broadcast %parallel_loop3A_815 : f32 to vector<16xf32>
      %parallel_loop3A_817 = arith.select %parallel_loop3A_814, %parallel_loop3A_806, %parallel_loop3A_816 : vector<16xi1>, vector<16xf32>
      %parallel_loop3A_818 = arith.maximumf %parallel_loop3A_778, %parallel_loop3A_817 : vector<16xf32>
      %parallel_loop3A_819 = arith.constant 32 : i32
      %parallel_loop3A_820 = arith.addi %parallel_loop3A_776, %parallel_loop3A_819 : i32
      %parallel_loop3A_821 = arith.index_cast %parallel_loop3A_820 : i32 to index
      %parallel_loop3A_822 = tpu.vector_load %arg5[%parallel_loop3A_821] {strides = array<i32>} : memref<8192xf32, #tpu.memory_space<vmem>>, vector<16xf32>,
      %parallel_loop3A_823 = vector.shape_cast %parallel_loop3A_822 : vector<16xf32> to vector<16xf32>
      %parallel_loop3A_824 = arith.constant 32 : i32
      %parallel_loop3A_825 = arith.addi %parallel_loop3A_776, %parallel_loop3A_824 : i32
      %parallel_loop3A_826 = arith.index_cast %parallel_loop3A_825 : i32 to index
      %parallel_loop3A_827 = tpu.vector_load %arg7[%parallel_loop3A_826] {strides = array<i32>} : memref<8192xf32, #tpu.memory_space<vmem>>, vector<16xf32>,
      %parallel_loop3A_828 = vector.shape_cast %parallel_loop3A_827 : vector<16xf32> to vector<16xf32>
      %parallel_loop3A_829 = arith.constant 5.000000e-01 : f32
      %parallel_loop3A_830 = vector.broadcast %parallel_loop3A_829 : f32 to vector<16xf32>
      %parallel_loop3A_831 = arith.cmpf oge, %parallel_loop3A_828, %parallel_loop3A_830 : vector<16xf32>
      %parallel_loop3A_832 = arith.constant 0.000000e+00 : f32
      %parallel_loop3A_833 = vector.broadcast %parallel_loop3A_832 : f32 to vector<16xf32>
      %parallel_loop3A_834 = arith.select %parallel_loop3A_831, %parallel_loop3A_823, %parallel_loop3A_833 : vector<16xi1>, vector<16xf32>
      %parallel_loop3A_835 = arith.maximumf %parallel_loop3A_779, %parallel_loop3A_834 : vector<16xf32>
      %parallel_loop3A_836 = arith.constant 48 : i32
      %parallel_loop3A_837 = arith.addi %parallel_loop3A_776, %parallel_loop3A_836 : i32
      %parallel_loop3A_838 = arith.index_cast %parallel_loop3A_837 : i32 to index
      %parallel_loop3A_839 = tpu.vector_load %arg5[%parallel_loop3A_838] {strides = array<i32>} : memref<8192xf32, #tpu.memory_space<vmem>>, vector<16xf32>,
      %parallel_loop3A_840 = vector.shape_cast %parallel_loop3A_839 : vector<16xf32> to vector<16xf32>
      %parallel_loop3A_841 = arith.constant 48 : i32
      %parallel_loop3A_842 = arith.addi %parallel_loop3A_776, %parallel_loop3A_841 : i32
      %parallel_loop3A_843 = arith.index_cast %parallel_loop3A_842 : i32 to index
      %parallel_loop3A_844 = tpu.vector_load %arg7[%parallel_loop3A_843] {strides = array<i32>} : memref<8192xf32, #tpu.memory_space<vmem>>, vector<16xf32>,
      %parallel_loop3A_845 = vector.shape_cast %parallel_loop3A_844 : vector<16xf32> to vector<16xf32>
      %parallel_loop3A_846 = arith.constant 5.000000e-01 : f32
      %parallel_loop3A_847 = vector.broadcast %parallel_loop3A_846 : f32 to vector<16xf32>
      %parallel_loop3A_848 = arith.cmpf oge, %parallel_loop3A_845, %parallel_loop3A_847 : vector<16xf32>
      %parallel_loop3A_849 = arith.constant 0.000000e+00 : f32
      %parallel_loop3A_850 = vector.broadcast %parallel_loop3A_849 : f32 to vector<16xf32>
      %parallel_loop3A_851 = arith.select %parallel_loop3A_848, %parallel_loop3A_840, %parallel_loop3A_850 : vector<16xi1>, vector<16xf32>
      %parallel_loop3A_852 = arith.maximumf %parallel_loop3A_780, %parallel_loop3A_851 : vector<16xf32>
      %parallel_loop3A_853 = arith.constant 64 : i32
      %parallel_loop3A_854 = arith.addi %parallel_loop3A_776, %parallel_loop3A_853 : i32
      %parallel_loop3A_855 = arith.index_cast %parallel_loop3A_854 : i32 to index
      %parallel_loop3A_856 = tpu.vector_load %arg5[%parallel_loop3A_855] {strides = array<i32>} : memref<8192xf32, #tpu.memory_space<vmem>>, vector<16xf32>,
      %parallel_loop3A_857 = vector.shape_cast %parallel_loop3A_856 : vector<16xf32> to vector<16xf32>
      %parallel_loop3A_858 = arith.constant 64 : i32
      %parallel_loop3A_859 = arith.addi %parallel_loop3A_776, %parallel_loop3A_858 : i32
      %parallel_loop3A_860 = arith.index_cast %parallel_loop3A_859 : i32 to index
      %parallel_loop3A_861 = tpu.vector_load %arg7[%parallel_loop3A_860] {strides = array<i32>} : memref<8192xf32, #tpu.memory_space<vmem>>, vector<16xf32>,
      %parallel_loop3A_862 = vector.shape_cast %parallel_loop3A_861 : vector<16xf32> to vector<16xf32>
      %parallel_loop3A_863 = arith.constant 5.000000e-01 : f32
      %parallel_loop3A_864 = vector.broadcast %parallel_loop3A_863 : f32 to vector<16xf32>
      %parallel_loop3A_865 = arith.cmpf oge, %parallel_loop3A_862, %parallel_loop3A_864 : vector<16xf32>
      %parallel_loop3A_866 = arith.constant 0.000000e+00 : f32
      %parallel_loop3A_867 = vector.broadcast %parallel_loop3A_866 : f32 to vector<16xf32>
      %parallel_loop3A_868 = arith.select %parallel_loop3A_865, %parallel_loop3A_857, %parallel_loop3A_867 : vector<16xi1>, vector<16xf32>
      %parallel_loop3A_869 = arith.maximumf %parallel_loop3A_781, %parallel_loop3A_868 : vector<16xf32>
      %parallel_loop3A_870 = arith.constant 80 : i32
      %parallel_loop3A_871 = arith.addi %parallel_loop3A_776, %parallel_loop3A_870 : i32
      %parallel_loop3A_872 = arith.index_cast %parallel_loop3A_871 : i32 to index
      %parallel_loop3A_873 = tpu.vector_load %arg5[%parallel_loop3A_872] {strides = array<i32>} : memref<8192xf32, #tpu.memory_space<vmem>>, vector<16xf32>,
      %parallel_loop3A_874 = vector.shape_cast %parallel_loop3A_873 : vector<16xf32> to vector<16xf32>
      %parallel_loop3A_875 = arith.constant 80 : i32
      %parallel_loop3A_876 = arith.addi %parallel_loop3A_776, %parallel_loop3A_875 : i32
      %parallel_loop3A_877 = arith.index_cast %parallel_loop3A_876 : i32 to index
      %parallel_loop3A_878 = tpu.vector_load %arg7[%parallel_loop3A_877] {strides = array<i32>} : memref<8192xf32, #tpu.memory_space<vmem>>, vector<16xf32>,
      %parallel_loop3A_879 = vector.shape_cast %parallel_loop3A_878 : vector<16xf32> to vector<16xf32>
      %parallel_loop3A_880 = arith.constant 5.000000e-01 : f32
      %parallel_loop3A_881 = vector.broadcast %parallel_loop3A_880 : f32 to vector<16xf32>
      %parallel_loop3A_882 = arith.cmpf oge, %parallel_loop3A_879, %parallel_loop3A_881 : vector<16xf32>
      %parallel_loop3A_883 = arith.constant 0.000000e+00 : f32
      %parallel_loop3A_884 = vector.broadcast %parallel_loop3A_883 : f32 to vector<16xf32>
      %parallel_loop3A_885 = arith.select %parallel_loop3A_882, %parallel_loop3A_874, %parallel_loop3A_884 : vector<16xi1>, vector<16xf32>
      %parallel_loop3A_886 = arith.maximumf %parallel_loop3A_782, %parallel_loop3A_885 : vector<16xf32>
      %parallel_loop3A_887 = arith.constant 96 : i32
      %parallel_loop3A_888 = arith.addi %parallel_loop3A_776, %parallel_loop3A_887 : i32
      %parallel_loop3A_889 = arith.index_cast %parallel_loop3A_888 : i32 to index
      %parallel_loop3A_890 = tpu.vector_load %arg5[%parallel_loop3A_889] {strides = array<i32>} : memref<8192xf32, #tpu.memory_space<vmem>>, vector<16xf32>,
      %parallel_loop3A_891 = vector.shape_cast %parallel_loop3A_890 : vector<16xf32> to vector<16xf32>
      %parallel_loop3A_892 = arith.constant 96 : i32
      %parallel_loop3A_893 = arith.addi %parallel_loop3A_776, %parallel_loop3A_892 : i32
      %parallel_loop3A_894 = arith.index_cast %parallel_loop3A_893 : i32 to index
      %parallel_loop3A_895 = tpu.vector_load %arg7[%parallel_loop3A_894] {strides = array<i32>} : memref<8192xf32, #tpu.memory_space<vmem>>, vector<16xf32>,
      %parallel_loop3A_896 = vector.shape_cast %parallel_loop3A_895 : vector<16xf32> to vector<16xf32>
      %parallel_loop3A_897 = arith.constant 5.000000e-01 : f32
      %parallel_loop3A_898 = vector.broadcast %parallel_loop3A_897 : f32 to vector<16xf32>
      %parallel_loop3A_899 = arith.cmpf oge, %parallel_loop3A_896, %parallel_loop3A_898 : vector<16xf32>
      %parallel_loop3A_900 = arith.constant 0.000000e+00 : f32
      %parallel_loop3A_901 = vector.broadcast %parallel_loop3A_900 : f32 to vector<16xf32>
      %parallel_loop3A_902 = arith.select %parallel_loop3A_899, %parallel_loop3A_891, %parallel_loop3A_901 : vector<16xi1>, vector<16xf32>
      %parallel_loop3A_903 = arith.maximumf %parallel_loop3A_783, %parallel_loop3A_902 : vector<16xf32>
      %parallel_loop3A_904 = arith.constant 112 : i32
      %parallel_loop3A_905 = arith.addi %parallel_loop3A_776, %parallel_loop3A_904 : i32
      %parallel_loop3A_906 = arith.index_cast %parallel_loop3A_905 : i32 to index
      %parallel_loop3A_907 = tpu.vector_load %arg5[%parallel_loop3A_906] {strides = array<i32>} : memref<8192xf32, #tpu.memory_space<vmem>>, vector<16xf32>,
      %parallel_loop3A_908 = vector.shape_cast %parallel_loop3A_907 : vector<16xf32> to vector<16xf32>
      %parallel_loop3A_909 = arith.constant 112 : i32
      %parallel_loop3A_910 = arith.addi %parallel_loop3A_776, %parallel_loop3A_909 : i32
      %parallel_loop3A_911 = arith.index_cast %parallel_loop3A_910 : i32 to index
      %parallel_loop3A_912 = tpu.vector_load %arg7[%parallel_loop3A_911] {strides = array<i32>} : memref<8192xf32, #tpu.memory_space<vmem>>, vector<16xf32>,
      %parallel_loop3A_913 = vector.shape_cast %parallel_loop3A_912 : vector<16xf32> to vector<16xf32>
      %parallel_loop3A_914 = arith.constant 5.000000e-01 : f32
      %parallel_loop3A_915 = vector.broadcast %parallel_loop3A_914 : f32 to vector<16xf32>
      %parallel_loop3A_916 = arith.cmpf oge, %parallel_loop3A_913, %parallel_loop3A_915 : vector<16xf32>
      %parallel_loop3A_917 = arith.constant 0.000000e+00 : f32
      %parallel_loop3A_918 = vector.broadcast %parallel_loop3A_917 : f32 to vector<16xf32>
      %parallel_loop3A_919 = arith.select %parallel_loop3A_916, %parallel_loop3A_908, %parallel_loop3A_918 : vector<16xi1>, vector<16xf32>
      %parallel_loop3A_920 = arith.maximumf %parallel_loop3A_784, %parallel_loop3A_919 : vector<16xf32>
      scf.yield %parallel_loop3A_801, %parallel_loop3A_818, %parallel_loop3A_835, %parallel_loop3A_852, %parallel_loop3A_869, %parallel_loop3A_886, %parallel_loop3A_903, %parallel_loop3A_920 : vector<16xf32>, vector<16xf32>, vector<16xf32>, vector<16xf32>, vector<16xf32>, vector<16xf32>, vector<16xf32>, vector<16xf32>
    } {sc.loop_unroll_factor = 4 : i64, sc.parallel_access}
    %add3A_125 = arith.constant 0 : i32
    %add3A_126 = arith.addi %mul3A_2, %add3A_125 : i32
    %add3A_127 = arith.constant 2 : i32
    %add3A_128 = arith.addi %add3A_126, %add3A_127 : i32
    %jit3A_129 = arith.constant 4 : i32
    %div3A_130 = arith.divsi %add3A_128, %jit3A_129 : i32
    %sign3A_131 = arith.constant 0 : i32
    %sign3A_132 = arith.cmpi sgt, %add3A_128, %sign3A_131 : i32
    %sign3A_133 = arith.extui %sign3A_132 : i1 to i32
    %sign3A_134 = arith.constant 0 : i32
    %sign3A_135 = arith.cmpi slt, %add3A_128, %sign3A_134 : i32
    %sign3A_136 = arith.extui %sign3A_135 : i1 to i32
    %sign3A_137 = arith.subi %sign3A_133, %sign3A_136 : i32
    %sign3A_138 = arith.constant 0 : i32
    %sign3A_139 = arith.cmpi sgt, %jit3A_129, %sign3A_138 : i32
    %sign3A_140 = arith.extui %sign3A_139 : i1 to i32
    %sign3A_141 = arith.constant 0 : i32
    %sign3A_142 = arith.cmpi slt, %jit3A_129, %sign3A_141 : i32
    %sign3A_143 = arith.extui %sign3A_142 : i1 to i32
    %sign3A_144 = arith.subi %sign3A_140, %sign3A_143 : i32
    %ne3A_145 = arith.cmpi ne, %sign3A_137, %sign3A_144 : i32
    %rem3A_146 = arith.remsi %add3A_128, %jit3A_129 : i32
    %ne3A_147 = arith.constant 0 : i32
    %ne3A_148 = arith.cmpi ne, %rem3A_146, %ne3A_147 : i32
    %and3A_149 = arith.andi %ne3A_145, %ne3A_148 : i1
    %sub3A_150 = arith.constant 1 : i32
    %sub3A_151 = arith.subi %div3A_130, %sub3A_150 : i32
    %select_n3A_152 = arith.select %and3A_149, %sub3A_151, %div3A_130 : i32
    %jit3A_153 = arith.constant 4 : i32
    %eq3A_154 = arith.constant 0 : i32
    %eq3A_155 = arith.cmpi eq, %jit3A_153, %eq3A_154 : i32
    %jit3A_156 = arith.constant 1 : i32
    %select_n3A_157 = arith.select %eq3A_155, %jit3A_156, %jit3A_153 : i32
    %rem3A_158 = arith.remsi %add3A_128, %select_n3A_157 : i32
    %ne3A_159 = arith.constant 0 : i32
    %ne3A_160 = arith.cmpi ne, %rem3A_158, %ne3A_159 : i32
    %lt3A_161 = arith.constant 0 : i32
    %lt3A_162 = arith.cmpi slt, %rem3A_158, %lt3A_161 : i32
    %lt3A_163 = arith.constant 0 : i32
    %lt3A_164 = arith.cmpi slt, %select_n3A_157, %lt3A_163 : i32
    %ne3A_165 = arith.xori %lt3A_162, %lt3A_164 : i1
    %and3A_166 = arith.andi %ne3A_165, %ne3A_160 : i1
    %add3A_167 = arith.addi %rem3A_158, %select_n3A_157 : i32
    %select_n3A_168 = arith.select %and3A_166, %add3A_167, %rem3A_158 : i32
    %mul3A_169 = arith.constant 8192 : i32
    %mul3A_170 = arith.muli %select_n3A_168, %mul3A_169 : i32
    %dma_start3A_171 = tpu.memref_slice %arg2[%select_n3A_152, %mul3A_170] : memref<128x32768xf32, #tpu.memory_space<hbm>> -> memref<1x8192xf32, #tpu.memory_space<hbm>>
    %dma_start3A_172 = tpu.memref_squeeze %dma_start3A_171 : memref<1x8192xf32, #tpu.memory_space<hbm>> -> memref<8192xf32, #tpu.memory_space<hbm>>
    %dma_start3A_173 = tpu.memref_slice %arg2[%select_n3A_152, %mul3A_170] : memref<128x32768xf32, #tpu.memory_space<hbm>> -> memref<1x8192xf32, #tpu.memory_space<hbm>>
    %dma_start3A_174 = tpu.memref_squeeze %dma_start3A_173 : memref<1x8192xf32, #tpu.memory_space<hbm>> -> memref<8192xf32, #tpu.memory_space<hbm>>
    tpu.enqueue_dma source(%dma_start3A_174 : memref<8192xf32, #tpu.memory_space<hbm>>) target(%arg5 : memref<8192xf32, #tpu.memory_space<vmem>>) target_semaphore(%arg10 : memref<!tpu.dma_semaphore, #tpu.memory_space<semaphore_mem>>)
    %dma_start3A_175 = tpu.memref_slice %arg3[%select_n3A_152, %mul3A_170] : memref<128x32768xf32, #tpu.memory_space<hbm>> -> memref<1x8192xf32, #tpu.memory_space<hbm>>
    %dma_start3A_176 = tpu.memref_squeeze %dma_start3A_175 : memref<1x8192xf32, #tpu.memory_space<hbm>> -> memref<8192xf32, #tpu.memory_space<hbm>>
    %dma_start3A_177 = tpu.memref_slice %arg3[%select_n3A_152, %mul3A_170] : memref<128x32768xf32, #tpu.memory_space<hbm>> -> memref<1x8192xf32, #tpu.memory_space<hbm>>
    %dma_start3A_178 = tpu.memref_squeeze %dma_start3A_177 : memref<1x8192xf32, #tpu.memory_space<hbm>> -> memref<8192xf32, #tpu.memory_space<hbm>>
    tpu.enqueue_dma source(%dma_start3A_178 : memref<8192xf32, #tpu.memory_space<hbm>>) target(%arg7 : memref<8192xf32, #tpu.memory_space<vmem>>) target_semaphore(%arg12 : memref<!tpu.dma_semaphore, #tpu.memory_space<semaphore_mem>>)
    %max3A = arith.maximumf %parallel_loop3A_124#0, %parallel_loop3A_124#1 : vector<16xf32>
    %max3A_179 = arith.maximumf %max3A, %parallel_loop3A_124#2 : vector<16xf32>
    %max3A_180 = arith.maximumf %max3A_179, %parallel_loop3A_124#3 : vector<16xf32>
    %max3A_181 = arith.maximumf %max3A_180, %parallel_loop3A_124#4 : vector<16xf32>
    %max3A_182 = arith.maximumf %max3A_181, %parallel_loop3A_124#5 : vector<16xf32>
    %max3A_183 = arith.maximumf %max3A_182, %parallel_loop3A_124#6 : vector<16xf32>
    %max3A_184 = arith.maximumf %max3A_183, %parallel_loop3A_124#7 : vector<16xf32>
    %swap3A = arith.constant 0 : i32
    %swap3A_185 = arith.index_cast %swap3A : i32 to index
    %swap3A_186 = arith.constant 0 : index
    %swap3A_187 = tpu.vector_load %arg9[%swap3A_185, %swap3A_186] {strides = array<i32>} : memref<6x16xf32, #tpu.memory_space<vmem>>, vector<1x16xf32>,
    %swap3A_188 = vector.shape_cast %swap3A_187 : vector<1x16xf32> to vector<16xf32>
    %swap3A_189 = vector.shape_cast %max3A_184 : vector<16xf32> to vector<1x16xf32>
    tpu.vector_store %arg9[%swap3A_185, %swap3A_186], %swap3A_189 {strides = array<i32>} : memref<6x16xf32, #tpu.memory_space<vmem>>, vector<1x16xf32>,
    %dma_wait3A_190 = arith.constant 0 : i32
    %dma_wait3A_191 = arith.constant 0 : i32
    %dma_wait3A_192 = tpu.memref_slice %arg2[%dma_wait3A_190, %dma_wait3A_191] : memref<128x32768xf32, #tpu.memory_space<hbm>> -> memref<1x8192xf32, #tpu.memory_space<hbm>>
    %dma_wait3A_193 = tpu.memref_squeeze %dma_wait3A_192 : memref<1x8192xf32, #tpu.memory_space<hbm>> -> memref<8192xf32, #tpu.memory_space<hbm>>
    %dma_wait3A_194 = arith.constant 0 : i32
    %dma_wait3A_195 = tpu.memref_slice %arg2[%dma_wait3A_190, %dma_wait3A_194] : memref<128x32768xf32, #tpu.memory_space<hbm>> -> memref<1x8192xf32, #tpu.memory_space<hbm>>
    %dma_wait3A_196 = tpu.memref_squeeze %dma_wait3A_195 : memref<1x8192xf32, #tpu.memory_space<hbm>> -> memref<8192xf32, #tpu.memory_space<hbm>>
    tpu.wait_dma2 semaphore(%arg11 : memref<!tpu.dma_semaphore, #tpu.memory_space<semaphore_mem>>) src(%dma_wait3A_196 : memref<8192xf32, #tpu.memory_space<hbm>>) dst(%arg6 : memref<8192xf32, #tpu.memory_space<vmem>>)
    %dma_wait3A_197 = arith.constant 0 : i32
    %dma_wait3A_198 = arith.constant 0 : i32
    %dma_wait3A_199 = tpu.memref_slice %arg3[%dma_wait3A_197, %dma_wait3A_198] : memref<128x32768xf32, #tpu.memory_space<hbm>> -> memref<1x8192xf32, #tpu.memory_space<hbm>>
    %dma_wait3A_200 = tpu.memref_squeeze %dma_wait3A_199 : memref<1x8192xf32, #tpu.memory_space<hbm>> -> memref<8192xf32, #tpu.memory_space<hbm>>
    %dma_wait3A_201 = arith.constant 0 : i32
    %dma_wait3A_202 = tpu.memref_slice %arg3[%dma_wait3A_197, %dma_wait3A_201] : memref<128x32768xf32, #tpu.memory_space<hbm>> -> memref<1x8192xf32, #tpu.memory_space<hbm>>
    %dma_wait3A_203 = tpu.memref_squeeze %dma_wait3A_202 : memref<1x8192xf32, #tpu.memory_space<hbm>> -> memref<8192xf32, #tpu.memory_space<hbm>>
    tpu.wait_dma2 semaphore(%arg13 : memref<!tpu.dma_semaphore, #tpu.memory_space<semaphore_mem>>) src(%dma_wait3A_203 : memref<8192xf32, #tpu.memory_space<hbm>>) dst(%arg8 : memref<8192xf32, #tpu.memory_space<vmem>>)
    %parallel_loop3A_204 = arith.constant 0 : i32
    %parallel_loop3A_205 = arith.constant 8192 : i32
    %parallel_loop3A_206 = arith.constant 128 : i32
    %parallel_loop3A_207:8 = scf.for %parallel_loop3A_776 = %parallel_loop3A_204 to %parallel_loop3A_205 step %parallel_loop3A_206 iter_args(%parallel_loop3A_777 = %broadcast_in_dim3A_3, %parallel_loop3A_778 = %broadcast_in_dim3A_5, %parallel_loop3A_779 = %broadcast_in_dim3A_7, %parallel_loop3A_780 = %broadcast_in_dim3A_9, %parallel_loop3A_781 = %broadcast_in_dim3A_11, %parallel_loop3A_782 = %broadcast_in_dim3A_13, %parallel_loop3A_783 = %broadcast_in_dim3A_15, %parallel_loop3A_784 = %broadcast_in_dim3A_17) -> (vector<16xf32>, vector<16xf32>, vector<16xf32>, vector<16xf32>, vector<16xf32>, vector<16xf32>, vector<16xf32>, vector<16xf32>)  : i32 {
      %parallel_loop3A_785 = arith.constant 0 : i32
      %parallel_loop3A_786 = arith.addi %parallel_loop3A_776, %parallel_loop3A_785 : i32
      %parallel_loop3A_787 = arith.index_cast %parallel_loop3A_786 : i32 to index
      %parallel_loop3A_788 = tpu.vector_load %arg6[%parallel_loop3A_787] {strides = array<i32>} : memref<8192xf32, #tpu.memory_space<vmem>>, vector<16xf32>,
      %parallel_loop3A_789 = vector.shape_cast %parallel_loop3A_788 : vector<16xf32> to vector<16xf32>
      %parallel_loop3A_790 = arith.constant 0 : i32
      %parallel_loop3A_791 = arith.addi %parallel_loop3A_776, %parallel_loop3A_790 : i32
      %parallel_loop3A_792 = arith.index_cast %parallel_loop3A_791 : i32 to index
      %parallel_loop3A_793 = tpu.vector_load %arg8[%parallel_loop3A_792] {strides = array<i32>} : memref<8192xf32, #tpu.memory_space<vmem>>, vector<16xf32>,
      %parallel_loop3A_794 = vector.shape_cast %parallel_loop3A_793 : vector<16xf32> to vector<16xf32>
      %parallel_loop3A_795 = arith.constant 5.000000e-01 : f32
      %parallel_loop3A_796 = vector.broadcast %parallel_loop3A_795 : f32 to vector<16xf32>
      %parallel_loop3A_797 = arith.cmpf oge, %parallel_loop3A_794, %parallel_loop3A_796 : vector<16xf32>
      %parallel_loop3A_798 = arith.constant 0.000000e+00 : f32
      %parallel_loop3A_799 = vector.broadcast %parallel_loop3A_798 : f32 to vector<16xf32>
      %parallel_loop3A_800 = arith.select %parallel_loop3A_797, %parallel_loop3A_789, %parallel_loop3A_799 : vector<16xi1>, vector<16xf32>
      %parallel_loop3A_801 = arith.maximumf %parallel_loop3A_777, %parallel_loop3A_800 : vector<16xf32>
      %parallel_loop3A_802 = arith.constant 16 : i32
      %parallel_loop3A_803 = arith.addi %parallel_loop3A_776, %parallel_loop3A_802 : i32
      %parallel_loop3A_804 = arith.index_cast %parallel_loop3A_803 : i32 to index
      %parallel_loop3A_805 = tpu.vector_load %arg6[%parallel_loop3A_804] {strides = array<i32>} : memref<8192xf32, #tpu.memory_space<vmem>>, vector<16xf32>,
      %parallel_loop3A_806 = vector.shape_cast %parallel_loop3A_805 : vector<16xf32> to vector<16xf32>
      %parallel_loop3A_807 = arith.constant 16 : i32
      %parallel_loop3A_808 = arith.addi %parallel_loop3A_776, %parallel_loop3A_807 : i32
      %parallel_loop3A_809 = arith.index_cast %parallel_loop3A_808 : i32 to index
      %parallel_loop3A_810 = tpu.vector_load %arg8[%parallel_loop3A_809] {strides = array<i32>} : memref<8192xf32, #tpu.memory_space<vmem>>, vector<16xf32>,
      %parallel_loop3A_811 = vector.shape_cast %parallel_loop3A_810 : vector<16xf32> to vector<16xf32>
      %parallel_loop3A_812 = arith.constant 5.000000e-01 : f32
      %parallel_loop3A_813 = vector.broadcast %parallel_loop3A_812 : f32 to vector<16xf32>
      %parallel_loop3A_814 = arith.cmpf oge, %parallel_loop3A_811, %parallel_loop3A_813 : vector<16xf32>
      %parallel_loop3A_815 = arith.constant 0.000000e+00 : f32
      %parallel_loop3A_816 = vector.broadcast %parallel_loop3A_815 : f32 to vector<16xf32>
      %parallel_loop3A_817 = arith.select %parallel_loop3A_814, %parallel_loop3A_806, %parallel_loop3A_816 : vector<16xi1>, vector<16xf32>
      %parallel_loop3A_818 = arith.maximumf %parallel_loop3A_778, %parallel_loop3A_817 : vector<16xf32>
      %parallel_loop3A_819 = arith.constant 32 : i32
      %parallel_loop3A_820 = arith.addi %parallel_loop3A_776, %parallel_loop3A_819 : i32
      %parallel_loop3A_821 = arith.index_cast %parallel_loop3A_820 : i32 to index
      %parallel_loop3A_822 = tpu.vector_load %arg6[%parallel_loop3A_821] {strides = array<i32>} : memref<8192xf32, #tpu.memory_space<vmem>>, vector<16xf32>,
      %parallel_loop3A_823 = vector.shape_cast %parallel_loop3A_822 : vector<16xf32> to vector<16xf32>
      %parallel_loop3A_824 = arith.constant 32 : i32
      %parallel_loop3A_825 = arith.addi %parallel_loop3A_776, %parallel_loop3A_824 : i32
      %parallel_loop3A_826 = arith.index_cast %parallel_loop3A_825 : i32 to index
      %parallel_loop3A_827 = tpu.vector_load %arg8[%parallel_loop3A_826] {strides = array<i32>} : memref<8192xf32, #tpu.memory_space<vmem>>, vector<16xf32>,
      %parallel_loop3A_828 = vector.shape_cast %parallel_loop3A_827 : vector<16xf32> to vector<16xf32>
      %parallel_loop3A_829 = arith.constant 5.000000e-01 : f32
      %parallel_loop3A_830 = vector.broadcast %parallel_loop3A_829 : f32 to vector<16xf32>
      %parallel_loop3A_831 = arith.cmpf oge, %parallel_loop3A_828, %parallel_loop3A_830 : vector<16xf32>
      %parallel_loop3A_832 = arith.constant 0.000000e+00 : f32
      %parallel_loop3A_833 = vector.broadcast %parallel_loop3A_832 : f32 to vector<16xf32>
      %parallel_loop3A_834 = arith.select %parallel_loop3A_831, %parallel_loop3A_823, %parallel_loop3A_833 : vector<16xi1>, vector<16xf32>
      %parallel_loop3A_835 = arith.maximumf %parallel_loop3A_779, %parallel_loop3A_834 : vector<16xf32>
      %parallel_loop3A_836 = arith.constant 48 : i32
      %parallel_loop3A_837 = arith.addi %parallel_loop3A_776, %parallel_loop3A_836 : i32
      %parallel_loop3A_838 = arith.index_cast %parallel_loop3A_837 : i32 to index
      %parallel_loop3A_839 = tpu.vector_load %arg6[%parallel_loop3A_838] {strides = array<i32>} : memref<8192xf32, #tpu.memory_space<vmem>>, vector<16xf32>,
      %parallel_loop3A_840 = vector.shape_cast %parallel_loop3A_839 : vector<16xf32> to vector<16xf32>
      %parallel_loop3A_841 = arith.constant 48 : i32
      %parallel_loop3A_842 = arith.addi %parallel_loop3A_776, %parallel_loop3A_841 : i32
      %parallel_loop3A_843 = arith.index_cast %parallel_loop3A_842 : i32 to index
      %parallel_loop3A_844 = tpu.vector_load %arg8[%parallel_loop3A_843] {strides = array<i32>} : memref<8192xf32, #tpu.memory_space<vmem>>, vector<16xf32>,
      %parallel_loop3A_845 = vector.shape_cast %parallel_loop3A_844 : vector<16xf32> to vector<16xf32>
      %parallel_loop3A_846 = arith.constant 5.000000e-01 : f32
      %parallel_loop3A_847 = vector.broadcast %parallel_loop3A_846 : f32 to vector<16xf32>
      %parallel_loop3A_848 = arith.cmpf oge, %parallel_loop3A_845, %parallel_loop3A_847 : vector<16xf32>
      %parallel_loop3A_849 = arith.constant 0.000000e+00 : f32
      %parallel_loop3A_850 = vector.broadcast %parallel_loop3A_849 : f32 to vector<16xf32>
      %parallel_loop3A_851 = arith.select %parallel_loop3A_848, %parallel_loop3A_840, %parallel_loop3A_850 : vector<16xi1>, vector<16xf32>
      %parallel_loop3A_852 = arith.maximumf %parallel_loop3A_780, %parallel_loop3A_851 : vector<16xf32>
      %parallel_loop3A_853 = arith.constant 64 : i32
      %parallel_loop3A_854 = arith.addi %parallel_loop3A_776, %parallel_loop3A_853 : i32
      %parallel_loop3A_855 = arith.index_cast %parallel_loop3A_854 : i32 to index
      %parallel_loop3A_856 = tpu.vector_load %arg6[%parallel_loop3A_855] {strides = array<i32>} : memref<8192xf32, #tpu.memory_space<vmem>>, vector<16xf32>,
      %parallel_loop3A_857 = vector.shape_cast %parallel_loop3A_856 : vector<16xf32> to vector<16xf32>
      %parallel_loop3A_858 = arith.constant 64 : i32
      %parallel_loop3A_859 = arith.addi %parallel_loop3A_776, %parallel_loop3A_858 : i32
      %parallel_loop3A_860 = arith.index_cast %parallel_loop3A_859 : i32 to index
      %parallel_loop3A_861 = tpu.vector_load %arg8[%parallel_loop3A_860] {strides = array<i32>} : memref<8192xf32, #tpu.memory_space<vmem>>, vector<16xf32>,
      %parallel_loop3A_862 = vector.shape_cast %parallel_loop3A_861 : vector<16xf32> to vector<16xf32>
      %parallel_loop3A_863 = arith.constant 5.000000e-01 : f32
      %parallel_loop3A_864 = vector.broadcast %parallel_loop3A_863 : f32 to vector<16xf32>
      %parallel_loop3A_865 = arith.cmpf oge, %parallel_loop3A_862, %parallel_loop3A_864 : vector<16xf32>
      %parallel_loop3A_866 = arith.constant 0.000000e+00 : f32
      %parallel_loop3A_867 = vector.broadcast %parallel_loop3A_866 : f32 to vector<16xf32>
      %parallel_loop3A_868 = arith.select %parallel_loop3A_865, %parallel_loop3A_857, %parallel_loop3A_867 : vector<16xi1>, vector<16xf32>
      %parallel_loop3A_869 = arith.maximumf %parallel_loop3A_781, %parallel_loop3A_868 : vector<16xf32>
      %parallel_loop3A_870 = arith.constant 80 : i32
      %parallel_loop3A_871 = arith.addi %parallel_loop3A_776, %parallel_loop3A_870 : i32
      %parallel_loop3A_872 = arith.index_cast %parallel_loop3A_871 : i32 to index
      %parallel_loop3A_873 = tpu.vector_load %arg6[%parallel_loop3A_872] {strides = array<i32>} : memref<8192xf32, #tpu.memory_space<vmem>>, vector<16xf32>,
      %parallel_loop3A_874 = vector.shape_cast %parallel_loop3A_873 : vector<16xf32> to vector<16xf32>
      %parallel_loop3A_875 = arith.constant 80 : i32
      %parallel_loop3A_876 = arith.addi %parallel_loop3A_776, %parallel_loop3A_875 : i32
      %parallel_loop3A_877 = arith.index_cast %parallel_loop3A_876 : i32 to index
      %parallel_loop3A_878 = tpu.vector_load %arg8[%parallel_loop3A_877] {strides = array<i32>} : memref<8192xf32, #tpu.memory_space<vmem>>, vector<16xf32>,
      %parallel_loop3A_879 = vector.shape_cast %parallel_loop3A_878 : vector<16xf32> to vector<16xf32>
      %parallel_loop3A_880 = arith.constant 5.000000e-01 : f32
      %parallel_loop3A_881 = vector.broadcast %parallel_loop3A_880 : f32 to vector<16xf32>
      %parallel_loop3A_882 = arith.cmpf oge, %parallel_loop3A_879, %parallel_loop3A_881 : vector<16xf32>
      %parallel_loop3A_883 = arith.constant 0.000000e+00 : f32
      %parallel_loop3A_884 = vector.broadcast %parallel_loop3A_883 : f32 to vector<16xf32>
      %parallel_loop3A_885 = arith.select %parallel_loop3A_882, %parallel_loop3A_874, %parallel_loop3A_884 : vector<16xi1>, vector<16xf32>
      %parallel_loop3A_886 = arith.maximumf %parallel_loop3A_782, %parallel_loop3A_885 : vector<16xf32>
      %parallel_loop3A_887 = arith.constant 96 : i32
      %parallel_loop3A_888 = arith.addi %parallel_loop3A_776, %parallel_loop3A_887 : i32
      %parallel_loop3A_889 = arith.index_cast %parallel_loop3A_888 : i32 to index
      %parallel_loop3A_890 = tpu.vector_load %arg6[%parallel_loop3A_889] {strides = array<i32>} : memref<8192xf32, #tpu.memory_space<vmem>>, vector<16xf32>,
      %parallel_loop3A_891 = vector.shape_cast %parallel_loop3A_890 : vector<16xf32> to vector<16xf32>
      %parallel_loop3A_892 = arith.constant 96 : i32
      %parallel_loop3A_893 = arith.addi %parallel_loop3A_776, %parallel_loop3A_892 : i32
      %parallel_loop3A_894 = arith.index_cast %parallel_loop3A_893 : i32 to index
      %parallel_loop3A_895 = tpu.vector_load %arg8[%parallel_loop3A_894] {strides = array<i32>} : memref<8192xf32, #tpu.memory_space<vmem>>, vector<16xf32>,
      %parallel_loop3A_896 = vector.shape_cast %parallel_loop3A_895 : vector<16xf32> to vector<16xf32>
      %parallel_loop3A_897 = arith.constant 5.000000e-01 : f32
      %parallel_loop3A_898 = vector.broadcast %parallel_loop3A_897 : f32 to vector<16xf32>
      %parallel_loop3A_899 = arith.cmpf oge, %parallel_loop3A_896, %parallel_loop3A_898 : vector<16xf32>
      %parallel_loop3A_900 = arith.constant 0.000000e+00 : f32
      %parallel_loop3A_901 = vector.broadcast %parallel_loop3A_900 : f32 to vector<16xf32>
      %parallel_loop3A_902 = arith.select %parallel_loop3A_899, %parallel_loop3A_891, %parallel_loop3A_901 : vector<16xi1>, vector<16xf32>
      %parallel_loop3A_903 = arith.maximumf %parallel_loop3A_783, %parallel_loop3A_902 : vector<16xf32>
      %parallel_loop3A_904 = arith.constant 112 : i32
      %parallel_loop3A_905 = arith.addi %parallel_loop3A_776, %parallel_loop3A_904 : i32
      %parallel_loop3A_906 = arith.index_cast %parallel_loop3A_905 : i32 to index
      %parallel_loop3A_907 = tpu.vector_load %arg6[%parallel_loop3A_906] {strides = array<i32>} : memref<8192xf32, #tpu.memory_space<vmem>>, vector<16xf32>,
      %parallel_loop3A_908 = vector.shape_cast %parallel_loop3A_907 : vector<16xf32> to vector<16xf32>
      %parallel_loop3A_909 = arith.constant 112 : i32
      %parallel_loop3A_910 = arith.addi %parallel_loop3A_776, %parallel_loop3A_909 : i32
      %parallel_loop3A_911 = arith.index_cast %parallel_loop3A_910 : i32 to index
      %parallel_loop3A_912 = tpu.vector_load %arg8[%parallel_loop3A_911] {strides = array<i32>} : memref<8192xf32, #tpu.memory_space<vmem>>, vector<16xf32>,
      %parallel_loop3A_913 = vector.shape_cast %parallel_loop3A_912 : vector<16xf32> to vector<16xf32>
      %parallel_loop3A_914 = arith.constant 5.000000e-01 : f32
      %parallel_loop3A_915 = vector.broadcast %parallel_loop3A_914 : f32 to vector<16xf32>
      %parallel_loop3A_916 = arith.cmpf oge, %parallel_loop3A_913, %parallel_loop3A_915 : vector<16xf32>
      %parallel_loop3A_917 = arith.constant 0.000000e+00 : f32
      %parallel_loop3A_918 = vector.broadcast %parallel_loop3A_917 : f32 to vector<16xf32>
      %parallel_loop3A_919 = arith.select %parallel_loop3A_916, %parallel_loop3A_908, %parallel_loop3A_918 : vector<16xi1>, vector<16xf32>
      %parallel_loop3A_920 = arith.maximumf %parallel_loop3A_784, %parallel_loop3A_919 : vector<16xf32>
      scf.yield %parallel_loop3A_801, %parallel_loop3A_818, %parallel_loop3A_835, %parallel_loop3A_852, %parallel_loop3A_869, %parallel_loop3A_886, %parallel_loop3A_903, %parallel_loop3A_920 : vector<16xf32>, vector<16xf32>, vector<16xf32>, vector<16xf32>, vector<16xf32>, vector<16xf32>, vector<16xf32>, vector<16xf32>
    } {sc.loop_unroll_factor = 4 : i64, sc.parallel_access}
    %add3A_208 = arith.constant 1 : i32
    %add3A_209 = arith.addi %mul3A_2, %add3A_208 : i32
    %add3A_210 = arith.constant 2 : i32
    %add3A_211 = arith.addi %add3A_209, %add3A_210 : i32
    %jit3A_212 = arith.constant 4 : i32
    %div3A_213 = arith.divsi %add3A_211, %jit3A_212 : i32
    %sign3A_214 = arith.constant 0 : i32
    %sign3A_215 = arith.cmpi sgt, %add3A_211, %sign3A_214 : i32
    %sign3A_216 = arith.extui %sign3A_215 : i1 to i32
    %sign3A_217 = arith.constant 0 : i32
    %sign3A_218 = arith.cmpi slt, %add3A_211, %sign3A_217 : i32
    %sign3A_219 = arith.extui %sign3A_218 : i1 to i32
    %sign3A_220 = arith.subi %sign3A_216, %sign3A_219 : i32
    %sign3A_221 = arith.constant 0 : i32
    %sign3A_222 = arith.cmpi sgt, %jit3A_212, %sign3A_221 : i32
    %sign3A_223 = arith.extui %sign3A_222 : i1 to i32
    %sign3A_224 = arith.constant 0 : i32
    %sign3A_225 = arith.cmpi slt, %jit3A_212, %sign3A_224 : i32
    %sign3A_226 = arith.extui %sign3A_225 : i1 to i32
    %sign3A_227 = arith.subi %sign3A_223, %sign3A_226 : i32
    %ne3A_228 = arith.cmpi ne, %sign3A_220, %sign3A_227 : i32
    %rem3A_229 = arith.remsi %add3A_211, %jit3A_212 : i32
    %ne3A_230 = arith.constant 0 : i32
    %ne3A_231 = arith.cmpi ne, %rem3A_229, %ne3A_230 : i32
    %and3A_232 = arith.andi %ne3A_228, %ne3A_231 : i1
    %sub3A_233 = arith.constant 1 : i32
    %sub3A_234 = arith.subi %div3A_213, %sub3A_233 : i32
    %select_n3A_235 = arith.select %and3A_232, %sub3A_234, %div3A_213 : i32
    %jit3A_236 = arith.constant 4 : i32
    %eq3A_237 = arith.constant 0 : i32
    %eq3A_238 = arith.cmpi eq, %jit3A_236, %eq3A_237 : i32
    %jit3A_239 = arith.constant 1 : i32
    %select_n3A_240 = arith.select %eq3A_238, %jit3A_239, %jit3A_236 : i32
    %rem3A_241 = arith.remsi %add3A_211, %select_n3A_240 : i32
    %ne3A_242 = arith.constant 0 : i32
    %ne3A_243 = arith.cmpi ne, %rem3A_241, %ne3A_242 : i32
    %lt3A_244 = arith.constant 0 : i32
    %lt3A_245 = arith.cmpi slt, %rem3A_241, %lt3A_244 : i32
    %lt3A_246 = arith.constant 0 : i32
    %lt3A_247 = arith.cmpi slt, %select_n3A_240, %lt3A_246 : i32
    %ne3A_248 = arith.xori %lt3A_245, %lt3A_247 : i1
    %and3A_249 = arith.andi %ne3A_248, %ne3A_243 : i1
    %add3A_250 = arith.addi %rem3A_241, %select_n3A_240 : i32
    %select_n3A_251 = arith.select %and3A_249, %add3A_250, %rem3A_241 : i32
    %mul3A_252 = arith.constant 8192 : i32
    %mul3A_253 = arith.muli %select_n3A_251, %mul3A_252 : i32
    %dma_start3A_254 = tpu.memref_slice %arg2[%select_n3A_235, %mul3A_253] : memref<128x32768xf32, #tpu.memory_space<hbm>> -> memref<1x8192xf32, #tpu.memory_space<hbm>>
    %dma_start3A_255 = tpu.memref_squeeze %dma_start3A_254 : memref<1x8192xf32, #tpu.memory_space<hbm>> -> memref<8192xf32, #tpu.memory_space<hbm>>
    %dma_start3A_256 = tpu.memref_slice %arg2[%select_n3A_235, %mul3A_253] : memref<128x32768xf32, #tpu.memory_space<hbm>> -> memref<1x8192xf32, #tpu.memory_space<hbm>>
    %dma_start3A_257 = tpu.memref_squeeze %dma_start3A_256 : memref<1x8192xf32, #tpu.memory_space<hbm>> -> memref<8192xf32, #tpu.memory_space<hbm>>
    tpu.enqueue_dma source(%dma_start3A_257 : memref<8192xf32, #tpu.memory_space<hbm>>) target(%arg6 : memref<8192xf32, #tpu.memory_space<vmem>>) target_semaphore(%arg11 : memref<!tpu.dma_semaphore, #tpu.memory_space<semaphore_mem>>)
    %dma_start3A_258 = tpu.memref_slice %arg3[%select_n3A_235, %mul3A_253] : memref<128x32768xf32, #tpu.memory_space<hbm>> -> memref<1x8192xf32, #tpu.memory_space<hbm>>
    %dma_start3A_259 = tpu.memref_squeeze %dma_start3A_258 : memref<1x8192xf32, #tpu.memory_space<hbm>> -> memref<8192xf32, #tpu.memory_space<hbm>>
    %dma_start3A_260 = tpu.memref_slice %arg3[%select_n3A_235, %mul3A_253] : memref<128x32768xf32, #tpu.memory_space<hbm>> -> memref<1x8192xf32, #tpu.memory_space<hbm>>
    %dma_start3A_261 = tpu.memref_squeeze %dma_start3A_260 : memref<1x8192xf32, #tpu.memory_space<hbm>> -> memref<8192xf32, #tpu.memory_space<hbm>>
    tpu.enqueue_dma source(%dma_start3A_261 : memref<8192xf32, #tpu.memory_space<hbm>>) target(%arg8 : memref<8192xf32, #tpu.memory_space<vmem>>) target_semaphore(%arg13 : memref<!tpu.dma_semaphore, #tpu.memory_space<semaphore_mem>>)
    %max3A_262 = arith.maximumf %parallel_loop3A_207#0, %parallel_loop3A_207#1 : vector<16xf32>
    %max3A_263 = arith.maximumf %max3A_262, %parallel_loop3A_207#2 : vector<16xf32>
    %max3A_264 = arith.maximumf %max3A_263, %parallel_loop3A_207#3 : vector<16xf32>
    %max3A_265 = arith.maximumf %max3A_264, %parallel_loop3A_207#4 : vector<16xf32>
    %max3A_266 = arith.maximumf %max3A_265, %parallel_loop3A_207#5 : vector<16xf32>
    %max3A_267 = arith.maximumf %max3A_266, %parallel_loop3A_207#6 : vector<16xf32>
    %max3A_268 = arith.maximumf %max3A_267, %parallel_loop3A_207#7 : vector<16xf32>
    %swap3A_269 = arith.constant 1 : i32
    %swap3A_270 = arith.index_cast %swap3A_269 : i32 to index
    %swap3A_271 = arith.constant 0 : index
    %swap3A_272 = tpu.vector_load %arg9[%swap3A_270, %swap3A_271] {strides = array<i32>} : memref<6x16xf32, #tpu.memory_space<vmem>>, vector<1x16xf32>,
    %swap3A_273 = vector.shape_cast %swap3A_272 : vector<1x16xf32> to vector<16xf32>
    %swap3A_274 = vector.shape_cast %max3A_268 : vector<16xf32> to vector<1x16xf32>
    tpu.vector_store %arg9[%swap3A_270, %swap3A_271], %swap3A_274 {strides = array<i32>} : memref<6x16xf32, #tpu.memory_space<vmem>>, vector<1x16xf32>,
    %dma_wait3A_275 = arith.constant 0 : i32
    %dma_wait3A_276 = arith.constant 0 : i32
    %dma_wait3A_277 = tpu.memref_slice %arg2[%dma_wait3A_275, %dma_wait3A_276] : memref<128x32768xf32, #tpu.memory_space<hbm>> -> memref<1x8192xf32, #tpu.memory_space<hbm>>
    %dma_wait3A_278 = tpu.memref_squeeze %dma_wait3A_277 : memref<1x8192xf32, #tpu.memory_space<hbm>> -> memref<8192xf32, #tpu.memory_space<hbm>>
    %dma_wait3A_279 = arith.constant 0 : i32
    %dma_wait3A_280 = tpu.memref_slice %arg2[%dma_wait3A_275, %dma_wait3A_279] : memref<128x32768xf32, #tpu.memory_space<hbm>> -> memref<1x8192xf32, #tpu.memory_space<hbm>>
    %dma_wait3A_281 = tpu.memref_squeeze %dma_wait3A_280 : memref<1x8192xf32, #tpu.memory_space<hbm>> -> memref<8192xf32, #tpu.memory_space<hbm>>
    tpu.wait_dma2 semaphore(%arg10 : memref<!tpu.dma_semaphore, #tpu.memory_space<semaphore_mem>>) src(%dma_wait3A_281 : memref<8192xf32, #tpu.memory_space<hbm>>) dst(%arg5 : memref<8192xf32, #tpu.memory_space<vmem>>)
    %dma_wait3A_282 = arith.constant 0 : i32
    %dma_wait3A_283 = arith.constant 0 : i32
    %dma_wait3A_284 = tpu.memref_slice %arg3[%dma_wait3A_282, %dma_wait3A_283] : memref<128x32768xf32, #tpu.memory_space<hbm>> -> memref<1x8192xf32, #tpu.memory_space<hbm>>
    %dma_wait3A_285 = tpu.memref_squeeze %dma_wait3A_284 : memref<1x8192xf32, #tpu.memory_space<hbm>> -> memref<8192xf32, #tpu.memory_space<hbm>>
    %dma_wait3A_286 = arith.constant 0 : i32
    %dma_wait3A_287 = tpu.memref_slice %arg3[%dma_wait3A_282, %dma_wait3A_286] : memref<128x32768xf32, #tpu.memory_space<hbm>> -> memref<1x8192xf32, #tpu.memory_space<hbm>>
    %dma_wait3A_288 = tpu.memref_squeeze %dma_wait3A_287 : memref<1x8192xf32, #tpu.memory_space<hbm>> -> memref<8192xf32, #tpu.memory_space<hbm>>
    tpu.wait_dma2 semaphore(%arg12 : memref<!tpu.dma_semaphore, #tpu.memory_space<semaphore_mem>>) src(%dma_wait3A_288 : memref<8192xf32, #tpu.memory_space<hbm>>) dst(%arg7 : memref<8192xf32, #tpu.memory_space<vmem>>)
    %parallel_loop3A_289 = arith.constant 0 : i32
    %parallel_loop3A_290 = arith.constant 8192 : i32
    %parallel_loop3A_291 = arith.constant 128 : i32
    %parallel_loop3A_292:8 = scf.for %parallel_loop3A_776 = %parallel_loop3A_289 to %parallel_loop3A_290 step %parallel_loop3A_291 iter_args(%parallel_loop3A_777 = %broadcast_in_dim3A_3, %parallel_loop3A_778 = %broadcast_in_dim3A_5, %parallel_loop3A_779 = %broadcast_in_dim3A_7, %parallel_loop3A_780 = %broadcast_in_dim3A_9, %parallel_loop3A_781 = %broadcast_in_dim3A_11, %parallel_loop3A_782 = %broadcast_in_dim3A_13, %parallel_loop3A_783 = %broadcast_in_dim3A_15, %parallel_loop3A_784 = %broadcast_in_dim3A_17) -> (vector<16xf32>, vector<16xf32>, vector<16xf32>, vector<16xf32>, vector<16xf32>, vector<16xf32>, vector<16xf32>, vector<16xf32>)  : i32 {
      %parallel_loop3A_785 = arith.constant 0 : i32
      %parallel_loop3A_786 = arith.addi %parallel_loop3A_776, %parallel_loop3A_785 : i32
      %parallel_loop3A_787 = arith.index_cast %parallel_loop3A_786 : i32 to index
      %parallel_loop3A_788 = tpu.vector_load %arg5[%parallel_loop3A_787] {strides = array<i32>} : memref<8192xf32, #tpu.memory_space<vmem>>, vector<16xf32>,
      %parallel_loop3A_789 = vector.shape_cast %parallel_loop3A_788 : vector<16xf32> to vector<16xf32>
      %parallel_loop3A_790 = arith.constant 0 : i32
      %parallel_loop3A_791 = arith.addi %parallel_loop3A_776, %parallel_loop3A_790 : i32
      %parallel_loop3A_792 = arith.index_cast %parallel_loop3A_791 : i32 to index
      %parallel_loop3A_793 = tpu.vector_load %arg7[%parallel_loop3A_792] {strides = array<i32>} : memref<8192xf32, #tpu.memory_space<vmem>>, vector<16xf32>,
      %parallel_loop3A_794 = vector.shape_cast %parallel_loop3A_793 : vector<16xf32> to vector<16xf32>
      %parallel_loop3A_795 = arith.constant 5.000000e-01 : f32
      %parallel_loop3A_796 = vector.broadcast %parallel_loop3A_795 : f32 to vector<16xf32>
      %parallel_loop3A_797 = arith.cmpf oge, %parallel_loop3A_794, %parallel_loop3A_796 : vector<16xf32>
      %parallel_loop3A_798 = arith.constant 0.000000e+00 : f32
      %parallel_loop3A_799 = vector.broadcast %parallel_loop3A_798 : f32 to vector<16xf32>
      %parallel_loop3A_800 = arith.select %parallel_loop3A_797, %parallel_loop3A_789, %parallel_loop3A_799 : vector<16xi1>, vector<16xf32>
      %parallel_loop3A_801 = arith.maximumf %parallel_loop3A_777, %parallel_loop3A_800 : vector<16xf32>
      %parallel_loop3A_802 = arith.constant 16 : i32
      %parallel_loop3A_803 = arith.addi %parallel_loop3A_776, %parallel_loop3A_802 : i32
      %parallel_loop3A_804 = arith.index_cast %parallel_loop3A_803 : i32 to index
      %parallel_loop3A_805 = tpu.vector_load %arg5[%parallel_loop3A_804] {strides = array<i32>} : memref<8192xf32, #tpu.memory_space<vmem>>, vector<16xf32>,
      %parallel_loop3A_806 = vector.shape_cast %parallel_loop3A_805 : vector<16xf32> to vector<16xf32>
      %parallel_loop3A_807 = arith.constant 16 : i32
      %parallel_loop3A_808 = arith.addi %parallel_loop3A_776, %parallel_loop3A_807 : i32
      %parallel_loop3A_809 = arith.index_cast %parallel_loop3A_808 : i32 to index
      %parallel_loop3A_810 = tpu.vector_load %arg7[%parallel_loop3A_809] {strides = array<i32>} : memref<8192xf32, #tpu.memory_space<vmem>>, vector<16xf32>,
      %parallel_loop3A_811 = vector.shape_cast %parallel_loop3A_810 : vector<16xf32> to vector<16xf32>
      %parallel_loop3A_812 = arith.constant 5.000000e-01 : f32
      %parallel_loop3A_813 = vector.broadcast %parallel_loop3A_812 : f32 to vector<16xf32>
      %parallel_loop3A_814 = arith.cmpf oge, %parallel_loop3A_811, %parallel_loop3A_813 : vector<16xf32>
      %parallel_loop3A_815 = arith.constant 0.000000e+00 : f32
      %parallel_loop3A_816 = vector.broadcast %parallel_loop3A_815 : f32 to vector<16xf32>
      %parallel_loop3A_817 = arith.select %parallel_loop3A_814, %parallel_loop3A_806, %parallel_loop3A_816 : vector<16xi1>, vector<16xf32>
      %parallel_loop3A_818 = arith.maximumf %parallel_loop3A_778, %parallel_loop3A_817 : vector<16xf32>
      %parallel_loop3A_819 = arith.constant 32 : i32
      %parallel_loop3A_820 = arith.addi %parallel_loop3A_776, %parallel_loop3A_819 : i32
      %parallel_loop3A_821 = arith.index_cast %parallel_loop3A_820 : i32 to index
      %parallel_loop3A_822 = tpu.vector_load %arg5[%parallel_loop3A_821] {strides = array<i32>} : memref<8192xf32, #tpu.memory_space<vmem>>, vector<16xf32>,
      %parallel_loop3A_823 = vector.shape_cast %parallel_loop3A_822 : vector<16xf32> to vector<16xf32>
      %parallel_loop3A_824 = arith.constant 32 : i32
      %parallel_loop3A_825 = arith.addi %parallel_loop3A_776, %parallel_loop3A_824 : i32
      %parallel_loop3A_826 = arith.index_cast %parallel_loop3A_825 : i32 to index
      %parallel_loop3A_827 = tpu.vector_load %arg7[%parallel_loop3A_826] {strides = array<i32>} : memref<8192xf32, #tpu.memory_space<vmem>>, vector<16xf32>,
      %parallel_loop3A_828 = vector.shape_cast %parallel_loop3A_827 : vector<16xf32> to vector<16xf32>
      %parallel_loop3A_829 = arith.constant 5.000000e-01 : f32
      %parallel_loop3A_830 = vector.broadcast %parallel_loop3A_829 : f32 to vector<16xf32>
      %parallel_loop3A_831 = arith.cmpf oge, %parallel_loop3A_828, %parallel_loop3A_830 : vector<16xf32>
      %parallel_loop3A_832 = arith.constant 0.000000e+00 : f32
      %parallel_loop3A_833 = vector.broadcast %parallel_loop3A_832 : f32 to vector<16xf32>
      %parallel_loop3A_834 = arith.select %parallel_loop3A_831, %parallel_loop3A_823, %parallel_loop3A_833 : vector<16xi1>, vector<16xf32>
      %parallel_loop3A_835 = arith.maximumf %parallel_loop3A_779, %parallel_loop3A_834 : vector<16xf32>
      %parallel_loop3A_836 = arith.constant 48 : i32
      %parallel_loop3A_837 = arith.addi %parallel_loop3A_776, %parallel_loop3A_836 : i32
      %parallel_loop3A_838 = arith.index_cast %parallel_loop3A_837 : i32 to index
      %parallel_loop3A_839 = tpu.vector_load %arg5[%parallel_loop3A_838] {strides = array<i32>} : memref<8192xf32, #tpu.memory_space<vmem>>, vector<16xf32>,
      %parallel_loop3A_840 = vector.shape_cast %parallel_loop3A_839 : vector<16xf32> to vector<16xf32>
      %parallel_loop3A_841 = arith.constant 48 : i32
      %parallel_loop3A_842 = arith.addi %parallel_loop3A_776, %parallel_loop3A_841 : i32
      %parallel_loop3A_843 = arith.index_cast %parallel_loop3A_842 : i32 to index
      %parallel_loop3A_844 = tpu.vector_load %arg7[%parallel_loop3A_843] {strides = array<i32>} : memref<8192xf32, #tpu.memory_space<vmem>>, vector<16xf32>,
      %parallel_loop3A_845 = vector.shape_cast %parallel_loop3A_844 : vector<16xf32> to vector<16xf32>
      %parallel_loop3A_846 = arith.constant 5.000000e-01 : f32
      %parallel_loop3A_847 = vector.broadcast %parallel_loop3A_846 : f32 to vector<16xf32>
      %parallel_loop3A_848 = arith.cmpf oge, %parallel_loop3A_845, %parallel_loop3A_847 : vector<16xf32>
      %parallel_loop3A_849 = arith.constant 0.000000e+00 : f32
      %parallel_loop3A_850 = vector.broadcast %parallel_loop3A_849 : f32 to vector<16xf32>
      %parallel_loop3A_851 = arith.select %parallel_loop3A_848, %parallel_loop3A_840, %parallel_loop3A_850 : vector<16xi1>, vector<16xf32>
      %parallel_loop3A_852 = arith.maximumf %parallel_loop3A_780, %parallel_loop3A_851 : vector<16xf32>
      %parallel_loop3A_853 = arith.constant 64 : i32
      %parallel_loop3A_854 = arith.addi %parallel_loop3A_776, %parallel_loop3A_853 : i32
      %parallel_loop3A_855 = arith.index_cast %parallel_loop3A_854 : i32 to index
      %parallel_loop3A_856 = tpu.vector_load %arg5[%parallel_loop3A_855] {strides = array<i32>} : memref<8192xf32, #tpu.memory_space<vmem>>, vector<16xf32>,
      %parallel_loop3A_857 = vector.shape_cast %parallel_loop3A_856 : vector<16xf32> to vector<16xf32>
      %parallel_loop3A_858 = arith.constant 64 : i32
      %parallel_loop3A_859 = arith.addi %parallel_loop3A_776, %parallel_loop3A_858 : i32
      %parallel_loop3A_860 = arith.index_cast %parallel_loop3A_859 : i32 to index
      %parallel_loop3A_861 = tpu.vector_load %arg7[%parallel_loop3A_860] {strides = array<i32>} : memref<8192xf32, #tpu.memory_space<vmem>>, vector<16xf32>,
      %parallel_loop3A_862 = vector.shape_cast %parallel_loop3A_861 : vector<16xf32> to vector<16xf32>
      %parallel_loop3A_863 = arith.constant 5.000000e-01 : f32
      %parallel_loop3A_864 = vector.broadcast %parallel_loop3A_863 : f32 to vector<16xf32>
      %parallel_loop3A_865 = arith.cmpf oge, %parallel_loop3A_862, %parallel_loop3A_864 : vector<16xf32>
      %parallel_loop3A_866 = arith.constant 0.000000e+00 : f32
      %parallel_loop3A_867 = vector.broadcast %parallel_loop3A_866 : f32 to vector<16xf32>
      %parallel_loop3A_868 = arith.select %parallel_loop3A_865, %parallel_loop3A_857, %parallel_loop3A_867 : vector<16xi1>, vector<16xf32>
      %parallel_loop3A_869 = arith.maximumf %parallel_loop3A_781, %parallel_loop3A_868 : vector<16xf32>
      %parallel_loop3A_870 = arith.constant 80 : i32
      %parallel_loop3A_871 = arith.addi %parallel_loop3A_776, %parallel_loop3A_870 : i32
      %parallel_loop3A_872 = arith.index_cast %parallel_loop3A_871 : i32 to index
      %parallel_loop3A_873 = tpu.vector_load %arg5[%parallel_loop3A_872] {strides = array<i32>} : memref<8192xf32, #tpu.memory_space<vmem>>, vector<16xf32>,
      %parallel_loop3A_874 = vector.shape_cast %parallel_loop3A_873 : vector<16xf32> to vector<16xf32>
      %parallel_loop3A_875 = arith.constant 80 : i32
      %parallel_loop3A_876 = arith.addi %parallel_loop3A_776, %parallel_loop3A_875 : i32
      %parallel_loop3A_877 = arith.index_cast %parallel_loop3A_876 : i32 to index
      %parallel_loop3A_878 = tpu.vector_load %arg7[%parallel_loop3A_877] {strides = array<i32>} : memref<8192xf32, #tpu.memory_space<vmem>>, vector<16xf32>,
      %parallel_loop3A_879 = vector.shape_cast %parallel_loop3A_878 : vector<16xf32> to vector<16xf32>
      %parallel_loop3A_880 = arith.constant 5.000000e-01 : f32
      %parallel_loop3A_881 = vector.broadcast %parallel_loop3A_880 : f32 to vector<16xf32>
      %parallel_loop3A_882 = arith.cmpf oge, %parallel_loop3A_879, %parallel_loop3A_881 : vector<16xf32>
      %parallel_loop3A_883 = arith.constant 0.000000e+00 : f32
      %parallel_loop3A_884 = vector.broadcast %parallel_loop3A_883 : f32 to vector<16xf32>
      %parallel_loop3A_885 = arith.select %parallel_loop3A_882, %parallel_loop3A_874, %parallel_loop3A_884 : vector<16xi1>, vector<16xf32>
      %parallel_loop3A_886 = arith.maximumf %parallel_loop3A_782, %parallel_loop3A_885 : vector<16xf32>
      %parallel_loop3A_887 = arith.constant 96 : i32
      %parallel_loop3A_888 = arith.addi %parallel_loop3A_776, %parallel_loop3A_887 : i32
      %parallel_loop3A_889 = arith.index_cast %parallel_loop3A_888 : i32 to index
      %parallel_loop3A_890 = tpu.vector_load %arg5[%parallel_loop3A_889] {strides = array<i32>} : memref<8192xf32, #tpu.memory_space<vmem>>, vector<16xf32>,
      %parallel_loop3A_891 = vector.shape_cast %parallel_loop3A_890 : vector<16xf32> to vector<16xf32>
      %parallel_loop3A_892 = arith.constant 96 : i32
      %parallel_loop3A_893 = arith.addi %parallel_loop3A_776, %parallel_loop3A_892 : i32
      %parallel_loop3A_894 = arith.index_cast %parallel_loop3A_893 : i32 to index
      %parallel_loop3A_895 = tpu.vector_load %arg7[%parallel_loop3A_894] {strides = array<i32>} : memref<8192xf32, #tpu.memory_space<vmem>>, vector<16xf32>,
      %parallel_loop3A_896 = vector.shape_cast %parallel_loop3A_895 : vector<16xf32> to vector<16xf32>
      %parallel_loop3A_897 = arith.constant 5.000000e-01 : f32
      %parallel_loop3A_898 = vector.broadcast %parallel_loop3A_897 : f32 to vector<16xf32>
      %parallel_loop3A_899 = arith.cmpf oge, %parallel_loop3A_896, %parallel_loop3A_898 : vector<16xf32>
      %parallel_loop3A_900 = arith.constant 0.000000e+00 : f32
      %parallel_loop3A_901 = vector.broadcast %parallel_loop3A_900 : f32 to vector<16xf32>
      %parallel_loop3A_902 = arith.select %parallel_loop3A_899, %parallel_loop3A_891, %parallel_loop3A_901 : vector<16xi1>, vector<16xf32>
      %parallel_loop3A_903 = arith.maximumf %parallel_loop3A_783, %parallel_loop3A_902 : vector<16xf32>
      %parallel_loop3A_904 = arith.constant 112 : i32
      %parallel_loop3A_905 = arith.addi %parallel_loop3A_776, %parallel_loop3A_904 : i32
      %parallel_loop3A_906 = arith.index_cast %parallel_loop3A_905 : i32 to index
      %parallel_loop3A_907 = tpu.vector_load %arg5[%parallel_loop3A_906] {strides = array<i32>} : memref<8192xf32, #tpu.memory_space<vmem>>, vector<16xf32>,
      %parallel_loop3A_908 = vector.shape_cast %parallel_loop3A_907 : vector<16xf32> to vector<16xf32>
      %parallel_loop3A_909 = arith.constant 112 : i32
      %parallel_loop3A_910 = arith.addi %parallel_loop3A_776, %parallel_loop3A_909 : i32
      %parallel_loop3A_911 = arith.index_cast %parallel_loop3A_910 : i32 to index
      %parallel_loop3A_912 = tpu.vector_load %arg7[%parallel_loop3A_911] {strides = array<i32>} : memref<8192xf32, #tpu.memory_space<vmem>>, vector<16xf32>,
      %parallel_loop3A_913 = vector.shape_cast %parallel_loop3A_912 : vector<16xf32> to vector<16xf32>
      %parallel_loop3A_914 = arith.constant 5.000000e-01 : f32
      %parallel_loop3A_915 = vector.broadcast %parallel_loop3A_914 : f32 to vector<16xf32>
      %parallel_loop3A_916 = arith.cmpf oge, %parallel_loop3A_913, %parallel_loop3A_915 : vector<16xf32>
      %parallel_loop3A_917 = arith.constant 0.000000e+00 : f32
      %parallel_loop3A_918 = vector.broadcast %parallel_loop3A_917 : f32 to vector<16xf32>
      %parallel_loop3A_919 = arith.select %parallel_loop3A_916, %parallel_loop3A_908, %parallel_loop3A_918 : vector<16xi1>, vector<16xf32>
      %parallel_loop3A_920 = arith.maximumf %parallel_loop3A_784, %parallel_loop3A_919 : vector<16xf32>
      scf.yield %parallel_loop3A_801, %parallel_loop3A_818, %parallel_loop3A_835, %parallel_loop3A_852, %parallel_loop3A_869, %parallel_loop3A_886, %parallel_loop3A_903, %parallel_loop3A_920 : vector<16xf32>, vector<16xf32>, vector<16xf32>, vector<16xf32>, vector<16xf32>, vector<16xf32>, vector<16xf32>, vector<16xf32>
    } {sc.loop_unroll_factor = 4 : i64, sc.parallel_access}
    %add3A_293 = arith.constant 2 : i32
    %add3A_294 = arith.addi %mul3A_2, %add3A_293 : i32
    %add3A_295 = arith.constant 2 : i32
    %add3A_296 = arith.addi %add3A_294, %add3A_295 : i32
    %jit3A_297 = arith.constant 4 : i32
    %div3A_298 = arith.divsi %add3A_296, %jit3A_297 : i32
    %sign3A_299 = arith.constant 0 : i32
    %sign3A_300 = arith.cmpi sgt, %add3A_296, %sign3A_299 : i32
    %sign3A_301 = arith.extui %sign3A_300 : i1 to i32
    %sign3A_302 = arith.constant 0 : i32
    %sign3A_303 = arith.cmpi slt, %add3A_296, %sign3A_302 : i32
    %sign3A_304 = arith.extui %sign3A_303 : i1 to i32
    %sign3A_305 = arith.subi %sign3A_301, %sign3A_304 : i32
    %sign3A_306 = arith.constant 0 : i32
    %sign3A_307 = arith.cmpi sgt, %jit3A_297, %sign3A_306 : i32
    %sign3A_308 = arith.extui %sign3A_307 : i1 to i32
    %sign3A_309 = arith.constant 0 : i32
    %sign3A_310 = arith.cmpi slt, %jit3A_297, %sign3A_309 : i32
    %sign3A_311 = arith.extui %sign3A_310 : i1 to i32
    %sign3A_312 = arith.subi %sign3A_308, %sign3A_311 : i32
    %ne3A_313 = arith.cmpi ne, %sign3A_305, %sign3A_312 : i32
    %rem3A_314 = arith.remsi %add3A_296, %jit3A_297 : i32
    %ne3A_315 = arith.constant 0 : i32
    %ne3A_316 = arith.cmpi ne, %rem3A_314, %ne3A_315 : i32
    %and3A_317 = arith.andi %ne3A_313, %ne3A_316 : i1
    %sub3A_318 = arith.constant 1 : i32
    %sub3A_319 = arith.subi %div3A_298, %sub3A_318 : i32
    %select_n3A_320 = arith.select %and3A_317, %sub3A_319, %div3A_298 : i32
    %jit3A_321 = arith.constant 4 : i32
    %eq3A_322 = arith.constant 0 : i32
    %eq3A_323 = arith.cmpi eq, %jit3A_321, %eq3A_322 : i32
    %jit3A_324 = arith.constant 1 : i32
    %select_n3A_325 = arith.select %eq3A_323, %jit3A_324, %jit3A_321 : i32
    %rem3A_326 = arith.remsi %add3A_296, %select_n3A_325 : i32
    %ne3A_327 = arith.constant 0 : i32
    %ne3A_328 = arith.cmpi ne, %rem3A_326, %ne3A_327 : i32
    %lt3A_329 = arith.constant 0 : i32
    %lt3A_330 = arith.cmpi slt, %rem3A_326, %lt3A_329 : i32
    %lt3A_331 = arith.constant 0 : i32
    %lt3A_332 = arith.cmpi slt, %select_n3A_325, %lt3A_331 : i32
    %ne3A_333 = arith.xori %lt3A_330, %lt3A_332 : i1
    %and3A_334 = arith.andi %ne3A_333, %ne3A_328 : i1
    %add3A_335 = arith.addi %rem3A_326, %select_n3A_325 : i32
    %select_n3A_336 = arith.select %and3A_334, %add3A_335, %rem3A_326 : i32
    %mul3A_337 = arith.constant 8192 : i32
    %mul3A_338 = arith.muli %select_n3A_336, %mul3A_337 : i32
    %dma_start3A_339 = tpu.memref_slice %arg2[%select_n3A_320, %mul3A_338] : memref<128x32768xf32, #tpu.memory_space<hbm>> -> memref<1x8192xf32, #tpu.memory_space<hbm>>
    %dma_start3A_340 = tpu.memref_squeeze %dma_start3A_339 : memref<1x8192xf32, #tpu.memory_space<hbm>> -> memref<8192xf32, #tpu.memory_space<hbm>>
    %dma_start3A_341 = tpu.memref_slice %arg2[%select_n3A_320, %mul3A_338] : memref<128x32768xf32, #tpu.memory_space<hbm>> -> memref<1x8192xf32, #tpu.memory_space<hbm>>
    %dma_start3A_342 = tpu.memref_squeeze %dma_start3A_341 : memref<1x8192xf32, #tpu.memory_space<hbm>> -> memref<8192xf32, #tpu.memory_space<hbm>>
    tpu.enqueue_dma source(%dma_start3A_342 : memref<8192xf32, #tpu.memory_space<hbm>>) target(%arg5 : memref<8192xf32, #tpu.memory_space<vmem>>) target_semaphore(%arg10 : memref<!tpu.dma_semaphore, #tpu.memory_space<semaphore_mem>>)
    %dma_start3A_343 = tpu.memref_slice %arg3[%select_n3A_320, %mul3A_338] : memref<128x32768xf32, #tpu.memory_space<hbm>> -> memref<1x8192xf32, #tpu.memory_space<hbm>>
    %dma_start3A_344 = tpu.memref_squeeze %dma_start3A_343 : memref<1x8192xf32, #tpu.memory_space<hbm>> -> memref<8192xf32, #tpu.memory_space<hbm>>
    %dma_start3A_345 = tpu.memref_slice %arg3[%select_n3A_320, %mul3A_338] : memref<128x32768xf32, #tpu.memory_space<hbm>> -> memref<1x8192xf32, #tpu.memory_space<hbm>>
    %dma_start3A_346 = tpu.memref_squeeze %dma_start3A_345 : memref<1x8192xf32, #tpu.memory_space<hbm>> -> memref<8192xf32, #tpu.memory_space<hbm>>
    tpu.enqueue_dma source(%dma_start3A_346 : memref<8192xf32, #tpu.memory_space<hbm>>) target(%arg7 : memref<8192xf32, #tpu.memory_space<vmem>>) target_semaphore(%arg12 : memref<!tpu.dma_semaphore, #tpu.memory_space<semaphore_mem>>)
    %max3A_347 = arith.maximumf %parallel_loop3A_292#0, %parallel_loop3A_292#1 : vector<16xf32>
    %max3A_348 = arith.maximumf %max3A_347, %parallel_loop3A_292#2 : vector<16xf32>
    %max3A_349 = arith.maximumf %max3A_348, %parallel_loop3A_292#3 : vector<16xf32>
    %max3A_350 = arith.maximumf %max3A_349, %parallel_loop3A_292#4 : vector<16xf32>
    %max3A_351 = arith.maximumf %max3A_350, %parallel_loop3A_292#5 : vector<16xf32>
    %max3A_352 = arith.maximumf %max3A_351, %parallel_loop3A_292#6 : vector<16xf32>
    %max3A_353 = arith.maximumf %max3A_352, %parallel_loop3A_292#7 : vector<16xf32>
    %swap3A_354 = arith.constant 2 : i32
    %swap3A_355 = arith.index_cast %swap3A_354 : i32 to index
    %swap3A_356 = arith.constant 0 : index
    %swap3A_357 = tpu.vector_load %arg9[%swap3A_355, %swap3A_356] {strides = array<i32>} : memref<6x16xf32, #tpu.memory_space<vmem>>, vector<1x16xf32>,
    %swap3A_358 = vector.shape_cast %swap3A_357 : vector<1x16xf32> to vector<16xf32>
    %swap3A_359 = vector.shape_cast %max3A_353 : vector<16xf32> to vector<1x16xf32>
    tpu.vector_store %arg9[%swap3A_355, %swap3A_356], %swap3A_359 {strides = array<i32>} : memref<6x16xf32, #tpu.memory_space<vmem>>, vector<1x16xf32>,
    %dma_wait3A_360 = arith.constant 0 : i32
    %dma_wait3A_361 = arith.constant 0 : i32
    %dma_wait3A_362 = tpu.memref_slice %arg2[%dma_wait3A_360, %dma_wait3A_361] : memref<128x32768xf32, #tpu.memory_space<hbm>> -> memref<1x8192xf32, #tpu.memory_space<hbm>>
    %dma_wait3A_363 = tpu.memref_squeeze %dma_wait3A_362 : memref<1x8192xf32, #tpu.memory_space<hbm>> -> memref<8192xf32, #tpu.memory_space<hbm>>
    %dma_wait3A_364 = arith.constant 0 : i32
    %dma_wait3A_365 = tpu.memref_slice %arg2[%dma_wait3A_360, %dma_wait3A_364] : memref<128x32768xf32, #tpu.memory_space<hbm>> -> memref<1x8192xf32, #tpu.memory_space<hbm>>
    %dma_wait3A_366 = tpu.memref_squeeze %dma_wait3A_365 : memref<1x8192xf32, #tpu.memory_space<hbm>> -> memref<8192xf32, #tpu.memory_space<hbm>>
    tpu.wait_dma2 semaphore(%arg11 : memref<!tpu.dma_semaphore, #tpu.memory_space<semaphore_mem>>) src(%dma_wait3A_366 : memref<8192xf32, #tpu.memory_space<hbm>>) dst(%arg6 : memref<8192xf32, #tpu.memory_space<vmem>>)
    %dma_wait3A_367 = arith.constant 0 : i32
    %dma_wait3A_368 = arith.constant 0 : i32
    %dma_wait3A_369 = tpu.memref_slice %arg3[%dma_wait3A_367, %dma_wait3A_368] : memref<128x32768xf32, #tpu.memory_space<hbm>> -> memref<1x8192xf32, #tpu.memory_space<hbm>>
    %dma_wait3A_370 = tpu.memref_squeeze %dma_wait3A_369 : memref<1x8192xf32, #tpu.memory_space<hbm>> -> memref<8192xf32, #tpu.memory_space<hbm>>
    %dma_wait3A_371 = arith.constant 0 : i32
    %dma_wait3A_372 = tpu.memref_slice %arg3[%dma_wait3A_367, %dma_wait3A_371] : memref<128x32768xf32, #tpu.memory_space<hbm>> -> memref<1x8192xf32, #tpu.memory_space<hbm>>
    %dma_wait3A_373 = tpu.memref_squeeze %dma_wait3A_372 : memref<1x8192xf32, #tpu.memory_space<hbm>> -> memref<8192xf32, #tpu.memory_space<hbm>>
    tpu.wait_dma2 semaphore(%arg13 : memref<!tpu.dma_semaphore, #tpu.memory_space<semaphore_mem>>) src(%dma_wait3A_373 : memref<8192xf32, #tpu.memory_space<hbm>>) dst(%arg8 : memref<8192xf32, #tpu.memory_space<vmem>>)
    %parallel_loop3A_374 = arith.constant 0 : i32
    %parallel_loop3A_375 = arith.constant 8192 : i32
    %parallel_loop3A_376 = arith.constant 128 : i32
    %parallel_loop3A_377:8 = scf.for %parallel_loop3A_776 = %parallel_loop3A_374 to %parallel_loop3A_375 step %parallel_loop3A_376 iter_args(%parallel_loop3A_777 = %broadcast_in_dim3A_3, %parallel_loop3A_778 = %broadcast_in_dim3A_5, %parallel_loop3A_779 = %broadcast_in_dim3A_7, %parallel_loop3A_780 = %broadcast_in_dim3A_9, %parallel_loop3A_781 = %broadcast_in_dim3A_11, %parallel_loop3A_782 = %broadcast_in_dim3A_13, %parallel_loop3A_783 = %broadcast_in_dim3A_15, %parallel_loop3A_784 = %broadcast_in_dim3A_17) -> (vector<16xf32>, vector<16xf32>, vector<16xf32>, vector<16xf32>, vector<16xf32>, vector<16xf32>, vector<16xf32>, vector<16xf32>)  : i32 {
      %parallel_loop3A_785 = arith.constant 0 : i32
      %parallel_loop3A_786 = arith.addi %parallel_loop3A_776, %parallel_loop3A_785 : i32
      %parallel_loop3A_787 = arith.index_cast %parallel_loop3A_786 : i32 to index
      %parallel_loop3A_788 = tpu.vector_load %arg6[%parallel_loop3A_787] {strides = array<i32>} : memref<8192xf32, #tpu.memory_space<vmem>>, vector<16xf32>,
      %parallel_loop3A_789 = vector.shape_cast %parallel_loop3A_788 : vector<16xf32> to vector<16xf32>
      %parallel_loop3A_790 = arith.constant 0 : i32
      %parallel_loop3A_791 = arith.addi %parallel_loop3A_776, %parallel_loop3A_790 : i32
      %parallel_loop3A_792 = arith.index_cast %parallel_loop3A_791 : i32 to index
      %parallel_loop3A_793 = tpu.vector_load %arg8[%parallel_loop3A_792] {strides = array<i32>} : memref<8192xf32, #tpu.memory_space<vmem>>, vector<16xf32>,
      %parallel_loop3A_794 = vector.shape_cast %parallel_loop3A_793 : vector<16xf32> to vector<16xf32>
      %parallel_loop3A_795 = arith.constant 5.000000e-01 : f32
      %parallel_loop3A_796 = vector.broadcast %parallel_loop3A_795 : f32 to vector<16xf32>
      %parallel_loop3A_797 = arith.cmpf oge, %parallel_loop3A_794, %parallel_loop3A_796 : vector<16xf32>
      %parallel_loop3A_798 = arith.constant 0.000000e+00 : f32
      %parallel_loop3A_799 = vector.broadcast %parallel_loop3A_798 : f32 to vector<16xf32>
      %parallel_loop3A_800 = arith.select %parallel_loop3A_797, %parallel_loop3A_789, %parallel_loop3A_799 : vector<16xi1>, vector<16xf32>
      %parallel_loop3A_801 = arith.maximumf %parallel_loop3A_777, %parallel_loop3A_800 : vector<16xf32>
      %parallel_loop3A_802 = arith.constant 16 : i32
      %parallel_loop3A_803 = arith.addi %parallel_loop3A_776, %parallel_loop3A_802 : i32
      %parallel_loop3A_804 = arith.index_cast %parallel_loop3A_803 : i32 to index
      %parallel_loop3A_805 = tpu.vector_load %arg6[%parallel_loop3A_804] {strides = array<i32>} : memref<8192xf32, #tpu.memory_space<vmem>>, vector<16xf32>,
      %parallel_loop3A_806 = vector.shape_cast %parallel_loop3A_805 : vector<16xf32> to vector<16xf32>
      %parallel_loop3A_807 = arith.constant 16 : i32
      %parallel_loop3A_808 = arith.addi %parallel_loop3A_776, %parallel_loop3A_807 : i32
      %parallel_loop3A_809 = arith.index_cast %parallel_loop3A_808 : i32 to index
      %parallel_loop3A_810 = tpu.vector_load %arg8[%parallel_loop3A_809] {strides = array<i32>} : memref<8192xf32, #tpu.memory_space<vmem>>, vector<16xf32>,
      %parallel_loop3A_811 = vector.shape_cast %parallel_loop3A_810 : vector<16xf32> to vector<16xf32>
      %parallel_loop3A_812 = arith.constant 5.000000e-01 : f32
      %parallel_loop3A_813 = vector.broadcast %parallel_loop3A_812 : f32 to vector<16xf32>
      %parallel_loop3A_814 = arith.cmpf oge, %parallel_loop3A_811, %parallel_loop3A_813 : vector<16xf32>
      %parallel_loop3A_815 = arith.constant 0.000000e+00 : f32
      %parallel_loop3A_816 = vector.broadcast %parallel_loop3A_815 : f32 to vector<16xf32>
      %parallel_loop3A_817 = arith.select %parallel_loop3A_814, %parallel_loop3A_806, %parallel_loop3A_816 : vector<16xi1>, vector<16xf32>
      %parallel_loop3A_818 = arith.maximumf %parallel_loop3A_778, %parallel_loop3A_817 : vector<16xf32>
      %parallel_loop3A_819 = arith.constant 32 : i32
      %parallel_loop3A_820 = arith.addi %parallel_loop3A_776, %parallel_loop3A_819 : i32
      %parallel_loop3A_821 = arith.index_cast %parallel_loop3A_820 : i32 to index
      %parallel_loop3A_822 = tpu.vector_load %arg6[%parallel_loop3A_821] {strides = array<i32>} : memref<8192xf32, #tpu.memory_space<vmem>>, vector<16xf32>,
      %parallel_loop3A_823 = vector.shape_cast %parallel_loop3A_822 : vector<16xf32> to vector<16xf32>
      %parallel_loop3A_824 = arith.constant 32 : i32
      %parallel_loop3A_825 = arith.addi %parallel_loop3A_776, %parallel_loop3A_824 : i32
      %parallel_loop3A_826 = arith.index_cast %parallel_loop3A_825 : i32 to index
      %parallel_loop3A_827 = tpu.vector_load %arg8[%parallel_loop3A_826] {strides = array<i32>} : memref<8192xf32, #tpu.memory_space<vmem>>, vector<16xf32>,
      %parallel_loop3A_828 = vector.shape_cast %parallel_loop3A_827 : vector<16xf32> to vector<16xf32>
      %parallel_loop3A_829 = arith.constant 5.000000e-01 : f32
      %parallel_loop3A_830 = vector.broadcast %parallel_loop3A_829 : f32 to vector<16xf32>
      %parallel_loop3A_831 = arith.cmpf oge, %parallel_loop3A_828, %parallel_loop3A_830 : vector<16xf32>
      %parallel_loop3A_832 = arith.constant 0.000000e+00 : f32
      %parallel_loop3A_833 = vector.broadcast %parallel_loop3A_832 : f32 to vector<16xf32>
      %parallel_loop3A_834 = arith.select %parallel_loop3A_831, %parallel_loop3A_823, %parallel_loop3A_833 : vector<16xi1>, vector<16xf32>
      %parallel_loop3A_835 = arith.maximumf %parallel_loop3A_779, %parallel_loop3A_834 : vector<16xf32>
      %parallel_loop3A_836 = arith.constant 48 : i32
      %parallel_loop3A_837 = arith.addi %parallel_loop3A_776, %parallel_loop3A_836 : i32
      %parallel_loop3A_838 = arith.index_cast %parallel_loop3A_837 : i32 to index
      %parallel_loop3A_839 = tpu.vector_load %arg6[%parallel_loop3A_838] {strides = array<i32>} : memref<8192xf32, #tpu.memory_space<vmem>>, vector<16xf32>,
      %parallel_loop3A_840 = vector.shape_cast %parallel_loop3A_839 : vector<16xf32> to vector<16xf32>
      %parallel_loop3A_841 = arith.constant 48 : i32
      %parallel_loop3A_842 = arith.addi %parallel_loop3A_776, %parallel_loop3A_841 : i32
      %parallel_loop3A_843 = arith.index_cast %parallel_loop3A_842 : i32 to index
      %parallel_loop3A_844 = tpu.vector_load %arg8[%parallel_loop3A_843] {strides = array<i32>} : memref<8192xf32, #tpu.memory_space<vmem>>, vector<16xf32>,
      %parallel_loop3A_845 = vector.shape_cast %parallel_loop3A_844 : vector<16xf32> to vector<16xf32>
      %parallel_loop3A_846 = arith.constant 5.000000e-01 : f32
      %parallel_loop3A_847 = vector.broadcast %parallel_loop3A_846 : f32 to vector<16xf32>
      %parallel_loop3A_848 = arith.cmpf oge, %parallel_loop3A_845, %parallel_loop3A_847 : vector<16xf32>
      %parallel_loop3A_849 = arith.constant 0.000000e+00 : f32
      %parallel_loop3A_850 = vector.broadcast %parallel_loop3A_849 : f32 to vector<16xf32>
      %parallel_loop3A_851 = arith.select %parallel_loop3A_848, %parallel_loop3A_840, %parallel_loop3A_850 : vector<16xi1>, vector<16xf32>
      %parallel_loop3A_852 = arith.maximumf %parallel_loop3A_780, %parallel_loop3A_851 : vector<16xf32>
      %parallel_loop3A_853 = arith.constant 64 : i32
      %parallel_loop3A_854 = arith.addi %parallel_loop3A_776, %parallel_loop3A_853 : i32
      %parallel_loop3A_855 = arith.index_cast %parallel_loop3A_854 : i32 to index
      %parallel_loop3A_856 = tpu.vector_load %arg6[%parallel_loop3A_855] {strides = array<i32>} : memref<8192xf32, #tpu.memory_space<vmem>>, vector<16xf32>,
      %parallel_loop3A_857 = vector.shape_cast %parallel_loop3A_856 : vector<16xf32> to vector<16xf32>
      %parallel_loop3A_858 = arith.constant 64 : i32
      %parallel_loop3A_859 = arith.addi %parallel_loop3A_776, %parallel_loop3A_858 : i32
      %parallel_loop3A_860 = arith.index_cast %parallel_loop3A_859 : i32 to index
      %parallel_loop3A_861 = tpu.vector_load %arg8[%parallel_loop3A_860] {strides = array<i32>} : memref<8192xf32, #tpu.memory_space<vmem>>, vector<16xf32>,
      %parallel_loop3A_862 = vector.shape_cast %parallel_loop3A_861 : vector<16xf32> to vector<16xf32>
      %parallel_loop3A_863 = arith.constant 5.000000e-01 : f32
      %parallel_loop3A_864 = vector.broadcast %parallel_loop3A_863 : f32 to vector<16xf32>
      %parallel_loop3A_865 = arith.cmpf oge, %parallel_loop3A_862, %parallel_loop3A_864 : vector<16xf32>
      %parallel_loop3A_866 = arith.constant 0.000000e+00 : f32
      %parallel_loop3A_867 = vector.broadcast %parallel_loop3A_866 : f32 to vector<16xf32>
      %parallel_loop3A_868 = arith.select %parallel_loop3A_865, %parallel_loop3A_857, %parallel_loop3A_867 : vector<16xi1>, vector<16xf32>
      %parallel_loop3A_869 = arith.maximumf %parallel_loop3A_781, %parallel_loop3A_868 : vector<16xf32>
      %parallel_loop3A_870 = arith.constant 80 : i32
      %parallel_loop3A_871 = arith.addi %parallel_loop3A_776, %parallel_loop3A_870 : i32
      %parallel_loop3A_872 = arith.index_cast %parallel_loop3A_871 : i32 to index
      %parallel_loop3A_873 = tpu.vector_load %arg6[%parallel_loop3A_872] {strides = array<i32>} : memref<8192xf32, #tpu.memory_space<vmem>>, vector<16xf32>,
      %parallel_loop3A_874 = vector.shape_cast %parallel_loop3A_873 : vector<16xf32> to vector<16xf32>
      %parallel_loop3A_875 = arith.constant 80 : i32
      %parallel_loop3A_876 = arith.addi %parallel_loop3A_776, %parallel_loop3A_875 : i32
      %parallel_loop3A_877 = arith.index_cast %parallel_loop3A_876 : i32 to index
      %parallel_loop3A_878 = tpu.vector_load %arg8[%parallel_loop3A_877] {strides = array<i32>} : memref<8192xf32, #tpu.memory_space<vmem>>, vector<16xf32>,
      %parallel_loop3A_879 = vector.shape_cast %parallel_loop3A_878 : vector<16xf32> to vector<16xf32>
      %parallel_loop3A_880 = arith.constant 5.000000e-01 : f32
      %parallel_loop3A_881 = vector.broadcast %parallel_loop3A_880 : f32 to vector<16xf32>
      %parallel_loop3A_882 = arith.cmpf oge, %parallel_loop3A_879, %parallel_loop3A_881 : vector<16xf32>
      %parallel_loop3A_883 = arith.constant 0.000000e+00 : f32
      %parallel_loop3A_884 = vector.broadcast %parallel_loop3A_883 : f32 to vector<16xf32>
      %parallel_loop3A_885 = arith.select %parallel_loop3A_882, %parallel_loop3A_874, %parallel_loop3A_884 : vector<16xi1>, vector<16xf32>
      %parallel_loop3A_886 = arith.maximumf %parallel_loop3A_782, %parallel_loop3A_885 : vector<16xf32>
      %parallel_loop3A_887 = arith.constant 96 : i32
      %parallel_loop3A_888 = arith.addi %parallel_loop3A_776, %parallel_loop3A_887 : i32
      %parallel_loop3A_889 = arith.index_cast %parallel_loop3A_888 : i32 to index
      %parallel_loop3A_890 = tpu.vector_load %arg6[%parallel_loop3A_889] {strides = array<i32>} : memref<8192xf32, #tpu.memory_space<vmem>>, vector<16xf32>,
      %parallel_loop3A_891 = vector.shape_cast %parallel_loop3A_890 : vector<16xf32> to vector<16xf32>
      %parallel_loop3A_892 = arith.constant 96 : i32
      %parallel_loop3A_893 = arith.addi %parallel_loop3A_776, %parallel_loop3A_892 : i32
      %parallel_loop3A_894 = arith.index_cast %parallel_loop3A_893 : i32 to index
      %parallel_loop3A_895 = tpu.vector_load %arg8[%parallel_loop3A_894] {strides = array<i32>} : memref<8192xf32, #tpu.memory_space<vmem>>, vector<16xf32>,
      %parallel_loop3A_896 = vector.shape_cast %parallel_loop3A_895 : vector<16xf32> to vector<16xf32>
      %parallel_loop3A_897 = arith.constant 5.000000e-01 : f32
      %parallel_loop3A_898 = vector.broadcast %parallel_loop3A_897 : f32 to vector<16xf32>
      %parallel_loop3A_899 = arith.cmpf oge, %parallel_loop3A_896, %parallel_loop3A_898 : vector<16xf32>
      %parallel_loop3A_900 = arith.constant 0.000000e+00 : f32
      %parallel_loop3A_901 = vector.broadcast %parallel_loop3A_900 : f32 to vector<16xf32>
      %parallel_loop3A_902 = arith.select %parallel_loop3A_899, %parallel_loop3A_891, %parallel_loop3A_901 : vector<16xi1>, vector<16xf32>
      %parallel_loop3A_903 = arith.maximumf %parallel_loop3A_783, %parallel_loop3A_902 : vector<16xf32>
      %parallel_loop3A_904 = arith.constant 112 : i32
      %parallel_loop3A_905 = arith.addi %parallel_loop3A_776, %parallel_loop3A_904 : i32
      %parallel_loop3A_906 = arith.index_cast %parallel_loop3A_905 : i32 to index
      %parallel_loop3A_907 = tpu.vector_load %arg6[%parallel_loop3A_906] {strides = array<i32>} : memref<8192xf32, #tpu.memory_space<vmem>>, vector<16xf32>,
      %parallel_loop3A_908 = vector.shape_cast %parallel_loop3A_907 : vector<16xf32> to vector<16xf32>
      %parallel_loop3A_909 = arith.constant 112 : i32
      %parallel_loop3A_910 = arith.addi %parallel_loop3A_776, %parallel_loop3A_909 : i32
      %parallel_loop3A_911 = arith.index_cast %parallel_loop3A_910 : i32 to index
      %parallel_loop3A_912 = tpu.vector_load %arg8[%parallel_loop3A_911] {strides = array<i32>} : memref<8192xf32, #tpu.memory_space<vmem>>, vector<16xf32>,
      %parallel_loop3A_913 = vector.shape_cast %parallel_loop3A_912 : vector<16xf32> to vector<16xf32>
      %parallel_loop3A_914 = arith.constant 5.000000e-01 : f32
      %parallel_loop3A_915 = vector.broadcast %parallel_loop3A_914 : f32 to vector<16xf32>
      %parallel_loop3A_916 = arith.cmpf oge, %parallel_loop3A_913, %parallel_loop3A_915 : vector<16xf32>
      %parallel_loop3A_917 = arith.constant 0.000000e+00 : f32
      %parallel_loop3A_918 = vector.broadcast %parallel_loop3A_917 : f32 to vector<16xf32>
      %parallel_loop3A_919 = arith.select %parallel_loop3A_916, %parallel_loop3A_908, %parallel_loop3A_918 : vector<16xi1>, vector<16xf32>
      %parallel_loop3A_920 = arith.maximumf %parallel_loop3A_784, %parallel_loop3A_919 : vector<16xf32>
      scf.yield %parallel_loop3A_801, %parallel_loop3A_818, %parallel_loop3A_835, %parallel_loop3A_852, %parallel_loop3A_869, %parallel_loop3A_886, %parallel_loop3A_903, %parallel_loop3A_920 : vector<16xf32>, vector<16xf32>, vector<16xf32>, vector<16xf32>, vector<16xf32>, vector<16xf32>, vector<16xf32>, vector<16xf32>
    } {sc.loop_unroll_factor = 4 : i64, sc.parallel_access}
    %add3A_378 = arith.constant 3 : i32
    %add3A_379 = arith.addi %mul3A_2, %add3A_378 : i32
    %add3A_380 = arith.constant 2 : i32
    %add3A_381 = arith.addi %add3A_379, %add3A_380 : i32
    %jit3A_382 = arith.constant 4 : i32
    %div3A_383 = arith.divsi %add3A_381, %jit3A_382 : i32
    %sign3A_384 = arith.constant 0 : i32
    %sign3A_385 = arith.cmpi sgt, %add3A_381, %sign3A_384 : i32
    %sign3A_386 = arith.extui %sign3A_385 : i1 to i32
    %sign3A_387 = arith.constant 0 : i32
    %sign3A_388 = arith.cmpi slt, %add3A_381, %sign3A_387 : i32
    %sign3A_389 = arith.extui %sign3A_388 : i1 to i32
    %sign3A_390 = arith.subi %sign3A_386, %sign3A_389 : i32
    %sign3A_391 = arith.constant 0 : i32
    %sign3A_392 = arith.cmpi sgt, %jit3A_382, %sign3A_391 : i32
    %sign3A_393 = arith.extui %sign3A_392 : i1 to i32
    %sign3A_394 = arith.constant 0 : i32
    %sign3A_395 = arith.cmpi slt, %jit3A_382, %sign3A_394 : i32
    %sign3A_396 = arith.extui %sign3A_395 : i1 to i32
    %sign3A_397 = arith.subi %sign3A_393, %sign3A_396 : i32
    %ne3A_398 = arith.cmpi ne, %sign3A_390, %sign3A_397 : i32
    %rem3A_399 = arith.remsi %add3A_381, %jit3A_382 : i32
    %ne3A_400 = arith.constant 0 : i32
    %ne3A_401 = arith.cmpi ne, %rem3A_399, %ne3A_400 : i32
    %and3A_402 = arith.andi %ne3A_398, %ne3A_401 : i1
    %sub3A_403 = arith.constant 1 : i32
    %sub3A_404 = arith.subi %div3A_383, %sub3A_403 : i32
    %select_n3A_405 = arith.select %and3A_402, %sub3A_404, %div3A_383 : i32
    %jit3A_406 = arith.constant 4 : i32
    %eq3A_407 = arith.constant 0 : i32
    %eq3A_408 = arith.cmpi eq, %jit3A_406, %eq3A_407 : i32
    %jit3A_409 = arith.constant 1 : i32
    %select_n3A_410 = arith.select %eq3A_408, %jit3A_409, %jit3A_406 : i32
    %rem3A_411 = arith.remsi %add3A_381, %select_n3A_410 : i32
    %ne3A_412 = arith.constant 0 : i32
    %ne3A_413 = arith.cmpi ne, %rem3A_411, %ne3A_412 : i32
    %lt3A_414 = arith.constant 0 : i32
    %lt3A_415 = arith.cmpi slt, %rem3A_411, %lt3A_414 : i32
    %lt3A_416 = arith.constant 0 : i32
    %lt3A_417 = arith.cmpi slt, %select_n3A_410, %lt3A_416 : i32
    %ne3A_418 = arith.xori %lt3A_415, %lt3A_417 : i1
    %and3A_419 = arith.andi %ne3A_418, %ne3A_413 : i1
    %add3A_420 = arith.addi %rem3A_411, %select_n3A_410 : i32
    %select_n3A_421 = arith.select %and3A_419, %add3A_420, %rem3A_411 : i32
    %mul3A_422 = arith.constant 8192 : i32
    %mul3A_423 = arith.muli %select_n3A_421, %mul3A_422 : i32
    %dma_start3A_424 = tpu.memref_slice %arg2[%select_n3A_405, %mul3A_423] : memref<128x32768xf32, #tpu.memory_space<hbm>> -> memref<1x8192xf32, #tpu.memory_space<hbm>>
    %dma_start3A_425 = tpu.memref_squeeze %dma_start3A_424 : memref<1x8192xf32, #tpu.memory_space<hbm>> -> memref<8192xf32, #tpu.memory_space<hbm>>
    %dma_start3A_426 = tpu.memref_slice %arg2[%select_n3A_405, %mul3A_423] : memref<128x32768xf32, #tpu.memory_space<hbm>> -> memref<1x8192xf32, #tpu.memory_space<hbm>>
    %dma_start3A_427 = tpu.memref_squeeze %dma_start3A_426 : memref<1x8192xf32, #tpu.memory_space<hbm>> -> memref<8192xf32, #tpu.memory_space<hbm>>
    tpu.enqueue_dma source(%dma_start3A_427 : memref<8192xf32, #tpu.memory_space<hbm>>) target(%arg6 : memref<8192xf32, #tpu.memory_space<vmem>>) target_semaphore(%arg11 : memref<!tpu.dma_semaphore, #tpu.memory_space<semaphore_mem>>)
    %dma_start3A_428 = tpu.memref_slice %arg3[%select_n3A_405, %mul3A_423] : memref<128x32768xf32, #tpu.memory_space<hbm>> -> memref<1x8192xf32, #tpu.memory_space<hbm>>
    %dma_start3A_429 = tpu.memref_squeeze %dma_start3A_428 : memref<1x8192xf32, #tpu.memory_space<hbm>> -> memref<8192xf32, #tpu.memory_space<hbm>>
    %dma_start3A_430 = tpu.memref_slice %arg3[%select_n3A_405, %mul3A_423] : memref<128x32768xf32, #tpu.memory_space<hbm>> -> memref<1x8192xf32, #tpu.memory_space<hbm>>
    %dma_start3A_431 = tpu.memref_squeeze %dma_start3A_430 : memref<1x8192xf32, #tpu.memory_space<hbm>> -> memref<8192xf32, #tpu.memory_space<hbm>>
    tpu.enqueue_dma source(%dma_start3A_431 : memref<8192xf32, #tpu.memory_space<hbm>>) target(%arg8 : memref<8192xf32, #tpu.memory_space<vmem>>) target_semaphore(%arg13 : memref<!tpu.dma_semaphore, #tpu.memory_space<semaphore_mem>>)
    %max3A_432 = arith.maximumf %parallel_loop3A_377#0, %parallel_loop3A_377#1 : vector<16xf32>
    %max3A_433 = arith.maximumf %max3A_432, %parallel_loop3A_377#2 : vector<16xf32>
    %max3A_434 = arith.maximumf %max3A_433, %parallel_loop3A_377#3 : vector<16xf32>
    %max3A_435 = arith.maximumf %max3A_434, %parallel_loop3A_377#4 : vector<16xf32>
    %max3A_436 = arith.maximumf %max3A_435, %parallel_loop3A_377#5 : vector<16xf32>
    %max3A_437 = arith.maximumf %max3A_436, %parallel_loop3A_377#6 : vector<16xf32>
    %max3A_438 = arith.maximumf %max3A_437, %parallel_loop3A_377#7 : vector<16xf32>
    %swap3A_439 = arith.constant 3 : i32
    %swap3A_440 = arith.index_cast %swap3A_439 : i32 to index
    %swap3A_441 = arith.constant 0 : index
    %swap3A_442 = tpu.vector_load %arg9[%swap3A_440, %swap3A_441] {strides = array<i32>} : memref<6x16xf32, #tpu.memory_space<vmem>>, vector<1x16xf32>,
    %swap3A_443 = vector.shape_cast %swap3A_442 : vector<1x16xf32> to vector<16xf32>
    %swap3A_444 = vector.shape_cast %max3A_438 : vector<16xf32> to vector<1x16xf32>
    tpu.vector_store %arg9[%swap3A_440, %swap3A_441], %swap3A_444 {strides = array<i32>} : memref<6x16xf32, #tpu.memory_space<vmem>>, vector<1x16xf32>,
    %dma_wait3A_445 = arith.constant 0 : i32
    %dma_wait3A_446 = arith.constant 0 : i32
    %dma_wait3A_447 = tpu.memref_slice %arg2[%dma_wait3A_445, %dma_wait3A_446] : memref<128x32768xf32, #tpu.memory_space<hbm>> -> memref<1x8192xf32, #tpu.memory_space<hbm>>
    %dma_wait3A_448 = tpu.memref_squeeze %dma_wait3A_447 : memref<1x8192xf32, #tpu.memory_space<hbm>> -> memref<8192xf32, #tpu.memory_space<hbm>>
    %dma_wait3A_449 = arith.constant 0 : i32
    %dma_wait3A_450 = tpu.memref_slice %arg2[%dma_wait3A_445, %dma_wait3A_449] : memref<128x32768xf32, #tpu.memory_space<hbm>> -> memref<1x8192xf32, #tpu.memory_space<hbm>>
    %dma_wait3A_451 = tpu.memref_squeeze %dma_wait3A_450 : memref<1x8192xf32, #tpu.memory_space<hbm>> -> memref<8192xf32, #tpu.memory_space<hbm>>
    tpu.wait_dma2 semaphore(%arg10 : memref<!tpu.dma_semaphore, #tpu.memory_space<semaphore_mem>>) src(%dma_wait3A_451 : memref<8192xf32, #tpu.memory_space<hbm>>) dst(%arg5 : memref<8192xf32, #tpu.memory_space<vmem>>)
    %dma_wait3A_452 = arith.constant 0 : i32
    %dma_wait3A_453 = arith.constant 0 : i32
    %dma_wait3A_454 = tpu.memref_slice %arg3[%dma_wait3A_452, %dma_wait3A_453] : memref<128x32768xf32, #tpu.memory_space<hbm>> -> memref<1x8192xf32, #tpu.memory_space<hbm>>
    %dma_wait3A_455 = tpu.memref_squeeze %dma_wait3A_454 : memref<1x8192xf32, #tpu.memory_space<hbm>> -> memref<8192xf32, #tpu.memory_space<hbm>>
    %dma_wait3A_456 = arith.constant 0 : i32
    %dma_wait3A_457 = tpu.memref_slice %arg3[%dma_wait3A_452, %dma_wait3A_456] : memref<128x32768xf32, #tpu.memory_space<hbm>> -> memref<1x8192xf32, #tpu.memory_space<hbm>>
    %dma_wait3A_458 = tpu.memref_squeeze %dma_wait3A_457 : memref<1x8192xf32, #tpu.memory_space<hbm>> -> memref<8192xf32, #tpu.memory_space<hbm>>
    tpu.wait_dma2 semaphore(%arg12 : memref<!tpu.dma_semaphore, #tpu.memory_space<semaphore_mem>>) src(%dma_wait3A_458 : memref<8192xf32, #tpu.memory_space<hbm>>) dst(%arg7 : memref<8192xf32, #tpu.memory_space<vmem>>)
    %parallel_loop3A_459 = arith.constant 0 : i32
    %parallel_loop3A_460 = arith.constant 8192 : i32
    %parallel_loop3A_461 = arith.constant 128 : i32
    %parallel_loop3A_462:8 = scf.for %parallel_loop3A_776 = %parallel_loop3A_459 to %parallel_loop3A_460 step %parallel_loop3A_461 iter_args(%parallel_loop3A_777 = %broadcast_in_dim3A_3, %parallel_loop3A_778 = %broadcast_in_dim3A_5, %parallel_loop3A_779 = %broadcast_in_dim3A_7, %parallel_loop3A_780 = %broadcast_in_dim3A_9, %parallel_loop3A_781 = %broadcast_in_dim3A_11, %parallel_loop3A_782 = %broadcast_in_dim3A_13, %parallel_loop3A_783 = %broadcast_in_dim3A_15, %parallel_loop3A_784 = %broadcast_in_dim3A_17) -> (vector<16xf32>, vector<16xf32>, vector<16xf32>, vector<16xf32>, vector<16xf32>, vector<16xf32>, vector<16xf32>, vector<16xf32>)  : i32 {
      %parallel_loop3A_785 = arith.constant 0 : i32
      %parallel_loop3A_786 = arith.addi %parallel_loop3A_776, %parallel_loop3A_785 : i32
      %parallel_loop3A_787 = arith.index_cast %parallel_loop3A_786 : i32 to index
      %parallel_loop3A_788 = tpu.vector_load %arg5[%parallel_loop3A_787] {strides = array<i32>} : memref<8192xf32, #tpu.memory_space<vmem>>, vector<16xf32>,
      %parallel_loop3A_789 = vector.shape_cast %parallel_loop3A_788 : vector<16xf32> to vector<16xf32>
      %parallel_loop3A_790 = arith.constant 0 : i32
      %parallel_loop3A_791 = arith.addi %parallel_loop3A_776, %parallel_loop3A_790 : i32
      %parallel_loop3A_792 = arith.index_cast %parallel_loop3A_791 : i32 to index
      %parallel_loop3A_793 = tpu.vector_load %arg7[%parallel_loop3A_792] {strides = array<i32>} : memref<8192xf32, #tpu.memory_space<vmem>>, vector<16xf32>,
      %parallel_loop3A_794 = vector.shape_cast %parallel_loop3A_793 : vector<16xf32> to vector<16xf32>
      %parallel_loop3A_795 = arith.constant 5.000000e-01 : f32
      %parallel_loop3A_796 = vector.broadcast %parallel_loop3A_795 : f32 to vector<16xf32>
      %parallel_loop3A_797 = arith.cmpf oge, %parallel_loop3A_794, %parallel_loop3A_796 : vector<16xf32>
      %parallel_loop3A_798 = arith.constant 0.000000e+00 : f32
      %parallel_loop3A_799 = vector.broadcast %parallel_loop3A_798 : f32 to vector<16xf32>
      %parallel_loop3A_800 = arith.select %parallel_loop3A_797, %parallel_loop3A_789, %parallel_loop3A_799 : vector<16xi1>, vector<16xf32>
      %parallel_loop3A_801 = arith.maximumf %parallel_loop3A_777, %parallel_loop3A_800 : vector<16xf32>
      %parallel_loop3A_802 = arith.constant 16 : i32
      %parallel_loop3A_803 = arith.addi %parallel_loop3A_776, %parallel_loop3A_802 : i32
      %parallel_loop3A_804 = arith.index_cast %parallel_loop3A_803 : i32 to index
      %parallel_loop3A_805 = tpu.vector_load %arg5[%parallel_loop3A_804] {strides = array<i32>} : memref<8192xf32, #tpu.memory_space<vmem>>, vector<16xf32>,
      %parallel_loop3A_806 = vector.shape_cast %parallel_loop3A_805 : vector<16xf32> to vector<16xf32>
      %parallel_loop3A_807 = arith.constant 16 : i32
      %parallel_loop3A_808 = arith.addi %parallel_loop3A_776, %parallel_loop3A_807 : i32
      %parallel_loop3A_809 = arith.index_cast %parallel_loop3A_808 : i32 to index
      %parallel_loop3A_810 = tpu.vector_load %arg7[%parallel_loop3A_809] {strides = array<i32>} : memref<8192xf32, #tpu.memory_space<vmem>>, vector<16xf32>,
      %parallel_loop3A_811 = vector.shape_cast %parallel_loop3A_810 : vector<16xf32> to vector<16xf32>
      %parallel_loop3A_812 = arith.constant 5.000000e-01 : f32
      %parallel_loop3A_813 = vector.broadcast %parallel_loop3A_812 : f32 to vector<16xf32>
      %parallel_loop3A_814 = arith.cmpf oge, %parallel_loop3A_811, %parallel_loop3A_813 : vector<16xf32>
      %parallel_loop3A_815 = arith.constant 0.000000e+00 : f32
      %parallel_loop3A_816 = vector.broadcast %parallel_loop3A_815 : f32 to vector<16xf32>
      %parallel_loop3A_817 = arith.select %parallel_loop3A_814, %parallel_loop3A_806, %parallel_loop3A_816 : vector<16xi1>, vector<16xf32>
      %parallel_loop3A_818 = arith.maximumf %parallel_loop3A_778, %parallel_loop3A_817 : vector<16xf32>
      %parallel_loop3A_819 = arith.constant 32 : i32
      %parallel_loop3A_820 = arith.addi %parallel_loop3A_776, %parallel_loop3A_819 : i32
      %parallel_loop3A_821 = arith.index_cast %parallel_loop3A_820 : i32 to index
      %parallel_loop3A_822 = tpu.vector_load %arg5[%parallel_loop3A_821] {strides = array<i32>} : memref<8192xf32, #tpu.memory_space<vmem>>, vector<16xf32>,
      %parallel_loop3A_823 = vector.shape_cast %parallel_loop3A_822 : vector<16xf32> to vector<16xf32>
      %parallel_loop3A_824 = arith.constant 32 : i32
      %parallel_loop3A_825 = arith.addi %parallel_loop3A_776, %parallel_loop3A_824 : i32
      %parallel_loop3A_826 = arith.index_cast %parallel_loop3A_825 : i32 to index
      %parallel_loop3A_827 = tpu.vector_load %arg7[%parallel_loop3A_826] {strides = array<i32>} : memref<8192xf32, #tpu.memory_space<vmem>>, vector<16xf32>,
      %parallel_loop3A_828 = vector.shape_cast %parallel_loop3A_827 : vector<16xf32> to vector<16xf32>
      %parallel_loop3A_829 = arith.constant 5.000000e-01 : f32
      %parallel_loop3A_830 = vector.broadcast %parallel_loop3A_829 : f32 to vector<16xf32>
      %parallel_loop3A_831 = arith.cmpf oge, %parallel_loop3A_828, %parallel_loop3A_830 : vector<16xf32>
      %parallel_loop3A_832 = arith.constant 0.000000e+00 : f32
      %parallel_loop3A_833 = vector.broadcast %parallel_loop3A_832 : f32 to vector<16xf32>
      %parallel_loop3A_834 = arith.select %parallel_loop3A_831, %parallel_loop3A_823, %parallel_loop3A_833 : vector<16xi1>, vector<16xf32>
      %parallel_loop3A_835 = arith.maximumf %parallel_loop3A_779, %parallel_loop3A_834 : vector<16xf32>
      %parallel_loop3A_836 = arith.constant 48 : i32
      %parallel_loop3A_837 = arith.addi %parallel_loop3A_776, %parallel_loop3A_836 : i32
      %parallel_loop3A_838 = arith.index_cast %parallel_loop3A_837 : i32 to index
      %parallel_loop3A_839 = tpu.vector_load %arg5[%parallel_loop3A_838] {strides = array<i32>} : memref<8192xf32, #tpu.memory_space<vmem>>, vector<16xf32>,
      %parallel_loop3A_840 = vector.shape_cast %parallel_loop3A_839 : vector<16xf32> to vector<16xf32>
      %parallel_loop3A_841 = arith.constant 48 : i32
      %parallel_loop3A_842 = arith.addi %parallel_loop3A_776, %parallel_loop3A_841 : i32
      %parallel_loop3A_843 = arith.index_cast %parallel_loop3A_842 : i32 to index
      %parallel_loop3A_844 = tpu.vector_load %arg7[%parallel_loop3A_843] {strides = array<i32>} : memref<8192xf32, #tpu.memory_space<vmem>>, vector<16xf32>,
      %parallel_loop3A_845 = vector.shape_cast %parallel_loop3A_844 : vector<16xf32> to vector<16xf32>
      %parallel_loop3A_846 = arith.constant 5.000000e-01 : f32
      %parallel_loop3A_847 = vector.broadcast %parallel_loop3A_846 : f32 to vector<16xf32>
      %parallel_loop3A_848 = arith.cmpf oge, %parallel_loop3A_845, %parallel_loop3A_847 : vector<16xf32>
      %parallel_loop3A_849 = arith.constant 0.000000e+00 : f32
      %parallel_loop3A_850 = vector.broadcast %parallel_loop3A_849 : f32 to vector<16xf32>
      %parallel_loop3A_851 = arith.select %parallel_loop3A_848, %parallel_loop3A_840, %parallel_loop3A_850 : vector<16xi1>, vector<16xf32>
      %parallel_loop3A_852 = arith.maximumf %parallel_loop3A_780, %parallel_loop3A_851 : vector<16xf32>
      %parallel_loop3A_853 = arith.constant 64 : i32
      %parallel_loop3A_854 = arith.addi %parallel_loop3A_776, %parallel_loop3A_853 : i32
      %parallel_loop3A_855 = arith.index_cast %parallel_loop3A_854 : i32 to index
      %parallel_loop3A_856 = tpu.vector_load %arg5[%parallel_loop3A_855] {strides = array<i32>} : memref<8192xf32, #tpu.memory_space<vmem>>, vector<16xf32>,
      %parallel_loop3A_857 = vector.shape_cast %parallel_loop3A_856 : vector<16xf32> to vector<16xf32>
      %parallel_loop3A_858 = arith.constant 64 : i32
      %parallel_loop3A_859 = arith.addi %parallel_loop3A_776, %parallel_loop3A_858 : i32
      %parallel_loop3A_860 = arith.index_cast %parallel_loop3A_859 : i32 to index
      %parallel_loop3A_861 = tpu.vector_load %arg7[%parallel_loop3A_860] {strides = array<i32>} : memref<8192xf32, #tpu.memory_space<vmem>>, vector<16xf32>,
      %parallel_loop3A_862 = vector.shape_cast %parallel_loop3A_861 : vector<16xf32> to vector<16xf32>
      %parallel_loop3A_863 = arith.constant 5.000000e-01 : f32
      %parallel_loop3A_864 = vector.broadcast %parallel_loop3A_863 : f32 to vector<16xf32>
      %parallel_loop3A_865 = arith.cmpf oge, %parallel_loop3A_862, %parallel_loop3A_864 : vector<16xf32>
      %parallel_loop3A_866 = arith.constant 0.000000e+00 : f32
      %parallel_loop3A_867 = vector.broadcast %parallel_loop3A_866 : f32 to vector<16xf32>
      %parallel_loop3A_868 = arith.select %parallel_loop3A_865, %parallel_loop3A_857, %parallel_loop3A_867 : vector<16xi1>, vector<16xf32>
      %parallel_loop3A_869 = arith.maximumf %parallel_loop3A_781, %parallel_loop3A_868 : vector<16xf32>
      %parallel_loop3A_870 = arith.constant 80 : i32
      %parallel_loop3A_871 = arith.addi %parallel_loop3A_776, %parallel_loop3A_870 : i32
      %parallel_loop3A_872 = arith.index_cast %parallel_loop3A_871 : i32 to index
      %parallel_loop3A_873 = tpu.vector_load %arg5[%parallel_loop3A_872] {strides = array<i32>} : memref<8192xf32, #tpu.memory_space<vmem>>, vector<16xf32>,
      %parallel_loop3A_874 = vector.shape_cast %parallel_loop3A_873 : vector<16xf32> to vector<16xf32>
      %parallel_loop3A_875 = arith.constant 80 : i32
      %parallel_loop3A_876 = arith.addi %parallel_loop3A_776, %parallel_loop3A_875 : i32
      %parallel_loop3A_877 = arith.index_cast %parallel_loop3A_876 : i32 to index
      %parallel_loop3A_878 = tpu.vector_load %arg7[%parallel_loop3A_877] {strides = array<i32>} : memref<8192xf32, #tpu.memory_space<vmem>>, vector<16xf32>,
      %parallel_loop3A_879 = vector.shape_cast %parallel_loop3A_878 : vector<16xf32> to vector<16xf32>
      %parallel_loop3A_880 = arith.constant 5.000000e-01 : f32
      %parallel_loop3A_881 = vector.broadcast %parallel_loop3A_880 : f32 to vector<16xf32>
      %parallel_loop3A_882 = arith.cmpf oge, %parallel_loop3A_879, %parallel_loop3A_881 : vector<16xf32>
      %parallel_loop3A_883 = arith.constant 0.000000e+00 : f32
      %parallel_loop3A_884 = vector.broadcast %parallel_loop3A_883 : f32 to vector<16xf32>
      %parallel_loop3A_885 = arith.select %parallel_loop3A_882, %parallel_loop3A_874, %parallel_loop3A_884 : vector<16xi1>, vector<16xf32>
      %parallel_loop3A_886 = arith.maximumf %parallel_loop3A_782, %parallel_loop3A_885 : vector<16xf32>
      %parallel_loop3A_887 = arith.constant 96 : i32
      %parallel_loop3A_888 = arith.addi %parallel_loop3A_776, %parallel_loop3A_887 : i32
      %parallel_loop3A_889 = arith.index_cast %parallel_loop3A_888 : i32 to index
      %parallel_loop3A_890 = tpu.vector_load %arg5[%parallel_loop3A_889] {strides = array<i32>} : memref<8192xf32, #tpu.memory_space<vmem>>, vector<16xf32>,
      %parallel_loop3A_891 = vector.shape_cast %parallel_loop3A_890 : vector<16xf32> to vector<16xf32>
      %parallel_loop3A_892 = arith.constant 96 : i32
      %parallel_loop3A_893 = arith.addi %parallel_loop3A_776, %parallel_loop3A_892 : i32
      %parallel_loop3A_894 = arith.index_cast %parallel_loop3A_893 : i32 to index
      %parallel_loop3A_895 = tpu.vector_load %arg7[%parallel_loop3A_894] {strides = array<i32>} : memref<8192xf32, #tpu.memory_space<vmem>>, vector<16xf32>,
      %parallel_loop3A_896 = vector.shape_cast %parallel_loop3A_895 : vector<16xf32> to vector<16xf32>
      %parallel_loop3A_897 = arith.constant 5.000000e-01 : f32
      %parallel_loop3A_898 = vector.broadcast %parallel_loop3A_897 : f32 to vector<16xf32>
      %parallel_loop3A_899 = arith.cmpf oge, %parallel_loop3A_896, %parallel_loop3A_898 : vector<16xf32>
      %parallel_loop3A_900 = arith.constant 0.000000e+00 : f32
      %parallel_loop3A_901 = vector.broadcast %parallel_loop3A_900 : f32 to vector<16xf32>
      %parallel_loop3A_902 = arith.select %parallel_loop3A_899, %parallel_loop3A_891, %parallel_loop3A_901 : vector<16xi1>, vector<16xf32>
      %parallel_loop3A_903 = arith.maximumf %parallel_loop3A_783, %parallel_loop3A_902 : vector<16xf32>
      %parallel_loop3A_904 = arith.constant 112 : i32
      %parallel_loop3A_905 = arith.addi %parallel_loop3A_776, %parallel_loop3A_904 : i32
      %parallel_loop3A_906 = arith.index_cast %parallel_loop3A_905 : i32 to index
      %parallel_loop3A_907 = tpu.vector_load %arg5[%parallel_loop3A_906] {strides = array<i32>} : memref<8192xf32, #tpu.memory_space<vmem>>, vector<16xf32>,
      %parallel_loop3A_908 = vector.shape_cast %parallel_loop3A_907 : vector<16xf32> to vector<16xf32>
      %parallel_loop3A_909 = arith.constant 112 : i32
      %parallel_loop3A_910 = arith.addi %parallel_loop3A_776, %parallel_loop3A_909 : i32
      %parallel_loop3A_911 = arith.index_cast %parallel_loop3A_910 : i32 to index
      %parallel_loop3A_912 = tpu.vector_load %arg7[%parallel_loop3A_911] {strides = array<i32>} : memref<8192xf32, #tpu.memory_space<vmem>>, vector<16xf32>,
      %parallel_loop3A_913 = vector.shape_cast %parallel_loop3A_912 : vector<16xf32> to vector<16xf32>
      %parallel_loop3A_914 = arith.constant 5.000000e-01 : f32
      %parallel_loop3A_915 = vector.broadcast %parallel_loop3A_914 : f32 to vector<16xf32>
      %parallel_loop3A_916 = arith.cmpf oge, %parallel_loop3A_913, %parallel_loop3A_915 : vector<16xf32>
      %parallel_loop3A_917 = arith.constant 0.000000e+00 : f32
      %parallel_loop3A_918 = vector.broadcast %parallel_loop3A_917 : f32 to vector<16xf32>
      %parallel_loop3A_919 = arith.select %parallel_loop3A_916, %parallel_loop3A_908, %parallel_loop3A_918 : vector<16xi1>, vector<16xf32>
      %parallel_loop3A_920 = arith.maximumf %parallel_loop3A_784, %parallel_loop3A_919 : vector<16xf32>
      scf.yield %parallel_loop3A_801, %parallel_loop3A_818, %parallel_loop3A_835, %parallel_loop3A_852, %parallel_loop3A_869, %parallel_loop3A_886, %parallel_loop3A_903, %parallel_loop3A_920 : vector<16xf32>, vector<16xf32>, vector<16xf32>, vector<16xf32>, vector<16xf32>, vector<16xf32>, vector<16xf32>, vector<16xf32>
    } {sc.loop_unroll_factor = 4 : i64, sc.parallel_access}
    %max3A_463 = arith.maximumf %parallel_loop3A_462#0, %parallel_loop3A_462#1 : vector<16xf32>
    %max3A_464 = arith.maximumf %max3A_463, %parallel_loop3A_462#2 : vector<16xf32>
    %max3A_465 = arith.maximumf %max3A_464, %parallel_loop3A_462#3 : vector<16xf32>
    %max3A_466 = arith.maximumf %max3A_465, %parallel_loop3A_462#4 : vector<16xf32>
    %max3A_467 = arith.maximumf %max3A_466, %parallel_loop3A_462#5 : vector<16xf32>
    %max3A_468 = arith.maximumf %max3A_467, %parallel_loop3A_462#6 : vector<16xf32>
    %max3A_469 = arith.maximumf %max3A_468, %parallel_loop3A_462#7 : vector<16xf32>
    %swap3A_470 = arith.constant 4 : i32
    %swap3A_471 = arith.index_cast %swap3A_470 : i32 to index
    %swap3A_472 = arith.constant 0 : index
    %swap3A_473 = tpu.vector_load %arg9[%swap3A_471, %swap3A_472] {strides = array<i32>} : memref<6x16xf32, #tpu.memory_space<vmem>>, vector<1x16xf32>,
    %swap3A_474 = vector.shape_cast %swap3A_473 : vector<1x16xf32> to vector<16xf32>
    %swap3A_475 = vector.shape_cast %max3A_469 : vector<16xf32> to vector<1x16xf32>
    tpu.vector_store %arg9[%swap3A_471, %swap3A_472], %swap3A_475 {strides = array<i32>} : memref<6x16xf32, #tpu.memory_space<vmem>>, vector<1x16xf32>,
    %dma_wait3A_476 = arith.constant 0 : i32
    %dma_wait3A_477 = arith.constant 0 : i32
    %dma_wait3A_478 = tpu.memref_slice %arg2[%dma_wait3A_476, %dma_wait3A_477] : memref<128x32768xf32, #tpu.memory_space<hbm>> -> memref<1x8192xf32, #tpu.memory_space<hbm>>
    %dma_wait3A_479 = tpu.memref_squeeze %dma_wait3A_478 : memref<1x8192xf32, #tpu.memory_space<hbm>> -> memref<8192xf32, #tpu.memory_space<hbm>>
    %dma_wait3A_480 = arith.constant 0 : i32
    %dma_wait3A_481 = tpu.memref_slice %arg2[%dma_wait3A_476, %dma_wait3A_480] : memref<128x32768xf32, #tpu.memory_space<hbm>> -> memref<1x8192xf32, #tpu.memory_space<hbm>>
    %dma_wait3A_482 = tpu.memref_squeeze %dma_wait3A_481 : memref<1x8192xf32, #tpu.memory_space<hbm>> -> memref<8192xf32, #tpu.memory_space<hbm>>
    tpu.wait_dma2 semaphore(%arg11 : memref<!tpu.dma_semaphore, #tpu.memory_space<semaphore_mem>>) src(%dma_wait3A_482 : memref<8192xf32, #tpu.memory_space<hbm>>) dst(%arg6 : memref<8192xf32, #tpu.memory_space<vmem>>)
    %dma_wait3A_483 = arith.constant 0 : i32
    %dma_wait3A_484 = arith.constant 0 : i32
    %dma_wait3A_485 = tpu.memref_slice %arg3[%dma_wait3A_483, %dma_wait3A_484] : memref<128x32768xf32, #tpu.memory_space<hbm>> -> memref<1x8192xf32, #tpu.memory_space<hbm>>
    %dma_wait3A_486 = tpu.memref_squeeze %dma_wait3A_485 : memref<1x8192xf32, #tpu.memory_space<hbm>> -> memref<8192xf32, #tpu.memory_space<hbm>>
    %dma_wait3A_487 = arith.constant 0 : i32
    %dma_wait3A_488 = tpu.memref_slice %arg3[%dma_wait3A_483, %dma_wait3A_487] : memref<128x32768xf32, #tpu.memory_space<hbm>> -> memref<1x8192xf32, #tpu.memory_space<hbm>>
    %dma_wait3A_489 = tpu.memref_squeeze %dma_wait3A_488 : memref<1x8192xf32, #tpu.memory_space<hbm>> -> memref<8192xf32, #tpu.memory_space<hbm>>
    tpu.wait_dma2 semaphore(%arg13 : memref<!tpu.dma_semaphore, #tpu.memory_space<semaphore_mem>>) src(%dma_wait3A_489 : memref<8192xf32, #tpu.memory_space<hbm>>) dst(%arg8 : memref<8192xf32, #tpu.memory_space<vmem>>)
    %parallel_loop3A_490 = arith.constant 0 : i32
    %parallel_loop3A_491 = arith.constant 8192 : i32
    %parallel_loop3A_492 = arith.constant 128 : i32
    %parallel_loop3A_493:8 = scf.for %parallel_loop3A_776 = %parallel_loop3A_490 to %parallel_loop3A_491 step %parallel_loop3A_492 iter_args(%parallel_loop3A_777 = %broadcast_in_dim3A_3, %parallel_loop3A_778 = %broadcast_in_dim3A_5, %parallel_loop3A_779 = %broadcast_in_dim3A_7, %parallel_loop3A_780 = %broadcast_in_dim3A_9, %parallel_loop3A_781 = %broadcast_in_dim3A_11, %parallel_loop3A_782 = %broadcast_in_dim3A_13, %parallel_loop3A_783 = %broadcast_in_dim3A_15, %parallel_loop3A_784 = %broadcast_in_dim3A_17) -> (vector<16xf32>, vector<16xf32>, vector<16xf32>, vector<16xf32>, vector<16xf32>, vector<16xf32>, vector<16xf32>, vector<16xf32>)  : i32 {
      %parallel_loop3A_785 = arith.constant 0 : i32
      %parallel_loop3A_786 = arith.addi %parallel_loop3A_776, %parallel_loop3A_785 : i32
      %parallel_loop3A_787 = arith.index_cast %parallel_loop3A_786 : i32 to index
      %parallel_loop3A_788 = tpu.vector_load %arg6[%parallel_loop3A_787] {strides = array<i32>} : memref<8192xf32, #tpu.memory_space<vmem>>, vector<16xf32>,
      %parallel_loop3A_789 = vector.shape_cast %parallel_loop3A_788 : vector<16xf32> to vector<16xf32>
      %parallel_loop3A_790 = arith.constant 0 : i32
      %parallel_loop3A_791 = arith.addi %parallel_loop3A_776, %parallel_loop3A_790 : i32
      %parallel_loop3A_792 = arith.index_cast %parallel_loop3A_791 : i32 to index
      %parallel_loop3A_793 = tpu.vector_load %arg8[%parallel_loop3A_792] {strides = array<i32>} : memref<8192xf32, #tpu.memory_space<vmem>>, vector<16xf32>,
      %parallel_loop3A_794 = vector.shape_cast %parallel_loop3A_793 : vector<16xf32> to vector<16xf32>
      %parallel_loop3A_795 = arith.constant 5.000000e-01 : f32
      %parallel_loop3A_796 = vector.broadcast %parallel_loop3A_795 : f32 to vector<16xf32>
      %parallel_loop3A_797 = arith.cmpf oge, %parallel_loop3A_794, %parallel_loop3A_796 : vector<16xf32>
      %parallel_loop3A_798 = arith.constant 0.000000e+00 : f32
      %parallel_loop3A_799 = vector.broadcast %parallel_loop3A_798 : f32 to vector<16xf32>
      %parallel_loop3A_800 = arith.select %parallel_loop3A_797, %parallel_loop3A_789, %parallel_loop3A_799 : vector<16xi1>, vector<16xf32>
      %parallel_loop3A_801 = arith.maximumf %parallel_loop3A_777, %parallel_loop3A_800 : vector<16xf32>
      %parallel_loop3A_802 = arith.constant 16 : i32
      %parallel_loop3A_803 = arith.addi %parallel_loop3A_776, %parallel_loop3A_802 : i32
      %parallel_loop3A_804 = arith.index_cast %parallel_loop3A_803 : i32 to index
      %parallel_loop3A_805 = tpu.vector_load %arg6[%parallel_loop3A_804] {strides = array<i32>} : memref<8192xf32, #tpu.memory_space<vmem>>, vector<16xf32>,
      %parallel_loop3A_806 = vector.shape_cast %parallel_loop3A_805 : vector<16xf32> to vector<16xf32>
      %parallel_loop3A_807 = arith.constant 16 : i32
      %parallel_loop3A_808 = arith.addi %parallel_loop3A_776, %parallel_loop3A_807 : i32
      %parallel_loop3A_809 = arith.index_cast %parallel_loop3A_808 : i32 to index
      %parallel_loop3A_810 = tpu.vector_load %arg8[%parallel_loop3A_809] {strides = array<i32>} : memref<8192xf32, #tpu.memory_space<vmem>>, vector<16xf32>,
      %parallel_loop3A_811 = vector.shape_cast %parallel_loop3A_810 : vector<16xf32> to vector<16xf32>
      %parallel_loop3A_812 = arith.constant 5.000000e-01 : f32
      %parallel_loop3A_813 = vector.broadcast %parallel_loop3A_812 : f32 to vector<16xf32>
      %parallel_loop3A_814 = arith.cmpf oge, %parallel_loop3A_811, %parallel_loop3A_813 : vector<16xf32>
      %parallel_loop3A_815 = arith.constant 0.000000e+00 : f32
      %parallel_loop3A_816 = vector.broadcast %parallel_loop3A_815 : f32 to vector<16xf32>
      %parallel_loop3A_817 = arith.select %parallel_loop3A_814, %parallel_loop3A_806, %parallel_loop3A_816 : vector<16xi1>, vector<16xf32>
      %parallel_loop3A_818 = arith.maximumf %parallel_loop3A_778, %parallel_loop3A_817 : vector<16xf32>
      %parallel_loop3A_819 = arith.constant 32 : i32
      %parallel_loop3A_820 = arith.addi %parallel_loop3A_776, %parallel_loop3A_819 : i32
      %parallel_loop3A_821 = arith.index_cast %parallel_loop3A_820 : i32 to index
      %parallel_loop3A_822 = tpu.vector_load %arg6[%parallel_loop3A_821] {strides = array<i32>} : memref<8192xf32, #tpu.memory_space<vmem>>, vector<16xf32>,
      %parallel_loop3A_823 = vector.shape_cast %parallel_loop3A_822 : vector<16xf32> to vector<16xf32>
      %parallel_loop3A_824 = arith.constant 32 : i32
      %parallel_loop3A_825 = arith.addi %parallel_loop3A_776, %parallel_loop3A_824 : i32
      %parallel_loop3A_826 = arith.index_cast %parallel_loop3A_825 : i32 to index
      %parallel_loop3A_827 = tpu.vector_load %arg8[%parallel_loop3A_826] {strides = array<i32>} : memref<8192xf32, #tpu.memory_space<vmem>>, vector<16xf32>,
      %parallel_loop3A_828 = vector.shape_cast %parallel_loop3A_827 : vector<16xf32> to vector<16xf32>
      %parallel_loop3A_829 = arith.constant 5.000000e-01 : f32
      %parallel_loop3A_830 = vector.broadcast %parallel_loop3A_829 : f32 to vector<16xf32>
      %parallel_loop3A_831 = arith.cmpf oge, %parallel_loop3A_828, %parallel_loop3A_830 : vector<16xf32>
      %parallel_loop3A_832 = arith.constant 0.000000e+00 : f32
      %parallel_loop3A_833 = vector.broadcast %parallel_loop3A_832 : f32 to vector<16xf32>
      %parallel_loop3A_834 = arith.select %parallel_loop3A_831, %parallel_loop3A_823, %parallel_loop3A_833 : vector<16xi1>, vector<16xf32>
      %parallel_loop3A_835 = arith.maximumf %parallel_loop3A_779, %parallel_loop3A_834 : vector<16xf32>
      %parallel_loop3A_836 = arith.constant 48 : i32
      %parallel_loop3A_837 = arith.addi %parallel_loop3A_776, %parallel_loop3A_836 : i32
      %parallel_loop3A_838 = arith.index_cast %parallel_loop3A_837 : i32 to index
      %parallel_loop3A_839 = tpu.vector_load %arg6[%parallel_loop3A_838] {strides = array<i32>} : memref<8192xf32, #tpu.memory_space<vmem>>, vector<16xf32>,
      %parallel_loop3A_840 = vector.shape_cast %parallel_loop3A_839 : vector<16xf32> to vector<16xf32>
      %parallel_loop3A_841 = arith.constant 48 : i32
      %parallel_loop3A_842 = arith.addi %parallel_loop3A_776, %parallel_loop3A_841 : i32
      %parallel_loop3A_843 = arith.index_cast %parallel_loop3A_842 : i32 to index
      %parallel_loop3A_844 = tpu.vector_load %arg8[%parallel_loop3A_843] {strides = array<i32>} : memref<8192xf32, #tpu.memory_space<vmem>>, vector<16xf32>,
      %parallel_loop3A_845 = vector.shape_cast %parallel_loop3A_844 : vector<16xf32> to vector<16xf32>
      %parallel_loop3A_846 = arith.constant 5.000000e-01 : f32
      %parallel_loop3A_847 = vector.broadcast %parallel_loop3A_846 : f32 to vector<16xf32>
      %parallel_loop3A_848 = arith.cmpf oge, %parallel_loop3A_845, %parallel_loop3A_847 : vector<16xf32>
      %parallel_loop3A_849 = arith.constant 0.000000e+00 : f32
      %parallel_loop3A_850 = vector.broadcast %parallel_loop3A_849 : f32 to vector<16xf32>
      %parallel_loop3A_851 = arith.select %parallel_loop3A_848, %parallel_loop3A_840, %parallel_loop3A_850 : vector<16xi1>, vector<16xf32>
      %parallel_loop3A_852 = arith.maximumf %parallel_loop3A_780, %parallel_loop3A_851 : vector<16xf32>
      %parallel_loop3A_853 = arith.constant 64 : i32
      %parallel_loop3A_854 = arith.addi %parallel_loop3A_776, %parallel_loop3A_853 : i32
      %parallel_loop3A_855 = arith.index_cast %parallel_loop3A_854 : i32 to index
      %parallel_loop3A_856 = tpu.vector_load %arg6[%parallel_loop3A_855] {strides = array<i32>} : memref<8192xf32, #tpu.memory_space<vmem>>, vector<16xf32>,
      %parallel_loop3A_857 = vector.shape_cast %parallel_loop3A_856 : vector<16xf32> to vector<16xf32>
      %parallel_loop3A_858 = arith.constant 64 : i32
      %parallel_loop3A_859 = arith.addi %parallel_loop3A_776, %parallel_loop3A_858 : i32
      %parallel_loop3A_860 = arith.index_cast %parallel_loop3A_859 : i32 to index
      %parallel_loop3A_861 = tpu.vector_load %arg8[%parallel_loop3A_860] {strides = array<i32>} : memref<8192xf32, #tpu.memory_space<vmem>>, vector<16xf32>,
      %parallel_loop3A_862 = vector.shape_cast %parallel_loop3A_861 : vector<16xf32> to vector<16xf32>
      %parallel_loop3A_863 = arith.constant 5.000000e-01 : f32
      %parallel_loop3A_864 = vector.broadcast %parallel_loop3A_863 : f32 to vector<16xf32>
      %parallel_loop3A_865 = arith.cmpf oge, %parallel_loop3A_862, %parallel_loop3A_864 : vector<16xf32>
      %parallel_loop3A_866 = arith.constant 0.000000e+00 : f32
      %parallel_loop3A_867 = vector.broadcast %parallel_loop3A_866 : f32 to vector<16xf32>
      %parallel_loop3A_868 = arith.select %parallel_loop3A_865, %parallel_loop3A_857, %parallel_loop3A_867 : vector<16xi1>, vector<16xf32>
      %parallel_loop3A_869 = arith.maximumf %parallel_loop3A_781, %parallel_loop3A_868 : vector<16xf32>
      %parallel_loop3A_870 = arith.constant 80 : i32
      %parallel_loop3A_871 = arith.addi %parallel_loop3A_776, %parallel_loop3A_870 : i32
      %parallel_loop3A_872 = arith.index_cast %parallel_loop3A_871 : i32 to index
      %parallel_loop3A_873 = tpu.vector_load %arg6[%parallel_loop3A_872] {strides = array<i32>} : memref<8192xf32, #tpu.memory_space<vmem>>, vector<16xf32>,
      %parallel_loop3A_874 = vector.shape_cast %parallel_loop3A_873 : vector<16xf32> to vector<16xf32>
      %parallel_loop3A_875 = arith.constant 80 : i32
      %parallel_loop3A_876 = arith.addi %parallel_loop3A_776, %parallel_loop3A_875 : i32
      %parallel_loop3A_877 = arith.index_cast %parallel_loop3A_876 : i32 to index
      %parallel_loop3A_878 = tpu.vector_load %arg8[%parallel_loop3A_877] {strides = array<i32>} : memref<8192xf32, #tpu.memory_space<vmem>>, vector<16xf32>,
      %parallel_loop3A_879 = vector.shape_cast %parallel_loop3A_878 : vector<16xf32> to vector<16xf32>
      %parallel_loop3A_880 = arith.constant 5.000000e-01 : f32
      %parallel_loop3A_881 = vector.broadcast %parallel_loop3A_880 : f32 to vector<16xf32>
      %parallel_loop3A_882 = arith.cmpf oge, %parallel_loop3A_879, %parallel_loop3A_881 : vector<16xf32>
      %parallel_loop3A_883 = arith.constant 0.000000e+00 : f32
      %parallel_loop3A_884 = vector.broadcast %parallel_loop3A_883 : f32 to vector<16xf32>
      %parallel_loop3A_885 = arith.select %parallel_loop3A_882, %parallel_loop3A_874, %parallel_loop3A_884 : vector<16xi1>, vector<16xf32>
      %parallel_loop3A_886 = arith.maximumf %parallel_loop3A_782, %parallel_loop3A_885 : vector<16xf32>
      %parallel_loop3A_887 = arith.constant 96 : i32
      %parallel_loop3A_888 = arith.addi %parallel_loop3A_776, %parallel_loop3A_887 : i32
      %parallel_loop3A_889 = arith.index_cast %parallel_loop3A_888 : i32 to index
      %parallel_loop3A_890 = tpu.vector_load %arg6[%parallel_loop3A_889] {strides = array<i32>} : memref<8192xf32, #tpu.memory_space<vmem>>, vector<16xf32>,
      %parallel_loop3A_891 = vector.shape_cast %parallel_loop3A_890 : vector<16xf32> to vector<16xf32>
      %parallel_loop3A_892 = arith.constant 96 : i32
      %parallel_loop3A_893 = arith.addi %parallel_loop3A_776, %parallel_loop3A_892 : i32
      %parallel_loop3A_894 = arith.index_cast %parallel_loop3A_893 : i32 to index
      %parallel_loop3A_895 = tpu.vector_load %arg8[%parallel_loop3A_894] {strides = array<i32>} : memref<8192xf32, #tpu.memory_space<vmem>>, vector<16xf32>,
      %parallel_loop3A_896 = vector.shape_cast %parallel_loop3A_895 : vector<16xf32> to vector<16xf32>
      %parallel_loop3A_897 = arith.constant 5.000000e-01 : f32
      %parallel_loop3A_898 = vector.broadcast %parallel_loop3A_897 : f32 to vector<16xf32>
      %parallel_loop3A_899 = arith.cmpf oge, %parallel_loop3A_896, %parallel_loop3A_898 : vector<16xf32>
      %parallel_loop3A_900 = arith.constant 0.000000e+00 : f32
      %parallel_loop3A_901 = vector.broadcast %parallel_loop3A_900 : f32 to vector<16xf32>
      %parallel_loop3A_902 = arith.select %parallel_loop3A_899, %parallel_loop3A_891, %parallel_loop3A_901 : vector<16xi1>, vector<16xf32>
      %parallel_loop3A_903 = arith.maximumf %parallel_loop3A_783, %parallel_loop3A_902 : vector<16xf32>
      %parallel_loop3A_904 = arith.constant 112 : i32
      %parallel_loop3A_905 = arith.addi %parallel_loop3A_776, %parallel_loop3A_904 : i32
      %parallel_loop3A_906 = arith.index_cast %parallel_loop3A_905 : i32 to index
      %parallel_loop3A_907 = tpu.vector_load %arg6[%parallel_loop3A_906] {strides = array<i32>} : memref<8192xf32, #tpu.memory_space<vmem>>, vector<16xf32>,
      %parallel_loop3A_908 = vector.shape_cast %parallel_loop3A_907 : vector<16xf32> to vector<16xf32>
      %parallel_loop3A_909 = arith.constant 112 : i32
      %parallel_loop3A_910 = arith.addi %parallel_loop3A_776, %parallel_loop3A_909 : i32
      %parallel_loop3A_911 = arith.index_cast %parallel_loop3A_910 : i32 to index
      %parallel_loop3A_912 = tpu.vector_load %arg8[%parallel_loop3A_911] {strides = array<i32>} : memref<8192xf32, #tpu.memory_space<vmem>>, vector<16xf32>,
      %parallel_loop3A_913 = vector.shape_cast %parallel_loop3A_912 : vector<16xf32> to vector<16xf32>
      %parallel_loop3A_914 = arith.constant 5.000000e-01 : f32
      %parallel_loop3A_915 = vector.broadcast %parallel_loop3A_914 : f32 to vector<16xf32>
      %parallel_loop3A_916 = arith.cmpf oge, %parallel_loop3A_913, %parallel_loop3A_915 : vector<16xf32>
      %parallel_loop3A_917 = arith.constant 0.000000e+00 : f32
      %parallel_loop3A_918 = vector.broadcast %parallel_loop3A_917 : f32 to vector<16xf32>
      %parallel_loop3A_919 = arith.select %parallel_loop3A_916, %parallel_loop3A_908, %parallel_loop3A_918 : vector<16xi1>, vector<16xf32>
      %parallel_loop3A_920 = arith.maximumf %parallel_loop3A_784, %parallel_loop3A_919 : vector<16xf32>
      scf.yield %parallel_loop3A_801, %parallel_loop3A_818, %parallel_loop3A_835, %parallel_loop3A_852, %parallel_loop3A_869, %parallel_loop3A_886, %parallel_loop3A_903, %parallel_loop3A_920 : vector<16xf32>, vector<16xf32>, vector<16xf32>, vector<16xf32>, vector<16xf32>, vector<16xf32>, vector<16xf32>, vector<16xf32>
    } {sc.loop_unroll_factor = 4 : i64, sc.parallel_access}
    %max3A_494 = arith.maximumf %parallel_loop3A_493#0, %parallel_loop3A_493#1 : vector<16xf32>
    %max3A_495 = arith.maximumf %max3A_494, %parallel_loop3A_493#2 : vector<16xf32>
    %max3A_496 = arith.maximumf %max3A_495, %parallel_loop3A_493#3 : vector<16xf32>
    %max3A_497 = arith.maximumf %max3A_496, %parallel_loop3A_493#4 : vector<16xf32>
    %max3A_498 = arith.maximumf %max3A_497, %parallel_loop3A_493#5 : vector<16xf32>
    %max3A_499 = arith.maximumf %max3A_498, %parallel_loop3A_493#6 : vector<16xf32>
    %max3A_500 = arith.maximumf %max3A_499, %parallel_loop3A_493#7 : vector<16xf32>
    %swap3A_501 = arith.constant 5 : i32
    %swap3A_502 = arith.index_cast %swap3A_501 : i32 to index
    %swap3A_503 = arith.constant 0 : index
    %swap3A_504 = tpu.vector_load %arg9[%swap3A_502, %swap3A_503] {strides = array<i32>} : memref<6x16xf32, #tpu.memory_space<vmem>>, vector<1x16xf32>,
    %swap3A_505 = vector.shape_cast %swap3A_504 : vector<1x16xf32> to vector<16xf32>
    %swap3A_506 = vector.shape_cast %max3A_500 : vector<16xf32> to vector<1x16xf32>
    tpu.vector_store %arg9[%swap3A_502, %swap3A_503], %swap3A_506 {strides = array<i32>} : memref<6x16xf32, #tpu.memory_space<vmem>>, vector<1x16xf32>,
    %add3A_507 = arith.constant 0 : i32
    %add3A_508 = arith.addi %mul3A_2, %add3A_507 : i32
    %jit3A_509 = arith.constant 4 : i32
    %div3A_510 = arith.divsi %add3A_508, %jit3A_509 : i32
    %sign3A_511 = arith.constant 0 : i32
    %sign3A_512 = arith.cmpi sgt, %add3A_508, %sign3A_511 : i32
    %sign3A_513 = arith.extui %sign3A_512 : i1 to i32
    %sign3A_514 = arith.constant 0 : i32
    %sign3A_515 = arith.cmpi slt, %add3A_508, %sign3A_514 : i32
    %sign3A_516 = arith.extui %sign3A_515 : i1 to i32
    %sign3A_517 = arith.subi %sign3A_513, %sign3A_516 : i32
    %sign3A_518 = arith.constant 0 : i32
    %sign3A_519 = arith.cmpi sgt, %jit3A_509, %sign3A_518 : i32
    %sign3A_520 = arith.extui %sign3A_519 : i1 to i32
    %sign3A_521 = arith.constant 0 : i32
    %sign3A_522 = arith.cmpi slt, %jit3A_509, %sign3A_521 : i32
    %sign3A_523 = arith.extui %sign3A_522 : i1 to i32
    %sign3A_524 = arith.subi %sign3A_520, %sign3A_523 : i32
    %ne3A_525 = arith.cmpi ne, %sign3A_517, %sign3A_524 : i32
    %rem3A_526 = arith.remsi %add3A_508, %jit3A_509 : i32
    %ne3A_527 = arith.constant 0 : i32
    %ne3A_528 = arith.cmpi ne, %rem3A_526, %ne3A_527 : i32
    %and3A_529 = arith.andi %ne3A_525, %ne3A_528 : i1
    %sub3A_530 = arith.constant 1 : i32
    %sub3A_531 = arith.subi %div3A_510, %sub3A_530 : i32
    %select_n3A_532 = arith.select %and3A_529, %sub3A_531, %div3A_510 : i32
    %jit3A_533 = arith.constant 4 : i32
    %eq3A_534 = arith.constant 0 : i32
    %eq3A_535 = arith.cmpi eq, %jit3A_533, %eq3A_534 : i32
    %jit3A_536 = arith.constant 1 : i32
    %select_n3A_537 = arith.select %eq3A_535, %jit3A_536, %jit3A_533 : i32
    %rem3A_538 = arith.remsi %add3A_508, %select_n3A_537 : i32
    %ne3A_539 = arith.constant 0 : i32
    %ne3A_540 = arith.cmpi ne, %rem3A_538, %ne3A_539 : i32
    %lt3A_541 = arith.constant 0 : i32
    %lt3A_542 = arith.cmpi slt, %rem3A_538, %lt3A_541 : i32
    %lt3A_543 = arith.constant 0 : i32
    %lt3A_544 = arith.cmpi slt, %select_n3A_537, %lt3A_543 : i32
    %ne3A_545 = arith.xori %lt3A_542, %lt3A_544 : i1
    %and3A_546 = arith.andi %ne3A_545, %ne3A_540 : i1
    %add3A_547 = arith.addi %rem3A_538, %select_n3A_537 : i32
    %select_n3A_548 = arith.select %and3A_546, %add3A_547, %rem3A_538 : i32
    %mul3A_549 = arith.constant 16 : i32
    %mul3A_550 = arith.muli %select_n3A_548, %mul3A_549 : i32
    %run_scoped3A = arith.constant 0 : i32
    "tpu.region"() ({
      %run_scoped3A_776 = tpu.sem_alloc : memref<!tpu.dma_semaphore, #tpu.memory_space<semaphore_mem>>
      %dma_start3A_777 = arith.constant 0 : i32
      %dma_start3A_778 = tpu.memref_slice %arg9[%run_scoped3A, %dma_start3A_777] : memref<6x16xf32, #tpu.memory_space<vmem>> -> memref<1x16xf32, #tpu.memory_space<vmem>>
      %dma_start3A_779 = tpu.memref_squeeze %dma_start3A_778 : memref<1x16xf32, #tpu.memory_space<vmem>> -> memref<16xf32, #tpu.memory_space<vmem>>
      %dma_start3A_780 = tpu.memref_slice %arg4[%select_n3A_532, %mul3A_550] : memref<48x64xf32, #tpu.memory_space<hbm>> -> memref<1x16xf32, #tpu.memory_space<hbm>>
      %dma_start3A_781 = tpu.memref_squeeze %dma_start3A_780 : memref<1x16xf32, #tpu.memory_space<hbm>> -> memref<16xf32, #tpu.memory_space<hbm>>
      %dma_start3A_782 = tpu.memref_slice %arg4[%select_n3A_532, %mul3A_550] : memref<48x64xf32, #tpu.memory_space<hbm>> -> memref<1x16xf32, #tpu.memory_space<hbm>>
      %dma_start3A_783 = tpu.memref_squeeze %dma_start3A_782 : memref<1x16xf32, #tpu.memory_space<hbm>> -> memref<16xf32, #tpu.memory_space<hbm>>
      %dma_start3A_784 = arith.constant 0 : i32
      %dma_start3A_785 = tpu.memref_slice %arg9[%run_scoped3A, %dma_start3A_784] : memref<6x16xf32, #tpu.memory_space<vmem>> -> memref<1x16xf32, #tpu.memory_space<vmem>>
      %dma_start3A_786 = tpu.memref_squeeze %dma_start3A_785 : memref<1x16xf32, #tpu.memory_space<vmem>> -> memref<16xf32, #tpu.memory_space<vmem>>
      tpu.enqueue_dma source(%dma_start3A_786 : memref<16xf32, #tpu.memory_space<vmem>>) target(%dma_start3A_783 : memref<16xf32, #tpu.memory_space<hbm>>) target_semaphore(%run_scoped3A_776 : memref<!tpu.dma_semaphore, #tpu.memory_space<semaphore_mem>>)
      %dma_wait3A_787 = arith.constant 0 : i32
      %dma_wait3A_788 = tpu.memref_slice %arg9[%run_scoped3A, %dma_wait3A_787] : memref<6x16xf32, #tpu.memory_space<vmem>> -> memref<1x16xf32, #tpu.memory_space<vmem>>
      %dma_wait3A_789 = tpu.memref_squeeze %dma_wait3A_788 : memref<1x16xf32, #tpu.memory_space<vmem>> -> memref<16xf32, #tpu.memory_space<vmem>>
      %dma_wait3A_790 = tpu.memref_slice %arg4[%select_n3A_532, %mul3A_550] : memref<48x64xf32, #tpu.memory_space<hbm>> -> memref<1x16xf32, #tpu.memory_space<hbm>>
      %dma_wait3A_791 = tpu.memref_squeeze %dma_wait3A_790 : memref<1x16xf32, #tpu.memory_space<hbm>> -> memref<16xf32, #tpu.memory_space<hbm>>
      %dma_wait3A_792 = tpu.memref_slice %arg4[%select_n3A_532, %mul3A_550] : memref<48x64xf32, #tpu.memory_space<hbm>> -> memref<1x16xf32, #tpu.memory_space<hbm>>
      %dma_wait3A_793 = tpu.memref_squeeze %dma_wait3A_792 : memref<1x16xf32, #tpu.memory_space<hbm>> -> memref<16xf32, #tpu.memory_space<hbm>>
      %dma_wait3A_794 = arith.constant 0 : i32
      %dma_wait3A_795 = tpu.memref_slice %arg9[%run_scoped3A, %dma_wait3A_794] : memref<6x16xf32, #tpu.memory_space<vmem>> -> memref<1x16xf32, #tpu.memory_space<vmem>>
      %dma_wait3A_796 = tpu.memref_squeeze %dma_wait3A_795 : memref<1x16xf32, #tpu.memory_space<vmem>> -> memref<16xf32, #tpu.memory_space<vmem>>
      tpu.wait_dma2 semaphore(%run_scoped3A_776 : memref<!tpu.dma_semaphore, #tpu.memory_space<semaphore_mem>>) src(%dma_wait3A_796 : memref<16xf32, #tpu.memory_space<vmem>>) dst(%dma_wait3A_793 : memref<16xf32, #tpu.memory_space<hbm>>)
      tpu.yield
    }) : () -> ()
    %add3A_551 = arith.constant 1 : i32
    %add3A_552 = arith.addi %mul3A_2, %add3A_551 : i32
    %jit3A_553 = arith.constant 4 : i32
    %div3A_554 = arith.divsi %add3A_552, %jit3A_553 : i32
    %sign3A_555 = arith.constant 0 : i32
    %sign3A_556 = arith.cmpi sgt, %add3A_552, %sign3A_555 : i32
    %sign3A_557 = arith.extui %sign3A_556 : i1 to i32
    %sign3A_558 = arith.constant 0 : i32
    %sign3A_559 = arith.cmpi slt, %add3A_552, %sign3A_558 : i32
    %sign3A_560 = arith.extui %sign3A_559 : i1 to i32
    %sign3A_561 = arith.subi %sign3A_557, %sign3A_560 : i32
    %sign3A_562 = arith.constant 0 : i32
    %sign3A_563 = arith.cmpi sgt, %jit3A_553, %sign3A_562 : i32
    %sign3A_564 = arith.extui %sign3A_563 : i1 to i32
    %sign3A_565 = arith.constant 0 : i32
    %sign3A_566 = arith.cmpi slt, %jit3A_553, %sign3A_565 : i32
    %sign3A_567 = arith.extui %sign3A_566 : i1 to i32
    %sign3A_568 = arith.subi %sign3A_564, %sign3A_567 : i32
    %ne3A_569 = arith.cmpi ne, %sign3A_561, %sign3A_568 : i32
    %rem3A_570 = arith.remsi %add3A_552, %jit3A_553 : i32
    %ne3A_571 = arith.constant 0 : i32
    %ne3A_572 = arith.cmpi ne, %rem3A_570, %ne3A_571 : i32
    %and3A_573 = arith.andi %ne3A_569, %ne3A_572 : i1
    %sub3A_574 = arith.constant 1 : i32
    %sub3A_575 = arith.subi %div3A_554, %sub3A_574 : i32
    %select_n3A_576 = arith.select %and3A_573, %sub3A_575, %div3A_554 : i32
    %jit3A_577 = arith.constant 4 : i32
    %eq3A_578 = arith.constant 0 : i32
    %eq3A_579 = arith.cmpi eq, %jit3A_577, %eq3A_578 : i32
    %jit3A_580 = arith.constant 1 : i32
    %select_n3A_581 = arith.select %eq3A_579, %jit3A_580, %jit3A_577 : i32
    %rem3A_582 = arith.remsi %add3A_552, %select_n3A_581 : i32
    %ne3A_583 = arith.constant 0 : i32
    %ne3A_584 = arith.cmpi ne, %rem3A_582, %ne3A_583 : i32
    %lt3A_585 = arith.constant 0 : i32
    %lt3A_586 = arith.cmpi slt, %rem3A_582, %lt3A_585 : i32
    %lt3A_587 = arith.constant 0 : i32
    %lt3A_588 = arith.cmpi slt, %select_n3A_581, %lt3A_587 : i32
    %ne3A_589 = arith.xori %lt3A_586, %lt3A_588 : i1
    %and3A_590 = arith.andi %ne3A_589, %ne3A_584 : i1
    %add3A_591 = arith.addi %rem3A_582, %select_n3A_581 : i32
    %select_n3A_592 = arith.select %and3A_590, %add3A_591, %rem3A_582 : i32
    %mul3A_593 = arith.constant 16 : i32
    %mul3A_594 = arith.muli %select_n3A_592, %mul3A_593 : i32
    %run_scoped3A_595 = arith.constant 1 : i32
    "tpu.region"() ({
      %run_scoped3A_776 = tpu.sem_alloc : memref<!tpu.dma_semaphore, #tpu.memory_space<semaphore_mem>>
      %dma_start3A_777 = arith.constant 0 : i32
      %dma_start3A_778 = tpu.memref_slice %arg9[%run_scoped3A_595, %dma_start3A_777] : memref<6x16xf32, #tpu.memory_space<vmem>> -> memref<1x16xf32, #tpu.memory_space<vmem>>
      %dma_start3A_779 = tpu.memref_squeeze %dma_start3A_778 : memref<1x16xf32, #tpu.memory_space<vmem>> -> memref<16xf32, #tpu.memory_space<vmem>>
      %dma_start3A_780 = tpu.memref_slice %arg4[%select_n3A_576, %mul3A_594] : memref<48x64xf32, #tpu.memory_space<hbm>> -> memref<1x16xf32, #tpu.memory_space<hbm>>
      %dma_start3A_781 = tpu.memref_squeeze %dma_start3A_780 : memref<1x16xf32, #tpu.memory_space<hbm>> -> memref<16xf32, #tpu.memory_space<hbm>>
      %dma_start3A_782 = tpu.memref_slice %arg4[%select_n3A_576, %mul3A_594] : memref<48x64xf32, #tpu.memory_space<hbm>> -> memref<1x16xf32, #tpu.memory_space<hbm>>
      %dma_start3A_783 = tpu.memref_squeeze %dma_start3A_782 : memref<1x16xf32, #tpu.memory_space<hbm>> -> memref<16xf32, #tpu.memory_space<hbm>>
      %dma_start3A_784 = arith.constant 0 : i32
      %dma_start3A_785 = tpu.memref_slice %arg9[%run_scoped3A_595, %dma_start3A_784] : memref<6x16xf32, #tpu.memory_space<vmem>> -> memref<1x16xf32, #tpu.memory_space<vmem>>
      %dma_start3A_786 = tpu.memref_squeeze %dma_start3A_785 : memref<1x16xf32, #tpu.memory_space<vmem>> -> memref<16xf32, #tpu.memory_space<vmem>>
      tpu.enqueue_dma source(%dma_start3A_786 : memref<16xf32, #tpu.memory_space<vmem>>) target(%dma_start3A_783 : memref<16xf32, #tpu.memory_space<hbm>>) target_semaphore(%run_scoped3A_776 : memref<!tpu.dma_semaphore, #tpu.memory_space<semaphore_mem>>)
      %dma_wait3A_787 = arith.constant 0 : i32
      %dma_wait3A_788 = tpu.memref_slice %arg9[%run_scoped3A_595, %dma_wait3A_787] : memref<6x16xf32, #tpu.memory_space<vmem>> -> memref<1x16xf32, #tpu.memory_space<vmem>>
      %dma_wait3A_789 = tpu.memref_squeeze %dma_wait3A_788 : memref<1x16xf32, #tpu.memory_space<vmem>> -> memref<16xf32, #tpu.memory_space<vmem>>
      %dma_wait3A_790 = tpu.memref_slice %arg4[%select_n3A_576, %mul3A_594] : memref<48x64xf32, #tpu.memory_space<hbm>> -> memref<1x16xf32, #tpu.memory_space<hbm>>
      %dma_wait3A_791 = tpu.memref_squeeze %dma_wait3A_790 : memref<1x16xf32, #tpu.memory_space<hbm>> -> memref<16xf32, #tpu.memory_space<hbm>>
      %dma_wait3A_792 = tpu.memref_slice %arg4[%select_n3A_576, %mul3A_594] : memref<48x64xf32, #tpu.memory_space<hbm>> -> memref<1x16xf32, #tpu.memory_space<hbm>>
      %dma_wait3A_793 = tpu.memref_squeeze %dma_wait3A_792 : memref<1x16xf32, #tpu.memory_space<hbm>> -> memref<16xf32, #tpu.memory_space<hbm>>
      %dma_wait3A_794 = arith.constant 0 : i32
      %dma_wait3A_795 = tpu.memref_slice %arg9[%run_scoped3A_595, %dma_wait3A_794] : memref<6x16xf32, #tpu.memory_space<vmem>> -> memref<1x16xf32, #tpu.memory_space<vmem>>
      %dma_wait3A_796 = tpu.memref_squeeze %dma_wait3A_795 : memref<1x16xf32, #tpu.memory_space<vmem>> -> memref<16xf32, #tpu.memory_space<vmem>>
      tpu.wait_dma2 semaphore(%run_scoped3A_776 : memref<!tpu.dma_semaphore, #tpu.memory_space<semaphore_mem>>) src(%dma_wait3A_796 : memref<16xf32, #tpu.memory_space<vmem>>) dst(%dma_wait3A_793 : memref<16xf32, #tpu.memory_space<hbm>>)
      tpu.yield
    }) : () -> ()
    %add3A_596 = arith.constant 2 : i32
    %add3A_597 = arith.addi %mul3A_2, %add3A_596 : i32
    %jit3A_598 = arith.constant 4 : i32
    %div3A_599 = arith.divsi %add3A_597, %jit3A_598 : i32
    %sign3A_600 = arith.constant 0 : i32
    %sign3A_601 = arith.cmpi sgt, %add3A_597, %sign3A_600 : i32
    %sign3A_602 = arith.extui %sign3A_601 : i1 to i32
    %sign3A_603 = arith.constant 0 : i32
    %sign3A_604 = arith.cmpi slt, %add3A_597, %sign3A_603 : i32
    %sign3A_605 = arith.extui %sign3A_604 : i1 to i32
    %sign3A_606 = arith.subi %sign3A_602, %sign3A_605 : i32
    %sign3A_607 = arith.constant 0 : i32
    %sign3A_608 = arith.cmpi sgt, %jit3A_598, %sign3A_607 : i32
    %sign3A_609 = arith.extui %sign3A_608 : i1 to i32
    %sign3A_610 = arith.constant 0 : i32
    %sign3A_611 = arith.cmpi slt, %jit3A_598, %sign3A_610 : i32
    %sign3A_612 = arith.extui %sign3A_611 : i1 to i32
    %sign3A_613 = arith.subi %sign3A_609, %sign3A_612 : i32
    %ne3A_614 = arith.cmpi ne, %sign3A_606, %sign3A_613 : i32
    %rem3A_615 = arith.remsi %add3A_597, %jit3A_598 : i32
    %ne3A_616 = arith.constant 0 : i32
    %ne3A_617 = arith.cmpi ne, %rem3A_615, %ne3A_616 : i32
    %and3A_618 = arith.andi %ne3A_614, %ne3A_617 : i1
    %sub3A_619 = arith.constant 1 : i32
    %sub3A_620 = arith.subi %div3A_599, %sub3A_619 : i32
    %select_n3A_621 = arith.select %and3A_618, %sub3A_620, %div3A_599 : i32
    %jit3A_622 = arith.constant 4 : i32
    %eq3A_623 = arith.constant 0 : i32
    %eq3A_624 = arith.cmpi eq, %jit3A_622, %eq3A_623 : i32
    %jit3A_625 = arith.constant 1 : i32
    %select_n3A_626 = arith.select %eq3A_624, %jit3A_625, %jit3A_622 : i32
    %rem3A_627 = arith.remsi %add3A_597, %select_n3A_626 : i32
    %ne3A_628 = arith.constant 0 : i32
    %ne3A_629 = arith.cmpi ne, %rem3A_627, %ne3A_628 : i32
    %lt3A_630 = arith.constant 0 : i32
    %lt3A_631 = arith.cmpi slt, %rem3A_627, %lt3A_630 : i32
    %lt3A_632 = arith.constant 0 : i32
    %lt3A_633 = arith.cmpi slt, %select_n3A_626, %lt3A_632 : i32
    %ne3A_634 = arith.xori %lt3A_631, %lt3A_633 : i1
    %and3A_635 = arith.andi %ne3A_634, %ne3A_629 : i1
    %add3A_636 = arith.addi %rem3A_627, %select_n3A_626 : i32
    %select_n3A_637 = arith.select %and3A_635, %add3A_636, %rem3A_627 : i32
    %mul3A_638 = arith.constant 16 : i32
    %mul3A_639 = arith.muli %select_n3A_637, %mul3A_638 : i32
    %run_scoped3A_640 = arith.constant 2 : i32
    "tpu.region"() ({
      %run_scoped3A_776 = tpu.sem_alloc : memref<!tpu.dma_semaphore, #tpu.memory_space<semaphore_mem>>
      %dma_start3A_777 = arith.constant 0 : i32
      %dma_start3A_778 = tpu.memref_slice %arg9[%run_scoped3A_640, %dma_start3A_777] : memref<6x16xf32, #tpu.memory_space<vmem>> -> memref<1x16xf32, #tpu.memory_space<vmem>>
      %dma_start3A_779 = tpu.memref_squeeze %dma_start3A_778 : memref<1x16xf32, #tpu.memory_space<vmem>> -> memref<16xf32, #tpu.memory_space<vmem>>
      %dma_start3A_780 = tpu.memref_slice %arg4[%select_n3A_621, %mul3A_639] : memref<48x64xf32, #tpu.memory_space<hbm>> -> memref<1x16xf32, #tpu.memory_space<hbm>>
      %dma_start3A_781 = tpu.memref_squeeze %dma_start3A_780 : memref<1x16xf32, #tpu.memory_space<hbm>> -> memref<16xf32, #tpu.memory_space<hbm>>
      %dma_start3A_782 = tpu.memref_slice %arg4[%select_n3A_621, %mul3A_639] : memref<48x64xf32, #tpu.memory_space<hbm>> -> memref<1x16xf32, #tpu.memory_space<hbm>>
      %dma_start3A_783 = tpu.memref_squeeze %dma_start3A_782 : memref<1x16xf32, #tpu.memory_space<hbm>> -> memref<16xf32, #tpu.memory_space<hbm>>
      %dma_start3A_784 = arith.constant 0 : i32
      %dma_start3A_785 = tpu.memref_slice %arg9[%run_scoped3A_640, %dma_start3A_784] : memref<6x16xf32, #tpu.memory_space<vmem>> -> memref<1x16xf32, #tpu.memory_space<vmem>>
      %dma_start3A_786 = tpu.memref_squeeze %dma_start3A_785 : memref<1x16xf32, #tpu.memory_space<vmem>> -> memref<16xf32, #tpu.memory_space<vmem>>
      tpu.enqueue_dma source(%dma_start3A_786 : memref<16xf32, #tpu.memory_space<vmem>>) target(%dma_start3A_783 : memref<16xf32, #tpu.memory_space<hbm>>) target_semaphore(%run_scoped3A_776 : memref<!tpu.dma_semaphore, #tpu.memory_space<semaphore_mem>>)
      %dma_wait3A_787 = arith.constant 0 : i32
      %dma_wait3A_788 = tpu.memref_slice %arg9[%run_scoped3A_640, %dma_wait3A_787] : memref<6x16xf32, #tpu.memory_space<vmem>> -> memref<1x16xf32, #tpu.memory_space<vmem>>
      %dma_wait3A_789 = tpu.memref_squeeze %dma_wait3A_788 : memref<1x16xf32, #tpu.memory_space<vmem>> -> memref<16xf32, #tpu.memory_space<vmem>>
      %dma_wait3A_790 = tpu.memref_slice %arg4[%select_n3A_621, %mul3A_639] : memref<48x64xf32, #tpu.memory_space<hbm>> -> memref<1x16xf32, #tpu.memory_space<hbm>>
      %dma_wait3A_791 = tpu.memref_squeeze %dma_wait3A_790 : memref<1x16xf32, #tpu.memory_space<hbm>> -> memref<16xf32, #tpu.memory_space<hbm>>
      %dma_wait3A_792 = tpu.memref_slice %arg4[%select_n3A_621, %mul3A_639] : memref<48x64xf32, #tpu.memory_space<hbm>> -> memref<1x16xf32, #tpu.memory_space<hbm>>
      %dma_wait3A_793 = tpu.memref_squeeze %dma_wait3A_792 : memref<1x16xf32, #tpu.memory_space<hbm>> -> memref<16xf32, #tpu.memory_space<hbm>>
      %dma_wait3A_794 = arith.constant 0 : i32
      %dma_wait3A_795 = tpu.memref_slice %arg9[%run_scoped3A_640, %dma_wait3A_794] : memref<6x16xf32, #tpu.memory_space<vmem>> -> memref<1x16xf32, #tpu.memory_space<vmem>>
      %dma_wait3A_796 = tpu.memref_squeeze %dma_wait3A_795 : memref<1x16xf32, #tpu.memory_space<vmem>> -> memref<16xf32, #tpu.memory_space<vmem>>
      tpu.wait_dma2 semaphore(%run_scoped3A_776 : memref<!tpu.dma_semaphore, #tpu.memory_space<semaphore_mem>>) src(%dma_wait3A_796 : memref<16xf32, #tpu.memory_space<vmem>>) dst(%dma_wait3A_793 : memref<16xf32, #tpu.memory_space<hbm>>)
      tpu.yield
    }) : () -> ()
    %add3A_641 = arith.constant 3 : i32
    %add3A_642 = arith.addi %mul3A_2, %add3A_641 : i32
    %jit3A_643 = arith.constant 4 : i32
    %div3A_644 = arith.divsi %add3A_642, %jit3A_643 : i32
    %sign3A_645 = arith.constant 0 : i32
    %sign3A_646 = arith.cmpi sgt, %add3A_642, %sign3A_645 : i32
    %sign3A_647 = arith.extui %sign3A_646 : i1 to i32
    %sign3A_648 = arith.constant 0 : i32
    %sign3A_649 = arith.cmpi slt, %add3A_642, %sign3A_648 : i32
    %sign3A_650 = arith.extui %sign3A_649 : i1 to i32
    %sign3A_651 = arith.subi %sign3A_647, %sign3A_650 : i32
    %sign3A_652 = arith.constant 0 : i32
    %sign3A_653 = arith.cmpi sgt, %jit3A_643, %sign3A_652 : i32
    %sign3A_654 = arith.extui %sign3A_653 : i1 to i32
    %sign3A_655 = arith.constant 0 : i32
    %sign3A_656 = arith.cmpi slt, %jit3A_643, %sign3A_655 : i32
    %sign3A_657 = arith.extui %sign3A_656 : i1 to i32
    %sign3A_658 = arith.subi %sign3A_654, %sign3A_657 : i32
    %ne3A_659 = arith.cmpi ne, %sign3A_651, %sign3A_658 : i32
    %rem3A_660 = arith.remsi %add3A_642, %jit3A_643 : i32
    %ne3A_661 = arith.constant 0 : i32
    %ne3A_662 = arith.cmpi ne, %rem3A_660, %ne3A_661 : i32
    %and3A_663 = arith.andi %ne3A_659, %ne3A_662 : i1
    %sub3A_664 = arith.constant 1 : i32
    %sub3A_665 = arith.subi %div3A_644, %sub3A_664 : i32
    %select_n3A_666 = arith.select %and3A_663, %sub3A_665, %div3A_644 : i32
    %jit3A_667 = arith.constant 4 : i32
    %eq3A_668 = arith.constant 0 : i32
    %eq3A_669 = arith.cmpi eq, %jit3A_667, %eq3A_668 : i32
    %jit3A_670 = arith.constant 1 : i32
    %select_n3A_671 = arith.select %eq3A_669, %jit3A_670, %jit3A_667 : i32
    %rem3A_672 = arith.remsi %add3A_642, %select_n3A_671 : i32
    %ne3A_673 = arith.constant 0 : i32
    %ne3A_674 = arith.cmpi ne, %rem3A_672, %ne3A_673 : i32
    %lt3A_675 = arith.constant 0 : i32
    %lt3A_676 = arith.cmpi slt, %rem3A_672, %lt3A_675 : i32
    %lt3A_677 = arith.constant 0 : i32
    %lt3A_678 = arith.cmpi slt, %select_n3A_671, %lt3A_677 : i32
    %ne3A_679 = arith.xori %lt3A_676, %lt3A_678 : i1
    %and3A_680 = arith.andi %ne3A_679, %ne3A_674 : i1
    %add3A_681 = arith.addi %rem3A_672, %select_n3A_671 : i32
    %select_n3A_682 = arith.select %and3A_680, %add3A_681, %rem3A_672 : i32
    %mul3A_683 = arith.constant 16 : i32
    %mul3A_684 = arith.muli %select_n3A_682, %mul3A_683 : i32
    %run_scoped3A_685 = arith.constant 3 : i32
    "tpu.region"() ({
      %run_scoped3A_776 = tpu.sem_alloc : memref<!tpu.dma_semaphore, #tpu.memory_space<semaphore_mem>>
      %dma_start3A_777 = arith.constant 0 : i32
      %dma_start3A_778 = tpu.memref_slice %arg9[%run_scoped3A_685, %dma_start3A_777] : memref<6x16xf32, #tpu.memory_space<vmem>> -> memref<1x16xf32, #tpu.memory_space<vmem>>
      %dma_start3A_779 = tpu.memref_squeeze %dma_start3A_778 : memref<1x16xf32, #tpu.memory_space<vmem>> -> memref<16xf32, #tpu.memory_space<vmem>>
      %dma_start3A_780 = tpu.memref_slice %arg4[%select_n3A_666, %mul3A_684] : memref<48x64xf32, #tpu.memory_space<hbm>> -> memref<1x16xf32, #tpu.memory_space<hbm>>
      %dma_start3A_781 = tpu.memref_squeeze %dma_start3A_780 : memref<1x16xf32, #tpu.memory_space<hbm>> -> memref<16xf32, #tpu.memory_space<hbm>>
      %dma_start3A_782 = tpu.memref_slice %arg4[%select_n3A_666, %mul3A_684] : memref<48x64xf32, #tpu.memory_space<hbm>> -> memref<1x16xf32, #tpu.memory_space<hbm>>
      %dma_start3A_783 = tpu.memref_squeeze %dma_start3A_782 : memref<1x16xf32, #tpu.memory_space<hbm>> -> memref<16xf32, #tpu.memory_space<hbm>>
      %dma_start3A_784 = arith.constant 0 : i32
      %dma_start3A_785 = tpu.memref_slice %arg9[%run_scoped3A_685, %dma_start3A_784] : memref<6x16xf32, #tpu.memory_space<vmem>> -> memref<1x16xf32, #tpu.memory_space<vmem>>
      %dma_start3A_786 = tpu.memref_squeeze %dma_start3A_785 : memref<1x16xf32, #tpu.memory_space<vmem>> -> memref<16xf32, #tpu.memory_space<vmem>>
      tpu.enqueue_dma source(%dma_start3A_786 : memref<16xf32, #tpu.memory_space<vmem>>) target(%dma_start3A_783 : memref<16xf32, #tpu.memory_space<hbm>>) target_semaphore(%run_scoped3A_776 : memref<!tpu.dma_semaphore, #tpu.memory_space<semaphore_mem>>)
      %dma_wait3A_787 = arith.constant 0 : i32
      %dma_wait3A_788 = tpu.memref_slice %arg9[%run_scoped3A_685, %dma_wait3A_787] : memref<6x16xf32, #tpu.memory_space<vmem>> -> memref<1x16xf32, #tpu.memory_space<vmem>>
      %dma_wait3A_789 = tpu.memref_squeeze %dma_wait3A_788 : memref<1x16xf32, #tpu.memory_space<vmem>> -> memref<16xf32, #tpu.memory_space<vmem>>
      %dma_wait3A_790 = tpu.memref_slice %arg4[%select_n3A_666, %mul3A_684] : memref<48x64xf32, #tpu.memory_space<hbm>> -> memref<1x16xf32, #tpu.memory_space<hbm>>
      %dma_wait3A_791 = tpu.memref_squeeze %dma_wait3A_790 : memref<1x16xf32, #tpu.memory_space<hbm>> -> memref<16xf32, #tpu.memory_space<hbm>>
      %dma_wait3A_792 = tpu.memref_slice %arg4[%select_n3A_666, %mul3A_684] : memref<48x64xf32, #tpu.memory_space<hbm>> -> memref<1x16xf32, #tpu.memory_space<hbm>>
      %dma_wait3A_793 = tpu.memref_squeeze %dma_wait3A_792 : memref<1x16xf32, #tpu.memory_space<hbm>> -> memref<16xf32, #tpu.memory_space<hbm>>
      %dma_wait3A_794 = arith.constant 0 : i32
      %dma_wait3A_795 = tpu.memref_slice %arg9[%run_scoped3A_685, %dma_wait3A_794] : memref<6x16xf32, #tpu.memory_space<vmem>> -> memref<1x16xf32, #tpu.memory_space<vmem>>
      %dma_wait3A_796 = tpu.memref_squeeze %dma_wait3A_795 : memref<1x16xf32, #tpu.memory_space<vmem>> -> memref<16xf32, #tpu.memory_space<vmem>>
      tpu.wait_dma2 semaphore(%run_scoped3A_776 : memref<!tpu.dma_semaphore, #tpu.memory_space<semaphore_mem>>) src(%dma_wait3A_796 : memref<16xf32, #tpu.memory_space<vmem>>) dst(%dma_wait3A_793 : memref<16xf32, #tpu.memory_space<hbm>>)
      tpu.yield
    }) : () -> ()
    %add3A_686 = arith.constant 4 : i32
    %add3A_687 = arith.addi %mul3A_2, %add3A_686 : i32
    %jit3A_688 = arith.constant 4 : i32
    %div3A_689 = arith.divsi %add3A_687, %jit3A_688 : i32
    %sign3A_690 = arith.constant 0 : i32
    %sign3A_691 = arith.cmpi sgt, %add3A_687, %sign3A_690 : i32
    %sign3A_692 = arith.extui %sign3A_691 : i1 to i32
    %sign3A_693 = arith.constant 0 : i32
    %sign3A_694 = arith.cmpi slt, %add3A_687, %sign3A_693 : i32
    %sign3A_695 = arith.extui %sign3A_694 : i1 to i32
    %sign3A_696 = arith.subi %sign3A_692, %sign3A_695 : i32
    %sign3A_697 = arith.constant 0 : i32
    %sign3A_698 = arith.cmpi sgt, %jit3A_688, %sign3A_697 : i32
    %sign3A_699 = arith.extui %sign3A_698 : i1 to i32
    %sign3A_700 = arith.constant 0 : i32
    %sign3A_701 = arith.cmpi slt, %jit3A_688, %sign3A_700 : i32
    %sign3A_702 = arith.extui %sign3A_701 : i1 to i32
    %sign3A_703 = arith.subi %sign3A_699, %sign3A_702 : i32
    %ne3A_704 = arith.cmpi ne, %sign3A_696, %sign3A_703 : i32
    %rem3A_705 = arith.remsi %add3A_687, %jit3A_688 : i32
    %ne3A_706 = arith.constant 0 : i32
    %ne3A_707 = arith.cmpi ne, %rem3A_705, %ne3A_706 : i32
    %and3A_708 = arith.andi %ne3A_704, %ne3A_707 : i1
    %sub3A_709 = arith.constant 1 : i32
    %sub3A_710 = arith.subi %div3A_689, %sub3A_709 : i32
    %select_n3A_711 = arith.select %and3A_708, %sub3A_710, %div3A_689 : i32
    %jit3A_712 = arith.constant 4 : i32
    %eq3A_713 = arith.constant 0 : i32
    %eq3A_714 = arith.cmpi eq, %jit3A_712, %eq3A_713 : i32
    %jit3A_715 = arith.constant 1 : i32
    %select_n3A_716 = arith.select %eq3A_714, %jit3A_715, %jit3A_712 : i32
    %rem3A_717 = arith.remsi %add3A_687, %select_n3A_716 : i32
    %ne3A_718 = arith.constant 0 : i32
    %ne3A_719 = arith.cmpi ne, %rem3A_717, %ne3A_718 : i32
    %lt3A_720 = arith.constant 0 : i32
    %lt3A_721 = arith.cmpi slt, %rem3A_717, %lt3A_720 : i32
    %lt3A_722 = arith.constant 0 : i32
    %lt3A_723 = arith.cmpi slt, %select_n3A_716, %lt3A_722 : i32
    %ne3A_724 = arith.xori %lt3A_721, %lt3A_723 : i1
    %and3A_725 = arith.andi %ne3A_724, %ne3A_719 : i1
    %add3A_726 = arith.addi %rem3A_717, %select_n3A_716 : i32
    %select_n3A_727 = arith.select %and3A_725, %add3A_726, %rem3A_717 : i32
    %mul3A_728 = arith.constant 16 : i32
    %mul3A_729 = arith.muli %select_n3A_727, %mul3A_728 : i32
    %run_scoped3A_730 = arith.constant 4 : i32
    "tpu.region"() ({
      %run_scoped3A_776 = tpu.sem_alloc : memref<!tpu.dma_semaphore, #tpu.memory_space<semaphore_mem>>
      %dma_start3A_777 = arith.constant 0 : i32
      %dma_start3A_778 = tpu.memref_slice %arg9[%run_scoped3A_730, %dma_start3A_777] : memref<6x16xf32, #tpu.memory_space<vmem>> -> memref<1x16xf32, #tpu.memory_space<vmem>>
      %dma_start3A_779 = tpu.memref_squeeze %dma_start3A_778 : memref<1x16xf32, #tpu.memory_space<vmem>> -> memref<16xf32, #tpu.memory_space<vmem>>
      %dma_start3A_780 = tpu.memref_slice %arg4[%select_n3A_711, %mul3A_729] : memref<48x64xf32, #tpu.memory_space<hbm>> -> memref<1x16xf32, #tpu.memory_space<hbm>>
      %dma_start3A_781 = tpu.memref_squeeze %dma_start3A_780 : memref<1x16xf32, #tpu.memory_space<hbm>> -> memref<16xf32, #tpu.memory_space<hbm>>
      %dma_start3A_782 = tpu.memref_slice %arg4[%select_n3A_711, %mul3A_729] : memref<48x64xf32, #tpu.memory_space<hbm>> -> memref<1x16xf32, #tpu.memory_space<hbm>>
      %dma_start3A_783 = tpu.memref_squeeze %dma_start3A_782 : memref<1x16xf32, #tpu.memory_space<hbm>> -> memref<16xf32, #tpu.memory_space<hbm>>
      %dma_start3A_784 = arith.constant 0 : i32
      %dma_start3A_785 = tpu.memref_slice %arg9[%run_scoped3A_730, %dma_start3A_784] : memref<6x16xf32, #tpu.memory_space<vmem>> -> memref<1x16xf32, #tpu.memory_space<vmem>>
      %dma_start3A_786 = tpu.memref_squeeze %dma_start3A_785 : memref<1x16xf32, #tpu.memory_space<vmem>> -> memref<16xf32, #tpu.memory_space<vmem>>
      tpu.enqueue_dma source(%dma_start3A_786 : memref<16xf32, #tpu.memory_space<vmem>>) target(%dma_start3A_783 : memref<16xf32, #tpu.memory_space<hbm>>) target_semaphore(%run_scoped3A_776 : memref<!tpu.dma_semaphore, #tpu.memory_space<semaphore_mem>>)
      %dma_wait3A_787 = arith.constant 0 : i32
      %dma_wait3A_788 = tpu.memref_slice %arg9[%run_scoped3A_730, %dma_wait3A_787] : memref<6x16xf32, #tpu.memory_space<vmem>> -> memref<1x16xf32, #tpu.memory_space<vmem>>
      %dma_wait3A_789 = tpu.memref_squeeze %dma_wait3A_788 : memref<1x16xf32, #tpu.memory_space<vmem>> -> memref<16xf32, #tpu.memory_space<vmem>>
      %dma_wait3A_790 = tpu.memref_slice %arg4[%select_n3A_711, %mul3A_729] : memref<48x64xf32, #tpu.memory_space<hbm>> -> memref<1x16xf32, #tpu.memory_space<hbm>>
      %dma_wait3A_791 = tpu.memref_squeeze %dma_wait3A_790 : memref<1x16xf32, #tpu.memory_space<hbm>> -> memref<16xf32, #tpu.memory_space<hbm>>
      %dma_wait3A_792 = tpu.memref_slice %arg4[%select_n3A_711, %mul3A_729] : memref<48x64xf32, #tpu.memory_space<hbm>> -> memref<1x16xf32, #tpu.memory_space<hbm>>
      %dma_wait3A_793 = tpu.memref_squeeze %dma_wait3A_792 : memref<1x16xf32, #tpu.memory_space<hbm>> -> memref<16xf32, #tpu.memory_space<hbm>>
      %dma_wait3A_794 = arith.constant 0 : i32
      %dma_wait3A_795 = tpu.memref_slice %arg9[%run_scoped3A_730, %dma_wait3A_794] : memref<6x16xf32, #tpu.memory_space<vmem>> -> memref<1x16xf32, #tpu.memory_space<vmem>>
      %dma_wait3A_796 = tpu.memref_squeeze %dma_wait3A_795 : memref<1x16xf32, #tpu.memory_space<vmem>> -> memref<16xf32, #tpu.memory_space<vmem>>
      tpu.wait_dma2 semaphore(%run_scoped3A_776 : memref<!tpu.dma_semaphore, #tpu.memory_space<semaphore_mem>>) src(%dma_wait3A_796 : memref<16xf32, #tpu.memory_space<vmem>>) dst(%dma_wait3A_793 : memref<16xf32, #tpu.memory_space<hbm>>)
      tpu.yield
    }) : () -> ()
    %add3A_731 = arith.constant 5 : i32
    %add3A_732 = arith.addi %mul3A_2, %add3A_731 : i32
    %jit3A_733 = arith.constant 4 : i32
    %div3A_734 = arith.divsi %add3A_732, %jit3A_733 : i32
    %sign3A_735 = arith.constant 0 : i32
    %sign3A_736 = arith.cmpi sgt, %add3A_732, %sign3A_735 : i32
    %sign3A_737 = arith.extui %sign3A_736 : i1 to i32
    %sign3A_738 = arith.constant 0 : i32
    %sign3A_739 = arith.cmpi slt, %add3A_732, %sign3A_738 : i32
    %sign3A_740 = arith.extui %sign3A_739 : i1 to i32
    %sign3A_741 = arith.subi %sign3A_737, %sign3A_740 : i32
    %sign3A_742 = arith.constant 0 : i32
    %sign3A_743 = arith.cmpi sgt, %jit3A_733, %sign3A_742 : i32
    %sign3A_744 = arith.extui %sign3A_743 : i1 to i32
    %sign3A_745 = arith.constant 0 : i32
    %sign3A_746 = arith.cmpi slt, %jit3A_733, %sign3A_745 : i32
    %sign3A_747 = arith.extui %sign3A_746 : i1 to i32
    %sign3A_748 = arith.subi %sign3A_744, %sign3A_747 : i32
    %ne3A_749 = arith.cmpi ne, %sign3A_741, %sign3A_748 : i32
    %rem3A_750 = arith.remsi %add3A_732, %jit3A_733 : i32
    %ne3A_751 = arith.constant 0 : i32
    %ne3A_752 = arith.cmpi ne, %rem3A_750, %ne3A_751 : i32
    %and3A_753 = arith.andi %ne3A_749, %ne3A_752 : i1
    %sub3A_754 = arith.constant 1 : i32
    %sub3A_755 = arith.subi %div3A_734, %sub3A_754 : i32
    %select_n3A_756 = arith.select %and3A_753, %sub3A_755, %div3A_734 : i32
    %jit3A_757 = arith.constant 4 : i32
    %eq3A_758 = arith.constant 0 : i32
    %eq3A_759 = arith.cmpi eq, %jit3A_757, %eq3A_758 : i32
    %jit3A_760 = arith.constant 1 : i32
    %select_n3A_761 = arith.select %eq3A_759, %jit3A_760, %jit3A_757 : i32
    %rem3A_762 = arith.remsi %add3A_732, %select_n3A_761 : i32
    %ne3A_763 = arith.constant 0 : i32
    %ne3A_764 = arith.cmpi ne, %rem3A_762, %ne3A_763 : i32
    %lt3A_765 = arith.constant 0 : i32
    %lt3A_766 = arith.cmpi slt, %rem3A_762, %lt3A_765 : i32
    %lt3A_767 = arith.constant 0 : i32
    %lt3A_768 = arith.cmpi slt, %select_n3A_761, %lt3A_767 : i32
    %ne3A_769 = arith.xori %lt3A_766, %lt3A_768 : i1
    %and3A_770 = arith.andi %ne3A_769, %ne3A_764 : i1
    %add3A_771 = arith.addi %rem3A_762, %select_n3A_761 : i32
    %select_n3A_772 = arith.select %and3A_770, %add3A_771, %rem3A_762 : i32
    %mul3A_773 = arith.constant 16 : i32
    %mul3A_774 = arith.muli %select_n3A_772, %mul3A_773 : i32
    %run_scoped3A_775 = arith.constant 5 : i32
    "tpu.region"() ({
      %run_scoped3A_776 = tpu.sem_alloc : memref<!tpu.dma_semaphore, #tpu.memory_space<semaphore_mem>>
      %dma_start3A_777 = arith.constant 0 : i32
      %dma_start3A_778 = tpu.memref_slice %arg9[%run_scoped3A_775, %dma_start3A_777] : memref<6x16xf32, #tpu.memory_space<vmem>> -> memref<1x16xf32, #tpu.memory_space<vmem>>
      %dma_start3A_779 = tpu.memref_squeeze %dma_start3A_778 : memref<1x16xf32, #tpu.memory_space<vmem>> -> memref<16xf32, #tpu.memory_space<vmem>>
      %dma_start3A_780 = tpu.memref_slice %arg4[%select_n3A_756, %mul3A_774] : memref<48x64xf32, #tpu.memory_space<hbm>> -> memref<1x16xf32, #tpu.memory_space<hbm>>
      %dma_start3A_781 = tpu.memref_squeeze %dma_start3A_780 : memref<1x16xf32, #tpu.memory_space<hbm>> -> memref<16xf32, #tpu.memory_space<hbm>>
      %dma_start3A_782 = tpu.memref_slice %arg4[%select_n3A_756, %mul3A_774] : memref<48x64xf32, #tpu.memory_space<hbm>> -> memref<1x16xf32, #tpu.memory_space<hbm>>
      %dma_start3A_783 = tpu.memref_squeeze %dma_start3A_782 : memref<1x16xf32, #tpu.memory_space<hbm>> -> memref<16xf32, #tpu.memory_space<hbm>>
      %dma_start3A_784 = arith.constant 0 : i32
      %dma_start3A_785 = tpu.memref_slice %arg9[%run_scoped3A_775, %dma_start3A_784] : memref<6x16xf32, #tpu.memory_space<vmem>> -> memref<1x16xf32, #tpu.memory_space<vmem>>
      %dma_start3A_786 = tpu.memref_squeeze %dma_start3A_785 : memref<1x16xf32, #tpu.memory_space<vmem>> -> memref<16xf32, #tpu.memory_space<vmem>>
      tpu.enqueue_dma source(%dma_start3A_786 : memref<16xf32, #tpu.memory_space<vmem>>) target(%dma_start3A_783 : memref<16xf32, #tpu.memory_space<hbm>>) target_semaphore(%run_scoped3A_776 : memref<!tpu.dma_semaphore, #tpu.memory_space<semaphore_mem>>)
      %dma_wait3A_787 = arith.constant 0 : i32
      %dma_wait3A_788 = tpu.memref_slice %arg9[%run_scoped3A_775, %dma_wait3A_787] : memref<6x16xf32, #tpu.memory_space<vmem>> -> memref<1x16xf32, #tpu.memory_space<vmem>>
      %dma_wait3A_789 = tpu.memref_squeeze %dma_wait3A_788 : memref<1x16xf32, #tpu.memory_space<vmem>> -> memref<16xf32, #tpu.memory_space<vmem>>
      %dma_wait3A_790 = tpu.memref_slice %arg4[%select_n3A_756, %mul3A_774] : memref<48x64xf32, #tpu.memory_space<hbm>> -> memref<1x16xf32, #tpu.memory_space<hbm>>
      %dma_wait3A_791 = tpu.memref_squeeze %dma_wait3A_790 : memref<1x16xf32, #tpu.memory_space<hbm>> -> memref<16xf32, #tpu.memory_space<hbm>>
      %dma_wait3A_792 = tpu.memref_slice %arg4[%select_n3A_756, %mul3A_774] : memref<48x64xf32, #tpu.memory_space<hbm>> -> memref<1x16xf32, #tpu.memory_space<hbm>>
      %dma_wait3A_793 = tpu.memref_squeeze %dma_wait3A_792 : memref<1x16xf32, #tpu.memory_space<hbm>> -> memref<16xf32, #tpu.memory_space<hbm>>
      %dma_wait3A_794 = arith.constant 0 : i32
      %dma_wait3A_795 = tpu.memref_slice %arg9[%run_scoped3A_775, %dma_wait3A_794] : memref<6x16xf32, #tpu.memory_space<vmem>> -> memref<1x16xf32, #tpu.memory_space<vmem>>
      %dma_wait3A_796 = tpu.memref_squeeze %dma_wait3A_795 : memref<1x16xf32, #tpu.memory_space<vmem>> -> memref<16xf32, #tpu.memory_space<vmem>>
      tpu.wait_dma2 semaphore(%run_scoped3A_776 : memref<!tpu.dma_semaphore, #tpu.memory_space<semaphore_mem>>) src(%dma_wait3A_796 : memref<16xf32, #tpu.memory_space<vmem>>) dst(%dma_wait3A_793 : memref<16xf32, #tpu.memory_space<hbm>>)
      tpu.yield
    }) : () -> ()
    return
  }
}

module attributes {stable_mosaic.version = 14 : i64} {
  func.func @_rowmax_tc(%arg0: i32, %arg1: memref<8x32768xf32, #tpu.memory_space<vmem>>, %arg2: memref<8x32768xf32, #tpu.memory_space<vmem>>, %arg3: memref<8x1xf32, #tpu.memory_space<vmem>>) attributes {dimension_semantics = [#tpu.dimension_semantics<arbitrary>], iteration_bounds = array<i64: 10>, scalar_prefetch = 0 : i64, scratch_operands = 0 : i64, tpu.core_type = #tpu.core_type<tc>, window_params = [{transform_indices = @transform_0, window_bounds = array<i64: 8, 32768>}, {transform_indices = @transform_1, window_bounds = array<i64: 8, 32768>}, {transform_indices = @transform_2, window_bounds = array<i64: 8, 1>}]} {
    %get3A = arith.constant 0 : index
    %get3A_0 = arith.constant 0 : index
    %get3A_1 = vector.load %arg2[%get3A, %get3A_0] : memref<8x32768xf32, #tpu.memory_space<vmem>>, vector<8x32768xf32>
    %ge3A = arith.constant 5.000000e-01 : f32
    %ge3A_2 = vector.broadcast %ge3A : f32 to vector<8x32768xf32>
    %ge3A_3 = arith.cmpf oge, %get3A_1, %ge3A_2 : vector<8x32768xf32>
    %get3A_4 = arith.constant 0 : index
    %get3A_5 = arith.constant 0 : index
    %get3A_6 = vector.load %arg1[%get3A_4, %get3A_5] : memref<8x32768xf32, #tpu.memory_space<vmem>>, vector<8x32768xf32>
    %jit3A = arith.constant 0.000000e+00 : f32
    %broadcast_in_dim3A = vector.broadcast %jit3A : f32 to vector<8x32768xf32>
    %select_n3A = arith.select %ge3A_3, %get3A_6, %broadcast_in_dim3A : vector<8x32768xi1>, vector<8x32768xf32>
    %reduce_max3A = arith.constant dense<0xFF800000> : vector<8xf32>
    %reduce_max3A_7 = vector.multi_reduction <maximumf>, %select_n3A, %reduce_max3A [1] : vector<8x32768xf32> to vector<8xf32>
    %broadcast_in_dim3A_8 = vector.shape_cast %reduce_max3A_7 : vector<8xf32> to vector<8x1xf32>
    %swap3A = arith.constant 0 : index
    %swap3A_9 = arith.constant 0 : index
    %swap3A_10 = vector.load %arg3[%swap3A, %swap3A_9] : memref<8x1xf32, #tpu.memory_space<vmem>>, vector<8x1xf32>
    tpu.vector_store %arg3[%swap3A, %swap3A_9], %broadcast_in_dim3A_8 {strides = array<i32>} : memref<8x1xf32, #tpu.memory_space<vmem>>, vector<8x1xf32>,
    return
  }
  func.func @transform_0(%arg0: i32) -> (i32, i32) {
    %add3A = arith.constant 6 : i32
    %add3A_0 = arith.addi %arg0, %add3A : i32
    %c0_i32 = arith.constant 0 : i32
    %c0_i32_1 = arith.constant 0 : i32
    return %add3A_0, %c0_i32 : i32, i32
  }
  func.func @transform_1(%arg0: i32) -> (i32, i32) {
    %add3A = arith.constant 6 : i32
    %add3A_0 = arith.addi %arg0, %add3A : i32
    %c0_i32 = arith.constant 0 : i32
    %c0_i32_1 = arith.constant 0 : i32
    return %add3A_0, %c0_i32 : i32, i32
  }
  func.func @transform_2(%arg0: i32) -> (i32, i32) {
    %c0_i32 = arith.constant 0 : i32
    %c0_i32_0 = arith.constant 0 : i32
    return %arg0, %c0_i32 : i32, i32
  }
}

module attributes {stable_mosaic.version = 14 : i64} {
  func.func @_combine_tc(%arg0: memref<48x64xf32, #tpu.memory_space<vmem>>, %arg1: memref<80x1xf32, #tpu.memory_space<vmem>>, %arg2: memref<1x1xf32, #tpu.memory_space<smem>>) attributes {dimension_semantics = [], scalar_prefetch = 0 : i64, scratch_operands = 0 : i64, tpu.core_type = #tpu.core_type<tc>} {
    %get3A = arith.constant 0 : index
    %get3A_0 = arith.constant 0 : index
    %get3A_1 = vector.load %arg0[%get3A, %get3A_0] : memref<48x64xf32, #tpu.memory_space<vmem>>, vector<48x64xf32>
    %reduce_max3A = arith.constant dense<0xFF800000> : vector<48xf32>
    %reduce_max3A_2 = vector.multi_reduction <maximumf>, %get3A_1, %reduce_max3A [1] : vector<48x64xf32> to vector<48xf32>
    %reduce_sum3A = vector.shape_cast %reduce_max3A_2 : vector<48xf32> to vector<1x48xf32>
    %reduce_sum3A_3 = arith.constant dense<0.000000e+00> : vector<1xf32>
    %reduce_sum3A_4 = vector.multi_reduction <add>, %reduce_sum3A, %reduce_sum3A_3 [1] : vector<1x48xf32> to vector<1xf32>
    %reduce_sum3A_5 = vector.shape_cast %reduce_sum3A_4 : vector<1xf32> to vector<1x1xf32>
    %reduce_sum3A_6 = vector.extract %reduce_sum3A_5[0, 0] : f32 from vector<1x1xf32>
    %get3A_7 = arith.constant 0 : index
    %get3A_8 = arith.constant 0 : index
    %get3A_9 = vector.load %arg1[%get3A_7, %get3A_8] : memref<80x1xf32, #tpu.memory_space<vmem>>, vector<80x1xf32>
    %reduce_sum3A_10 = vector.shape_cast %get3A_9 : vector<80x1xf32> to vector<1x80x1xf32>
    %reduce_sum3A_11 = arith.constant dense<0.000000e+00> : vector<1xf32>
    %reduce_sum3A_12 = vector.multi_reduction <add>, %reduce_sum3A_10, %reduce_sum3A_11 [1, 2] : vector<1x80x1xf32> to vector<1xf32>
    %reduce_sum3A_13 = vector.shape_cast %reduce_sum3A_12 : vector<1xf32> to vector<1x1x1xf32>
    %reduce_sum3A_14 = vector.extract %reduce_sum3A_13[0, 0, 0] : f32 from vector<1x1x1xf32>
    %add3A = arith.addf %reduce_sum3A_6, %reduce_sum3A_14 : f32
    %mul3A = arith.constant 7.812500e-03 : f32
    %mul3A_15 = arith.mulf %add3A, %mul3A : f32
    %swap3A = arith.constant 0 : index
    %swap3A_16 = arith.constant 0 : index
    %swap3A_17 = memref.load %arg2[%swap3A, %swap3A_16] : memref<1x1xf32, #tpu.memory_space<smem>>
    memref.store %mul3A_15, %arg2[%swap3A, %swap3A_16] : memref<1x1xf32, #tpu.memory_space<smem>>
    return
  }
}

</mosaic_0001>

<sc_bundles>
// kernel: kernel.5.cloned.1.call-start
scs
__scs_entry_jumppad:
0x0: {  	(pc) =	sbr.rel $0x88, $3  }
0x1: {  	(tag) =	ssettag $0x0;
	lr =	simm.s32 $0x1  }
0x2: {  	[smem:$0x3F9F] =	sst lr;
	_ =	strace $0xD0000000  }
0x3: {  	_ = 	snop  }
0x4: {  	_ = 	snop  }
0x5: {  	_ = 	snop  }
0x6: {  	_ = 	snop  }
0x7: {  	_ = 	snop  }
__scs_overlays_trampoline_lowered:
0x8: {  	[smem:$0x3FAE] =	sst s0  }
0x9: {  	[smem:$0x3FAF] =	sst s1  }
0xa: {  	[smem:$0x3FB0] =	sst s2  }
0xb: {  	[smem:$0x3FB1] =	sst s3  }
0xc: {  	[smem:$0x3FB2] =	sst s4  }
0xd: {  	[smem:$0x3FB3] =	sst s5  }
0xe: {  	[smem:$0x3FB4] =	sst s6  }
0xf: {  	[smem:$0x3FB5] =	sst s7  }
0x10: {  	[smem:$0x3FB6] =	sst s8  }
0x11: {  	[smem:$0x3FB7] =	sst s9;
	s0 =	simm.s32 @!p0 $0x0  }
0x12: {  	s1 =	sld [smem:$0x3F9D];
	s0 =	simm.s32 @p0 $0x1  }
0x13: {  	[smem:$0x3FB8] =	sst s0;
	s0 =	simm.s32 @!p1 $0x0  }
0x14: {  	s2 =	sld [smem:$0x3F9C];
	s0 =	simm.s32 @p1 $0x1  }
0x15: {  	[smem:$0x3FB9] =	sst s0;
	s0 =	simm.s32 @!p2 $0x0  }
0x16: {  	s3 =	sld [smem:$0x3FDB];
	s0 =	simm.s32 @p2 $0x1  }
0x17: {  	s4 =	simm.s32 $0x1BF5;
	[smem:$0x3FBB] =	sst s0  }
0x18: {  	s0 =	sld [smem:$0x3F9E];
	_ =	swait.ge [sflag:s4], $0x0  }
0x19: {  	s7 =	sld [smem:$0x3F9F]  }
0x1a: {  	s8 =	sadd.s32 $0xFFFFE003, lr  }
0x1b: {  	s9 =	sadd.s32 $0xFFFFFEF7, lr;
	s5 =	simm.s32 $0xFFFFFFFF;
	p2 =	slt.u32 s8, $0xFFFFF086  }
0x1c: {  	p1 =	slt.u32 s9, $0xF7A;
	s5 =	simm.s32 @!p2 $0x0  }
0x1d: {  	s5 =	simm.s32 @p1 $0x1;
	p0 =	seq.s32 s7, s2  }
0x1e: {  	s7 =	smul.u32 @!p0 $0xF7A, s2;
	p2 =	seq.s32 @!p0 s5, $0x0  }
0x1f: {  	s9 =	smul.u32 $0xF7A, s1;
	s8 =	simm.s32 @!p0 $0x1BF5;
	p2 =	por !p2, p0  }
0x20: {  	[sflag:s8] =	ssyncset.s32 @!p0 $0xFFFFF086;
	s6 =	sadd.s32 @!p0 s3, s7;
	s7 =	simm.s32 @!p0 $0x108  }
0x21: {  	s3 =	sadd.s32 s3, s9;
	s6 =	sadd.s32 @!p0 $0x88, s6;
	s7 =	simm.s32 @p2 $0x1082  }
0x22: {  	[simem:s7], [sflag:s8] =	dma.local @!p0 [hbm:s6], $0xF7A  }
0x23: {  	s9 =	sor.u32 $0xD0000000, s2;
	s6 =	simm.s32 $0x108;
	_ =	swait.ge @!p0 [sflag:s8], $0x0  }
0x24: {  	s3 =	sadd.s32 $0x88, s3;
	s6 =	simm.s32 @!p1 $0x1082;
	[sflag:s4] =	ssyncset.s32 $0xFFFFF086  }
0x25: {  	[simem:s6], [sflag:s4] =	dma.local [hbm:s3], $0xF7A  }
0x26: {  	[smem:$0x3F9F] =	sst s1;
	(tag) =	ssettag s2;
	_ =	strace s9  }
0x27: {  	s1 =	sld [smem:$0x3FAF]  }
0x28: {  	s2 =	sld [smem:$0x3FB0]  }
0x29: {  	s4 =	sld [smem:$0x3FB2]  }
0x2a: {  	p0 =	seq.s32 s5, $0x0;
	s5 =	sld [smem:$0x3FB3]  }
0x2b: {  	s6 =	sld [smem:$0x3FB4]  }
0x2c: {  	s7 =	sld [smem:$0x3FB5]  }
0x2d: {  	s3 =	simm.s32 $0x108;
	s8 =	sld [smem:$0x3FB6]  }
0x2e: {  	s3 =	simm.s32 @!p0 $0x1082;
	s9 =	sld [smem:$0x3FB7]  }
0x2f: {  	lr =	sadd.s32 s0, s3;
	s0 =	sld [smem:$0x3FAE]  }
0x30: {  	s3 =	sld [smem:$0x3FB1]  }
0x31: {  	[smem:$0x3FBA] =	sst s10  }
0x32: {  	s10 =	sld [smem:$0x3FB8];
	_ =	sdelay $0x3  }
0x33: {  	p0 =	seq.s32 s10, $0x1;
	s10 =	sld [smem:$0x3FBA];
	_ =	sdelay $0x3  }
0x34: {  	[smem:$0x3FBA] =	sst s10  }
0x35: {  	s10 =	sld [smem:$0x3FB9];
	_ =	sdelay $0x3  }
0x36: {  	p1 =	seq.s32 s10, $0x1;
	s10 =	sld [smem:$0x3FBA];
	_ =	sdelay $0x3  }
0x37: {  	[smem:$0x3FBA] =	sst s10  }
0x38: {  	s10 =	sld [smem:$0x3FBB]  }
0x39: {  	_ = 	snop;
	(pc) =	sbr.ind lr, $3  }
0x3a: {  	_ = 	snop  }
0x3b: {  	_ = 	snop  }
0x3c: {  	p2 =	seq.s32 s10, $0x1;
	s10 =	sld [smem:$0x3FBA]  }
0x3d: {  	_ =	shalt  }
0x3e: {  	_ =	shalt  }
0x3f: {  	_ =	shalt  }
0x40: {  	_ =	shalt  }
0x41: {  	_ =	shalt  }
0x42: {  	_ =	shalt  }
0x43: {  	_ =	shalt  }
0x44: {  	_ =	shalt  }
0x45: {  	_ =	shalt  }
0x46: {  	_ =	shalt  }
0x47: {  	_ =	shalt  }
0x48: {  	_ =	shalt  }
0x49: {  	_ =	shalt  }
0x4a: {  	_ =	shalt  }
0x4b: {  	_ =	shalt  }
0x4c: {  	_ =	shalt  }
0x4d: {  	_ =	shalt  }
0x4e: {  	_ =	shalt  }
0x4f: {  	_ =	shalt  }
0x50: {  	_ =	shalt  }
0x51: {  	_ =	shalt  }
0x52: {  	_ =	shalt  }
0x53: {  	_ =	shalt  }
0x54: {  	_ =	shalt  }
0x55: {  	_ =	shalt  }
0x56: {  	_ =	shalt  }
0x57: {  	_ =	shalt  }
0x58: {  	_ =	shalt  }
0x59: {  	_ =	shalt  }
0x5a: {  	_ =	shalt  }
0x5b: {  	_ =	shalt  }
0x5c: {  	_ =	shalt  }
0x5d: {  	_ =	shalt  }
0x5e: {  	_ =	shalt  }
0x5f: {  	_ =	shalt  }
0x60: {  	_ =	shalt  }
0x61: {  	_ =	shalt  }
0x62: {  	_ =	shalt  }
0x63: {  	_ =	shalt  }
0x64: {  	_ =	shalt  }
0x65: {  	_ =	shalt  }
0x66: {  	_ =	shalt  }
0x67: {  	_ =	shalt  }
0x68: {  	_ =	shalt  }
0x69: {  	_ =	shalt  }
0x6a: {  	_ =	shalt  }
0x6b: {  	_ =	shalt  }
0x6c: {  	_ =	shalt  }
0x6d: {  	_ =	shalt  }
0x6e: {  	_ =	shalt  }
0x6f: {  	_ =	shalt  }
0x70: {  	_ =	shalt  }
0x71: {  	_ =	shalt  }
0x72: {  	_ =	shalt  }
0x73: {  	_ =	shalt  }
0x74: {  	_ =	shalt  }
0x75: {  	_ =	shalt  }
0x76: {  	_ =	shalt  }
0x77: {  	_ =	shalt  }
0x78: {  	_ =	shalt  }
0x79: {  	_ =	shalt  }
0x7a: {  	_ =	shalt  }
0x7b: {  	_ =	shalt  }
0x7c: {  	_ =	shalt  }
0x7d: {  	_ =	shalt  }
0x7e: {  	_ =	shalt  }
0x7f: {  	_ =	shalt  }
0x80: {  	_ =	shalt  }
0x81: {  	_ =	shalt  }
0x82: {  	_ =	shalt  }
0x83: {  	_ =	shalt  }
0x84: {  	_ =	shalt  }
0x85: {  	_ =	shalt  }
0x86: {  	_ =	shalt  }
0x87: {  	_ =	shalt  }
.Lfunc_end0:
.L_simem_size_0:
called_computation_lowered:
.L_overlay_start_0:
0x88: {  	s2 =	sld [smem:$0x3FD9]  }
0x89: {  	s3 =	sld [smem:$0x3FFE];
	_ =	sdelay $0x1  }
0x8a: {  	s1 =	srdreg.scid  }
0x8b: {  	s0 =	sand.u32 $0x1, s1  }
0x8c: {  	s17 =	sshll.u32 s0, $0xA;
	s2 =	sadd.s32 s3, s2  }
0x8d: {  	s2 =	sadd.s32 s2, s17  }
0x8e: {  	[smem:$0x3FC6] =	sst s2  }
0x8f: {  	_ = 	snop  }
0x90: {  	s2 =	sld [smem:$0x3FC9]  }
0x91: {  	s18 =	sld [smem:$0x3FC8];
	(tm) =	ssettm $0x1  }
0x92: {  	s4 =	sld [smem:$0x3FFB];
	_ =	sdelay $0x3  }
0x93: {  	_ =	strace s4  }
0x94: {  	s4 =	sld [smem:$0x3FFC];
	_ =	sdelay $0x3  }
0x95: {  	_ =	strace s4  }
0x96: {  	s4 =	sld [smem:$0x3FFD];
	_ =	sdelay $0x3  }
0x97: {  	_ =	strace s4  }
0x98: {  	_ =	strace $0x8FFFFFFF  }
0x99: {  	s19 =	sld [smem:$0x3FDB];
	_ =	sdelay $0x1  }
0x9a: {  	s5 =	simm.s32 $_scs_section_size  }
0x9b: {  	s6 =	simm.s32 $_size__tile_overlayer_lowered;
	s7 =	simm.s32 $_tile_overlayer_lowered  }
0x9c: {  	s22 =	simm.s32 $0x1BFF;
	s21 =	sshll.u32 s7, $0x1;
	s4 =	sadd.s32 s5, s19  }
0x9d: {  	s8 =	simm.s32 $0x0;
	s20 =	sshll.u32 s6, $0x1;
	s6 =	sadd.s32 s21, s4  }
0x9e: {  	[timem:s8], [sflag:s22] =	dma.local [hbm:s6], s20  }
0x9f: {  	_ =	swait.ge [sflag:s22], s20  }
0xa0: {  	s5 =	ssub.s32 $0x0, s20;
	[sflag:s22] =	ssyncset.done $0x0  }
0xa1: {  	[sflag:s22] =	ssyncadd.s32 s5;
	_ =	sdelay $0x1  }
0xa2: {  	s23 =	simm.s32 $0x1B8B  }
0xa3: {  	_ =	swait.ge [sflag:s23], $0x1  }
0xa4: {  	[sflag:s23] =	ssyncset.done $0x0  }
0xa5: {  	s25 =	simm.s32 $0x1B8E;
	s24 =	sld [smem:$0x3FFE];
	[sflag:s23] =	ssyncadd.s32 $0xFFFFFFFF  }
0xa6: {  	s26 =	simm.s32 $execute0_lowered;
	[smem:$0x3FD2] =	sst s25  }
0xa7: {  	s6 =	sshll.u32 s26, $0x1;
	_ =	strace $0x80000046;
	[dreg:$0x1] =	wrdreg $0xFFFFFFFF  }
0xa8: {  	s28 =	simm.s32 $_size_execute0_lowered;
	s4 =	sadd.s32 s4, s6;
	[dreg:$0x0] =	wrdreg $0x0  }
0xa9: {  	s6 =	sshll.u32 s28, $0x1;
	[dreg:$0x2] =	wrdreg s4  }
0xaa: {  	[dreg:$0x3] =	wrdreg s6  }
0xab: {  	[dreg:$0x4] =	wrdreg $0xC0  }
0xac: {  	_ =	task [dreg:s8], $0x5FFFF  }
0xad: {  	[dreg:$0x1] =	wrdreg $0xFFFFFFFF  }
0xae: {  	[dreg:$0x0] =	wrdreg $0x60  }
0xaf: {  	[dreg:$0x2] =	wrdreg s2  }
0xb0: {  	[dreg:$0x3] =	wrdreg s18  }
0xb1: {  	[dreg:$0x4] =	wrdreg s24  }
0xb2: {  	[dreg:$0x5] =	wrdreg $0x9  }
0xb3: {  	_ =	task.clear_ibuf [dreg:s8], $0x6FFFF;
	_ =	strace $0x90000046  }
0xb4: {  	s29 =	simm.s32 $0x9;
	_ =	strace $0x80000048  }
0xb5: {  	_ =	swait.ge [sflag:s29], $0x1  }
0xb6: {  	[sflag:s29] =	ssyncadd.s32 $0xFFFFFFFF  }
0xb7: {  	_ =	strace $0x90000048  }
0xb8: {  	_ =	sfence  }
0xb9: {  	s30 =	sld [smem:$0x0];
	_ =	sdelay $0x2  }
0xba: {  	s31 =	sshll.u32 s1, $0xD;
	s1 =	sshrl.u32 s1, $0x2  }
0xbb: {  	s3 =	sand.u32 $0x4000, s31;
	s1 =	sadd.s32 s1, s30  }
0xbc: {  	s0 =	sor.u32 s3, s0;
	s1 =	sshll.u32 s1, $0x11  }
0xbd: {  	s0 =	sor.u32 s1, s0  }
0xbe: {  	s0 =	sadd.s32 $0x8F2B, s0  }
0xbf: {  	[sflag:s0] =	ssyncadd.remote.s32 $0x1  }
0xc0: {  	_ =	sfence.sel $0xFFFF  }
0xc1: {  	[dreg:$0x0] =	wrdreg $0xFFFFFFFF;
	(pc) =	sbr.abs _section_cstart, $3  }
0xc2: {  	[dreg:$0x1] =	wrdreg $0xFFFFFFFF  }
0xc3: {  	_ =	task.clear_ibuf [dreg:s8], $0x2FFFF;
	_ =	strace $0x9FFFFFFF  }
0xc4: {  	(tm) =	ssettm $0x7FFFFFFF  }
0xc5: {  	_ =	shalt  }
tec
execute0_lowered:
.L_overlay_start_1:
0x0: {  	(tag) =	ssettag $0x1  }
0x1: {  	s0 =	srdreg.scid;
	s1 =	stileid.u32  }
0x2: {  	s2 =	rddreg [dreg:$0x0];
	s0 =	sand.u32 $0x1, s0;
	s1 =	sshll.u32 s1, $0x1  }
0x3: {  	s12 =	rddreg [dreg:$0x1];
	s1 =	sor.u32 s0, s1  }
0x4: {  	s29 =	simm.s32 $0x3;
	s0 =	ssub.s32 $0x2, s0;
	s4 =	smul.u32 $0x6, s1  }
0x5: {  	s30 =	simm.s32 $0x2;
	s3 =	smul.u32 $0xC0, s1;
	s5 =	sshrl.u32 s0, $0x1  }
0x6: {  	s31 =	simm.s32 $0x4;
	s0 =	ssub.s32 s0, s5;
	s14 =	sshrl.u32 s4, $0x5  }
0x7: {  	s1 =	sand.u32 $0x2, s4;
	s13 =	sand.u32 $0x380, s3;
	s9 =	sadd.s32 $0x2, s4  }
0x8: {  	s16 =	sadd.s32 $0x3, s4;
	s20 =	sadd.s32 $0x4, s4;
	s21 =	sadd.s32 $0x5, s4  }
0x9: {  	s22 =	sshll.u32 s14, $0x12;
	s6 =	sshll.u32 s1, $0x10;
	s3 =	sor.u32 $0x1, s1  }
0xa: {  	s11 =	sand.u32 $0x2, s9;
	s15 =	sshrl.u32 s9, $0x5;
	s17 =	sand.u32 $0x3, s16  }
0xb: {  	s18 =	sshrl.u32 s16, $0x5;
	s16 =	sshll.u32 s16, $0x5;
	s14 =	sshll.u32 s14, $0xA  }
0xc: {  	s1 =	sshll.u32 s1, $0x4;
	s7 =	sor.u32 s13, s22;
	s8 =	sshll.u32 s3, $0x10  }
0xd: {  	s24 =	sshll.u32 s15, $0x12;
	s10 =	sshll.u32 s11, $0x10;
	s25 =	sshll.u32 s18, $0x12  }
0xe: {  	s19 =	sshll.u32 s17, $0x10;
	s22 =	sand.u32 $0x3, s21;
	s28 =	sand.u32 $0x380, s16  }
0xf: {  	s15 =	sshll.u32 s15, $0xA;
	s13 =	sor.u32 s13, s14;
	s3 =	sshll.u32 s3, $0x4  }
0x10: {  	s14 =	simm.s32 $0x0;
	s23 =	sor.u32 s6, s7;
	s7 =	sor.u32 s8, s7  }
0x11: {  	s8 =	sor.u32 s10, s24;
	s10 =	sor.u32 s19, s25;
	s19 =	sshrl.u32 s20, $0x5  }
0x12: {  	s25 =	sshll.u32 s22, $0x10;
	s3 =	sor.u32 s3, s13;
	s13 =	sor.u32 s1, s13  }
0x13: {  	[smem:$0x7FF] =	sst s14;
	s22 =	sshll.u32 s22, $0x4;
	s5 =	sshrl.u32 s23, $0x3  }
0x14: {  	s26 =	sshll.u32 s19, $0x12;
	s23 =	sshrl.u32 s21, $0x5;
	s7 =	sshrl.u32 s7, $0x3  }
0x15: {  	s13 =	sshrl.u32 s13, $0x3;
	s3 =	sshrl.u32 s3, $0x3;
	s24 =	sor.u32 s6, s26  }
0x16: {  	s6 =	sshll.u32 s23, $0x12;
	s26 =	sadd.s32 s2, s5;
	s5 =	sadd.s32 s12, s5  }
0x17: {  	s25 =	sor.u32 s25, s6;
	[dreg:$0x4] =	wrdreg s26;
	s6 =	sshll.u32 s9, $0x5  }
0x18: {  	s4 =	sadd.s32 s12, s7;
	[dreg:$0x5] =	wrdreg s5;
	s26 =	sand.u32 $0x380, s6  }
0x19: {  	s9 =	sor.u32 s26, s8;
	s8 =	sadd.s32 s2, s7;
	s7 =	sor.u32 s28, s10  }
0x1a: {  	[dreg:$0x6] =	wrdreg s8;
	s6 =	sshrl.u32 s9, $0x3;
	s9 =	sshll.u32 s20, $0x5  }
0x1b: {  	s10 =	sshrl.u32 s7, $0x3;
	s5 =	sadd.s32 s2, s6;
	s20 =	sand.u32 $0x380, s9  }
0x1c: {  	s6 =	sadd.s32 s12, s6;
	s16 =	sor.u32 s20, s24;
	s24 =	sshll.u32 s21, $0x5  }
0x1d: {  	s7 =	sadd.s32 s2, s10;
	s8 =	sadd.s32 s12, s10;
	s21 =	sand.u32 $0x380, s24  }
0x1e: {  	s10 =	sshrl.u32 s16, $0x3;
	s24 =	sshll.u32 s18, $0xA;
	s16 =	sor.u32 s21, s25  }
0x1f: {  	s9 =	sadd.s32 s2, s10;
	s10 =	sadd.s32 s12, s10;
	s16 =	sshrl.u32 s16, $0x3  }
0x20: {  	s25 =	sshll.u32 s11, $0x4;
	s11 =	sadd.s32 s2, s16;
	s12 =	sadd.s32 s12, s16  }
0x21: {  	s16 =	sor.u32 s25, s15;
	s25 =	sshll.u32 s17, $0x4;
	s17 =	sshll.u32 s19, $0xA  }
0x22: {  	s19 =	sshll.u32 s23, $0xA;
	s2 =	sor.u32 s26, s16;
	s18 =	sor.u32 s25, s24  }
0x23: {  	s26 =	rddreg [dreg:$0x2];
	s1 =	sor.u32 s1, s17;
	s23 =	sor.u32 s22, s19  }
0x24: {  	_ =	strace $0x80000047;
	s22 =	simm.s32 $0x80;
	s24 =	sadd.s32 $0x800, s26  }
0x25: {  	s2 =	sshrl.u32 s2, $0x3;
	s25 =	sor.u32 s28, s18;
	s1 =	sor.u32 s20, s1  }
0x26: {  	s26 =	sor.u32 s21, s23;
	s21 =	smax.u32 s0, $0x1;
	s23 =	simm.s32 $0x400  }
0x27: {  	s28 =	simm.s32 $0x1;
	s0 =	simm.s32 $0x5;
	s15 =	sadd.s32 s24, s13  }
0x28: {  	s16 =	sadd.s32 s24, s3;
	s17 =	sadd.s32 s24, s2;
	s2 =	sshrl.u32 s25, $0x3  }
0x29: {  	s1 =	sshrl.u32 s1, $0x3;
	s3 =	sshrl.u32 s26, $0x3;
	s25 =	simm.s32 $0x2000  }
0x2a: {  	s26 =	simm.s32 $0x6000;
	s13 =	simm.s32 $0x0;
	s18 =	sadd.s32 s24, s2  }
0x2b: {  	s19 =	sadd.s32 s24, s1;
	s20 =	sadd.s32 s24, s3;
	s24 =	simm.s32 $0x4000  }
.LBB2_1:
0x2c: {  	s1 =	rddreg [dreg:$0x4]  }
0x2d: {  	[tilespmem:s14], [sflag:$0x1] =	stream.strided.gather [hbm4b:s1+s22], $0x2000, s23, s22, $0x38;
	[tilespmem:$0x8400] =	vst v63  }
0x2e: {  	s2 =	rddreg [dreg:$0x5]  }
0x2f: {  	[tilespmem:s24], [sflag:$0x3] =	stream.strided.gather [hbm4b:s2+s22], $0x2000, s23, s22, $0x38;
	[tilespmem:$0x8400] =	vst v63  }
0x30: {  	s3 =	rddreg [dreg:$0x6]  }
0x31: {  	[tilespmem:s25], [sflag:$0x2] =	stream.strided.gather [hbm4b:s3+s22], $0x2000, s23, s22, $0x38;
	[tilespmem:$0x8400] =	vst v63  }
0x32: {  	_ = 	snop  }
0x33: {  	[tilespmem:s26], [sflag:$0x4] =	stream.strided.gather [hbm4b:s4+s22], $0x2000, s23, s22, $0x38;
	[tilespmem:$0x8400] =	vst v63  }
0x34: {  	_ =	swait.ge [sflag:s28], $0x2000  }
0x35: {  	[sflag:s28] =	ssyncset.done $0x0  }
0x36: {  	[sflag:s28] =	ssyncadd.s32 $0xFFFFE000  }
0x37: {  	_ =	swait.ge [sflag:s29], $0x2000  }
0x38: {  	[sflag:s29] =	ssyncset.done $0x0  }
0x39: {  	s2 =	simm.s32 $0x4040;
	[sflag:s29] =	ssyncadd.s32 $0xFFFFE000  }
0x3a: {  	s1 =	simm.s32 $0x40;
	v0 =	vld [tilespmem:s2+$0x30]  }
0x3b: {  	v2 =	vld [tilespmem:s1+$0x30]  }
0x3c: {  	v3 =	vld [tilespmem:s2+$0xFFFFFFC0]  }
0x3d: {  	v4 =	vld [tilespmem:s2+$0xFFFFFFD0]  }
0x3e: {  	v5 =	vld [tilespmem:s2+$0xFFFFFFE0]  }
0x3f: {  	v6 =	vld [tilespmem:s2+$0xFFFFFFF0]  }
0x40: {  	v7 =	vld [tilespmem:s2+$0x0]  }
0x41: {  	v8 =	vld [tilespmem:s2+$0x10]  }
0x42: {  	v9 =	vld [tilespmem:s1+$0xFFFFFFD0]  }
0x43: {  	v12 =	vld [tilespmem:s2+$0x20]  }
0x44: {  	v1 =	vimm.f32 $-Inf;
	v13 =	vld [tilespmem:s1+$0xFFFFFFE0]  }
0x45: {  	vm0 =	vge.f32 v0, $5.000000000e-01;
	vm1 =	vge.f32 v4, $5.000000000e-01;
	vm5 =	vge.f32 v5, $5.000000000e-01  }
0x46: {  	v11 =	vld [tilespmem:s1+$0xFFFFFFF0];
	vm4 =	vge.f32 v6, $5.000000000e-01;
	vm3 =	vge.f32 v7, $5.000000000e-01;
	vm2 =	vge.f32 v8, $5.000000000e-01  }
0x47: {  	v10 =	vld [tilespmem:s1+$0x0];
	v6 =	vimm.f32 $-Inf;
	v5 =	vimm.f32 $-Inf;
	v7 =	vimm.f32 $-Inf  }
0x48: {  	v8 =	vld [tilespmem:s1+$0x10];
	v0 =	vnsel vm0, $0x0, v2;
	vm0 =	vge.f32 v3, $5.000000000e-01;
	v2 =	vnsel vm1, $0x0, v9  }
0x49: {  	vm1 =	vge.f32 v12, $5.000000000e-01;
	v9 =	vld [tilespmem:s1+$0x20];
	v13 =	vnsel vm5, $0x0, v13;
	v3 =	vimm.f32 $-Inf  }
0x4a: {  	s3 =	simm.s32 $0x40C0;
	s2 =	simm.s32 $0x0;
	v12 =	vld [tilespmem:s1+$0xFFFFFFC0];
	v0 =	vmax.f32 v1, v0;
	v4 =	vmax.f32 v1, v2;
	v2 =	vimm.f32 $-Inf  }
.LBB2_2:
0x4b: {  	v14 =	vld [tilespmem:s3+$0x30];
	s2 =	sadd.s32 $0x80, s2;
	v1 =	vmax.f32 v1, v13;
	v11 =	vnsel vm4, $0x0, v11;
	s1 =	sadd.s32 $0x80, s1  }
0x4c: {  	v13 =	vld [tilespmem:s1+$0x30];
	p0 =	slt.u32 s2, $0x1F80;
	v6 =	vmax.f32 v6, v11;
	v10 =	vnsel vm3, $0x0, v10  }
0x4d: {  	v11 =	vld [tilespmem:s3+$0xFFFFFFC0];
	v3 =	vmax.f32 v3, v10;
	v8 =	vnsel vm2, $0x0, v8  }
0x4e: {  	v10 =	vld [tilespmem:s3+$0xFFFFFFD0];
	v5 =	vmax.f32 v5, v8;
	v8 =	vnsel vm1, $0x0, v9  }
0x4f: {  	v9 =	vld [tilespmem:s3+$0xFFFFFFE0];
	v12 =	vnsel vm0, $0x0, v12;
	v2 =	vmax.f32 v2, v8  }
0x50: {  	v8 =	vld [tilespmem:s3+$0xFFFFFFF0];
	vm0 =	vge.f32 v14, $5.000000000e-01;
	v7 =	vmax.f32 v7, v12  }
0x51: {  	v12 =	vld [tilespmem:s3+$0x0];
	v13 =	vnsel vm0, $0x0, v13  }
0x52: {  	vm0 =	vge.f32 v11, $5.000000000e-01;
	v14 =	vld [tilespmem:s3+$0x10];
	v0 =	vmax.f32 v0, v13  }
0x53: {  	vm5 =	vge.f32 v10, $5.000000000e-01;
	v13 =	vld [tilespmem:s3+$0x20]  }
0x54: {  	v15 =	vld [tilespmem:s1+$0xFFFFFFD0];
	vm6 =	vge.f32 v9, $5.000000000e-01  }
0x55: {  	v16 =	vld [tilespmem:s1+$0xFFFFFFE0];
	vm4 =	vge.f32 v8, $5.000000000e-01  }
.Ltmp0:
0x56: {  	v11 =	vld [tilespmem:s1+$0xFFFFFFF0];
	vm3 =	vge.f32 v12, $5.000000000e-01;
	(pc) =	sbr.rel @p0 .LBB2_2-.Ltmp0, $4  }
0x57: {  	v10 =	vld [tilespmem:s1+$0x0];
	vm2 =	vge.f32 v14, $5.000000000e-01  }
0x58: {  	v8 =	vld [tilespmem:s1+$0x10];
	vm1 =	vge.f32 v13, $5.000000000e-01  }
0x59: {  	v13 =	vnsel vm5, $0x0, v15;
	v9 =	vld [tilespmem:s1+$0x20]  }
0x5a: {  	s3 =	sadd.s32 $0x80, s3;
	v12 =	vld [tilespmem:s1+$0xFFFFFFC0];
	v4 =	vmax.f32 v4, v13;
	v13 =	vnsel vm6, $0x0, v16  }
0x5b: {  	_ =	sdelay $0x3  }
0x5c: {  	v12 =	vnsel vm0, $0x0, v12  }
0x5d: {  	v7 =	vmax.f32 v7, v12  }
0x5e: {  	v1 =	vmax.f32 v1, v13;
	v11 =	vnsel vm4, $0x0, v11;
	v4 =	vmax.f32 v7, v4  }
0x5f: {  	v6 =	vmax.f32 v6, v11;
	v7 =	vnsel vm3, $0x0, v10;
	v1 =	vmax.f32 v4, v1  }
0x60: {  	v3 =	vmax.f32 v3, v7;
	v4 =	vnsel vm2, $0x0, v8;
	v1 =	vmax.f32 v1, v6  }
0x61: {  	v4 =	vmax.f32 v5, v4;
	v5 =	vnsel vm1, $0x0, v9;
	v1 =	vmax.f32 v1, v3  }
0x62: {  	[tilespmem:s14], [sflag:$0x1] =	stream.strided.gather [hbm4b:s5+s22], $0x2000, s23, s22, $0x38;
	v2 =	vmax.f32 v2, v5;
	v1 =	vmax.f32 v1, v4;
	[tilespmem:$0x8400] =	vst v63  }
0x63: {  	v1 =	vmax.f32 v1, v2  }
0x64: {  	[tilespmem:s24], [sflag:$0x3] =	stream.strided.gather [hbm4b:s6+s22], $0x2000, s23, s22, $0x38;
	v0 =	vmax.f32 v1, v0;
	[tilespmem:$0x8400] =	vst v63  }
0x65: {  	[tilespmem:$0x8000] =	vst v0  }
0x66: {  	_ =	swait.ge [sflag:s30], $0x2000  }
0x67: {  	[sflag:s30] =	ssyncset.done $0x0  }
0x68: {  	[sflag:s30] =	ssyncadd.s32 $0xFFFFE000  }
0x69: {  	_ =	swait.ge [sflag:s31], $0x2000  }
0x6a: {  	[sflag:s31] =	ssyncset.done $0x0  }
0x6b: {  	s2 =	simm.s32 $0x6040;
	[sflag:s31] =	ssyncadd.s32 $0xFFFFE000  }
0x6c: {  	s1 =	simm.s32 $0x2040;
	v0 =	vld [tilespmem:s2+$0x30]  }
0x6d: {  	v2 =	vld [tilespmem:s1+$0x30]  }
0x6e: {  	v3 =	vld [tilespmem:s2+$0xFFFFFFC0]  }
0x6f: {  	v4 =	vld [tilespmem:s2+$0xFFFFFFD0]  }
0x70: {  	v5 =	vld [tilespmem:s2+$0xFFFFFFE0]  }
0x71: {  	v6 =	vld [tilespmem:s2+$0xFFFFFFF0]  }
0x72: {  	v7 =	vld [tilespmem:s2+$0x0]  }
0x73: {  	v8 =	vld [tilespmem:s2+$0x10]  }
0x74: {  	v9 =	vld [tilespmem:s1+$0xFFFFFFD0]  }
0x75: {  	v12 =	vld [tilespmem:s2+$0x20]  }
0x76: {  	v1 =	vimm.f32 $-Inf;
	v13 =	vld [tilespmem:s1+$0xFFFFFFE0]  }
0x77: {  	vm0 =	vge.f32 v0, $5.000000000e-01;
	vm1 =	vge.f32 v4, $5.000000000e-01;
	vm5 =	vge.f32 v5, $5.000000000e-01  }
0x78: {  	v11 =	vld [tilespmem:s1+$0xFFFFFFF0];
	vm4 =	vge.f32 v6, $5.000000000e-01;
	vm3 =	vge.f32 v7, $5.000000000e-01;
	vm2 =	vge.f32 v8, $5.000000000e-01  }
0x79: {  	v10 =	vld [tilespmem:s1+$0x0];
	v6 =	vimm.f32 $-Inf;
	v5 =	vimm.f32 $-Inf;
	v7 =	vimm.f32 $-Inf  }
0x7a: {  	v8 =	vld [tilespmem:s1+$0x10];
	v0 =	vnsel vm0, $0x0, v2;
	vm0 =	vge.f32 v3, $5.000000000e-01;
	v2 =	vnsel vm1, $0x0, v9  }
0x7b: {  	vm1 =	vge.f32 v12, $5.000000000e-01;
	v9 =	vld [tilespmem:s1+$0x20];
	v13 =	vnsel vm5, $0x0, v13;
	v3 =	vimm.f32 $-Inf  }
0x7c: {  	s3 =	simm.s32 $0x60C0;
	s2 =	simm.s32 $0x0;
	v12 =	vld [tilespmem:s1+$0xFFFFFFC0];
	v0 =	vmax.f32 v1, v0;
	v4 =	vmax.f32 v1, v2;
	v2 =	vimm.f32 $-Inf  }
.LBB2_4:
0x7d: {  	v14 =	vld [tilespmem:s3+$0x30];
	s2 =	sadd.s32 $0x80, s2;
	v1 =	vmax.f32 v1, v13;
	v11 =	vnsel vm4, $0x0, v11;
	s1 =	sadd.s32 $0x80, s1  }
0x7e: {  	v13 =	vld [tilespmem:s1+$0x30];
	p0 =	slt.u32 s2, $0x1F80;
	v6 =	vmax.f32 v6, v11;
	v10 =	vnsel vm3, $0x0, v10  }
0x7f: {  	v11 =	vld [tilespmem:s3+$0xFFFFFFC0];
	v3 =	vmax.f32 v3, v10;
	v8 =	vnsel vm2, $0x0, v8  }
0x80: {  	v10 =	vld [tilespmem:s3+$0xFFFFFFD0];
	v5 =	vmax.f32 v5, v8;
	v8 =	vnsel vm1, $0x0, v9  }
0x81: {  	v9 =	vld [tilespmem:s3+$0xFFFFFFE0];
	v12 =	vnsel vm0, $0x0, v12;
	v2 =	vmax.f32 v2, v8  }
0x82: {  	v8 =	vld [tilespmem:s3+$0xFFFFFFF0];
	vm0 =	vge.f32 v14, $5.000000000e-01;
	v7 =	vmax.f32 v7, v12  }
0x83: {  	v12 =	vld [tilespmem:s3+$0x0];
	v13 =	vnsel vm0, $0x0, v13  }
0x84: {  	vm0 =	vge.f32 v11, $5.000000000e-01;
	v14 =	vld [tilespmem:s3+$0x10];
	v0 =	vmax.f32 v0, v13  }
0x85: {  	vm5 =	vge.f32 v10, $5.000000000e-01;
	v13 =	vld [tilespmem:s3+$0x20]  }
0x86: {  	v15 =	vld [tilespmem:s1+$0xFFFFFFD0];
	vm6 =	vge.f32 v9, $5.000000000e-01  }
0x87: {  	v16 =	vld [tilespmem:s1+$0xFFFFFFE0];
	vm4 =	vge.f32 v8, $5.000000000e-01  }
.Ltmp1:
0x88: {  	v11 =	vld [tilespmem:s1+$0xFFFFFFF0];
	vm3 =	vge.f32 v12, $5.000000000e-01;
	(pc) =	sbr.rel @p0 .LBB2_4-.Ltmp1, $4  }
0x89: {  	v10 =	vld [tilespmem:s1+$0x0];
	vm2 =	vge.f32 v14, $5.000000000e-01  }
0x8a: {  	v8 =	vld [tilespmem:s1+$0x10];
	vm1 =	vge.f32 v13, $5.000000000e-01  }
0x8b: {  	v13 =	vnsel vm5, $0x0, v15;
	v9 =	vld [tilespmem:s1+$0x20]  }
0x8c: {  	s3 =	sadd.s32 $0x80, s3;
	v12 =	vld [tilespmem:s1+$0xFFFFFFC0];
	v4 =	vmax.f32 v4, v13;
	v13 =	vnsel vm6, $0x0, v16  }
0x8d: {  	_ =	sdelay $0x3  }
0x8e: {  	v12 =	vnsel vm0, $0x0, v12  }
0x8f: {  	v7 =	vmax.f32 v7, v12  }
0x90: {  	v1 =	vmax.f32 v1, v13;
	v11 =	vnsel vm4, $0x0, v11;
	v4 =	vmax.f32 v7, v4  }
0x91: {  	v6 =	vmax.f32 v6, v11;
	v7 =	vnsel vm3, $0x0, v10;
	v1 =	vmax.f32 v4, v1  }
0x92: {  	v3 =	vmax.f32 v3, v7;
	v4 =	vnsel vm2, $0x0, v8;
	v1 =	vmax.f32 v1, v6  }
0x93: {  	v4 =	vmax.f32 v5, v4;
	v5 =	vnsel vm1, $0x0, v9;
	v1 =	vmax.f32 v1, v3  }
0x94: {  	[tilespmem:s25], [sflag:$0x2] =	stream.strided.gather [hbm4b:s7+s22], $0x2000, s23, s22, $0x38;
	v2 =	vmax.f32 v2, v5;
	v1 =	vmax.f32 v1, v4;
	[tilespmem:$0x8400] =	vst v63  }
0x95: {  	v1 =	vmax.f32 v1, v2  }
0x96: {  	[tilespmem:s26], [sflag:$0x4] =	stream.strided.gather [hbm4b:s8+s22], $0x2000, s23, s22, $0x38;
	v0 =	vmax.f32 v1, v0;
	[tilespmem:$0x8400] =	vst v63  }
0x97: {  	[tilespmem:$0x8080] =	vst v0  }
0x98: {  	_ =	swait.ge [sflag:s28], $0x2000  }
0x99: {  	[sflag:s28] =	ssyncset.done $0x0  }
0x9a: {  	[sflag:s28] =	ssyncadd.s32 $0xFFFFE000  }
0x9b: {  	_ =	swait.ge [sflag:s29], $0x2000  }
0x9c: {  	[sflag:s29] =	ssyncset.done $0x0  }
0x9d: {  	s2 =	simm.s32 $0x4040;
	[sflag:s29] =	ssyncadd.s32 $0xFFFFE000  }
0x9e: {  	s1 =	simm.s32 $0x40;
	v0 =	vld [tilespmem:s2+$0x30]  }
0x9f: {  	v2 =	vld [tilespmem:s1+$0x30]  }
0xa0: {  	v3 =	vld [tilespmem:s2+$0xFFFFFFC0]  }
0xa1: {  	v4 =	vld [tilespmem:s2+$0xFFFFFFD0]  }
0xa2: {  	v5 =	vld [tilespmem:s2+$0xFFFFFFE0]  }
0xa3: {  	v6 =	vld [tilespmem:s2+$0xFFFFFFF0]  }
0xa4: {  	v7 =	vld [tilespmem:s2+$0x0]  }
0xa5: {  	v8 =	vld [tilespmem:s2+$0x10]  }
0xa6: {  	v9 =	vld [tilespmem:s1+$0xFFFFFFD0]  }
0xa7: {  	v12 =	vld [tilespmem:s2+$0x20]  }
0xa8: {  	v1 =	vimm.f32 $-Inf;
	v13 =	vld [tilespmem:s1+$0xFFFFFFE0]  }
0xa9: {  	vm0 =	vge.f32 v0, $5.000000000e-01;
	vm1 =	vge.f32 v4, $5.000000000e-01;
	vm5 =	vge.f32 v5, $5.000000000e-01  }
0xaa: {  	v11 =	vld [tilespmem:s1+$0xFFFFFFF0];
	vm4 =	vge.f32 v6, $5.000000000e-01;
	vm3 =	vge.f32 v7, $5.000000000e-01;
	vm2 =	vge.f32 v8, $5.000000000e-01  }
0xab: {  	v10 =	vld [tilespmem:s1+$0x0];
	v6 =	vimm.f32 $-Inf;
	v5 =	vimm.f32 $-Inf;
	v7 =	vimm.f32 $-Inf  }
0xac: {  	v8 =	vld [tilespmem:s1+$0x10];
	v0 =	vnsel vm0, $0x0, v2;
	vm0 =	vge.f32 v3, $5.000000000e-01;
	v2 =	vnsel vm1, $0x0, v9  }
0xad: {  	vm1 =	vge.f32 v12, $5.000000000e-01;
	v9 =	vld [tilespmem:s1+$0x20];
	v13 =	vnsel vm5, $0x0, v13;
	v3 =	vimm.f32 $-Inf  }
0xae: {  	s3 =	simm.s32 $0x40C0;
	s2 =	simm.s32 $0x0;
	v12 =	vld [tilespmem:s1+$0xFFFFFFC0];
	v0 =	vmax.f32 v1, v0;
	v4 =	vmax.f32 v1, v2;
	v2 =	vimm.f32 $-Inf  }
.LBB2_6:
0xaf: {  	v14 =	vld [tilespmem:s3+$0x30];
	s2 =	sadd.s32 $0x80, s2;
	v1 =	vmax.f32 v1, v13;
	v11 =	vnsel vm4, $0x0, v11;
	s1 =	sadd.s32 $0x80, s1  }
0xb0: {  	v13 =	vld [tilespmem:s1+$0x30];
	p0 =	slt.u32 s2, $0x1F80;
	v6 =	vmax.f32 v6, v11;
	v10 =	vnsel vm3, $0x0, v10  }
0xb1: {  	v11 =	vld [tilespmem:s3+$0xFFFFFFC0];
	v3 =	vmax.f32 v3, v10;
	v8 =	vnsel vm2, $0x0, v8  }
0xb2: {  	v10 =	vld [tilespmem:s3+$0xFFFFFFD0];
	v5 =	vmax.f32 v5, v8;
	v8 =	vnsel vm1, $0x0, v9  }
0xb3: {  	v9 =	vld [tilespmem:s3+$0xFFFFFFE0];
	v12 =	vnsel vm0, $0x0, v12;
	v2 =	vmax.f32 v2, v8  }
0xb4: {  	v8 =	vld [tilespmem:s3+$0xFFFFFFF0];
	vm0 =	vge.f32 v14, $5.000000000e-01;
	v7 =	vmax.f32 v7, v12  }
0xb5: {  	v12 =	vld [tilespmem:s3+$0x0];
	v13 =	vnsel vm0, $0x0, v13  }
0xb6: {  	vm0 =	vge.f32 v11, $5.000000000e-01;
	v14 =	vld [tilespmem:s3+$0x10];
	v0 =	vmax.f32 v0, v13  }
0xb7: {  	vm5 =	vge.f32 v10, $5.000000000e-01;
	v13 =	vld [tilespmem:s3+$0x20]  }
0xb8: {  	v15 =	vld [tilespmem:s1+$0xFFFFFFD0];
	vm6 =	vge.f32 v9, $5.000000000e-01  }
0xb9: {  	v16 =	vld [tilespmem:s1+$0xFFFFFFE0];
	vm4 =	vge.f32 v8, $5.000000000e-01  }
.Ltmp2:
0xba: {  	v11 =	vld [tilespmem:s1+$0xFFFFFFF0];
	vm3 =	vge.f32 v12, $5.000000000e-01;
	(pc) =	sbr.rel @p0 .LBB2_6-.Ltmp2, $4  }
0xbb: {  	v10 =	vld [tilespmem:s1+$0x0];
	vm2 =	vge.f32 v14, $5.000000000e-01  }
0xbc: {  	v8 =	vld [tilespmem:s1+$0x10];
	vm1 =	vge.f32 v13, $5.000000000e-01  }
0xbd: {  	v13 =	vnsel vm5, $0x0, v15;
	v9 =	vld [tilespmem:s1+$0x20]  }
0xbe: {  	s3 =	sadd.s32 $0x80, s3;
	v12 =	vld [tilespmem:s1+$0xFFFFFFC0];
	v4 =	vmax.f32 v4, v13;
	v13 =	vnsel vm6, $0x0, v16  }
0xbf: {  	_ =	sdelay $0x3  }
0xc0: {  	v12 =	vnsel vm0, $0x0, v12  }
0xc1: {  	v7 =	vmax.f32 v7, v12  }
0xc2: {  	v1 =	vmax.f32 v1, v13;
	v11 =	vnsel vm4, $0x0, v11;
	v4 =	vmax.f32 v7, v4  }
0xc3: {  	v6 =	vmax.f32 v6, v11;
	v7 =	vnsel vm3, $0x0, v10;
	v1 =	vmax.f32 v4, v1  }
0xc4: {  	v3 =	vmax.f32 v3, v7;
	v4 =	vnsel vm2, $0x0, v8;
	v1 =	vmax.f32 v1, v6  }
0xc5: {  	v4 =	vmax.f32 v5, v4;
	v5 =	vnsel vm1, $0x0, v9;
	v1 =	vmax.f32 v1, v3  }
0xc6: {  	[tilespmem:s14], [sflag:$0x1] =	stream.strided.gather [hbm4b:s9+s22], $0x2000, s23, s22, $0x38;
	v2 =	vmax.f32 v2, v5;
	v1 =	vmax.f32 v1, v4;
	[tilespmem:$0x8400] =	vst v63  }
0xc7: {  	v1 =	vmax.f32 v1, v2  }
0xc8: {  	[tilespmem:s24], [sflag:$0x3] =	stream.strided.gather [hbm4b:s10+s22], $0x2000, s23, s22, $0x38;
	v0 =	vmax.f32 v1, v0;
	[tilespmem:$0x8400] =	vst v63  }
0xc9: {  	[tilespmem:$0x8100] =	vst v0  }
0xca: {  	_ =	swait.ge [sflag:s30], $0x2000  }
0xcb: {  	[sflag:s30] =	ssyncset.done $0x0  }
0xcc: {  	[sflag:s30] =	ssyncadd.s32 $0xFFFFE000  }
0xcd: {  	_ =	swait.ge [sflag:s31], $0x2000  }
0xce: {  	[sflag:s31] =	ssyncset.done $0x0  }
0xcf: {  	s2 =	simm.s32 $0x6040;
	[sflag:s31] =	ssyncadd.s32 $0xFFFFE000  }
0xd0: {  	s1 =	simm.s32 $0x2040;
	v0 =	vld [tilespmem:s2+$0x30]  }
0xd1: {  	v2 =	vld [tilespmem:s1+$0x30]  }
0xd2: {  	v3 =	vld [tilespmem:s2+$0xFFFFFFC0]  }
0xd3: {  	v4 =	vld [tilespmem:s2+$0xFFFFFFD0]  }
0xd4: {  	v5 =	vld [tilespmem:s2+$0xFFFFFFE0]  }
0xd5: {  	v6 =	vld [tilespmem:s2+$0xFFFFFFF0]  }
0xd6: {  	v7 =	vld [tilespmem:s2+$0x0]  }
0xd7: {  	v8 =	vld [tilespmem:s2+$0x10]  }
0xd8: {  	v9 =	vld [tilespmem:s1+$0xFFFFFFD0]  }
0xd9: {  	v12 =	vld [tilespmem:s2+$0x20]  }
0xda: {  	v1 =	vimm.f32 $-Inf;
	v13 =	vld [tilespmem:s1+$0xFFFFFFE0]  }
0xdb: {  	vm0 =	vge.f32 v0, $5.000000000e-01;
	vm1 =	vge.f32 v4, $5.000000000e-01;
	vm5 =	vge.f32 v5, $5.000000000e-01  }
0xdc: {  	v11 =	vld [tilespmem:s1+$0xFFFFFFF0];
	vm4 =	vge.f32 v6, $5.000000000e-01;
	vm3 =	vge.f32 v7, $5.000000000e-01;
	vm2 =	vge.f32 v8, $5.000000000e-01  }
0xdd: {  	v10 =	vld [tilespmem:s1+$0x0];
	v6 =	vimm.f32 $-Inf;
	v5 =	vimm.f32 $-Inf;
	v7 =	vimm.f32 $-Inf  }
0xde: {  	v8 =	vld [tilespmem:s1+$0x10];
	v0 =	vnsel vm0, $0x0, v2;
	vm0 =	vge.f32 v3, $5.000000000e-01;
	v2 =	vnsel vm1, $0x0, v9  }
0xdf: {  	vm1 =	vge.f32 v12, $5.000000000e-01;
	v9 =	vld [tilespmem:s1+$0x20];
	v13 =	vnsel vm5, $0x0, v13;
	v3 =	vimm.f32 $-Inf  }
0xe0: {  	s3 =	simm.s32 $0x60C0;
	s2 =	simm.s32 $0x0;
	v12 =	vld [tilespmem:s1+$0xFFFFFFC0];
	v0 =	vmax.f32 v1, v0;
	v4 =	vmax.f32 v1, v2;
	v2 =	vimm.f32 $-Inf  }
.LBB2_8:
0xe1: {  	v14 =	vld [tilespmem:s3+$0x30];
	s2 =	sadd.s32 $0x80, s2;
	v1 =	vmax.f32 v1, v13;
	v11 =	vnsel vm4, $0x0, v11;
	s1 =	sadd.s32 $0x80, s1  }
0xe2: {  	v13 =	vld [tilespmem:s1+$0x30];
	p0 =	slt.u32 s2, $0x1F80;
	v6 =	vmax.f32 v6, v11;
	v10 =	vnsel vm3, $0x0, v10  }
0xe3: {  	v11 =	vld [tilespmem:s3+$0xFFFFFFC0];
	v3 =	vmax.f32 v3, v10;
	v8 =	vnsel vm2, $0x0, v8  }
0xe4: {  	v10 =	vld [tilespmem:s3+$0xFFFFFFD0];
	v5 =	vmax.f32 v5, v8;
	v8 =	vnsel vm1, $0x0, v9  }
0xe5: {  	v9 =	vld [tilespmem:s3+$0xFFFFFFE0];
	v12 =	vnsel vm0, $0x0, v12;
	v2 =	vmax.f32 v2, v8  }
0xe6: {  	v8 =	vld [tilespmem:s3+$0xFFFFFFF0];
	vm0 =	vge.f32 v14, $5.000000000e-01;
	v7 =	vmax.f32 v7, v12  }
0xe7: {  	v12 =	vld [tilespmem:s3+$0x0];
	v13 =	vnsel vm0, $0x0, v13  }
0xe8: {  	vm0 =	vge.f32 v11, $5.000000000e-01;
	v14 =	vld [tilespmem:s3+$0x10];
	v0 =	vmax.f32 v0, v13  }
0xe9: {  	vm5 =	vge.f32 v10, $5.000000000e-01;
	v13 =	vld [tilespmem:s3+$0x20]  }
0xea: {  	v15 =	vld [tilespmem:s1+$0xFFFFFFD0];
	vm6 =	vge.f32 v9, $5.000000000e-01  }
0xeb: {  	v16 =	vld [tilespmem:s1+$0xFFFFFFE0];
	vm4 =	vge.f32 v8, $5.000000000e-01  }
.Ltmp3:
0xec: {  	v11 =	vld [tilespmem:s1+$0xFFFFFFF0];
	vm3 =	vge.f32 v12, $5.000000000e-01;
	(pc) =	sbr.rel @p0 .LBB2_8-.Ltmp3, $4  }
0xed: {  	v10 =	vld [tilespmem:s1+$0x0];
	vm2 =	vge.f32 v14, $5.000000000e-01  }
0xee: {  	v8 =	vld [tilespmem:s1+$0x10];
	vm1 =	vge.f32 v13, $5.000000000e-01  }
0xef: {  	v13 =	vnsel vm5, $0x0, v15;
	v9 =	vld [tilespmem:s1+$0x20]  }
0xf0: {  	s3 =	sadd.s32 $0x80, s3;
	v12 =	vld [tilespmem:s1+$0xFFFFFFC0];
	v4 =	vmax.f32 v4, v13;
	v13 =	vnsel vm6, $0x0, v16  }
0xf1: {  	_ =	sdelay $0x3  }
0xf2: {  	v12 =	vnsel vm0, $0x0, v12  }
0xf3: {  	v7 =	vmax.f32 v7, v12  }
0xf4: {  	v1 =	vmax.f32 v1, v13;
	v11 =	vnsel vm4, $0x0, v11;
	v4 =	vmax.f32 v7, v4  }
0xf5: {  	v6 =	vmax.f32 v6, v11;
	v7 =	vnsel vm3, $0x0, v10;
	v1 =	vmax.f32 v4, v1  }
0xf6: {  	v3 =	vmax.f32 v3, v7;
	v4 =	vnsel vm2, $0x0, v8;
	v1 =	vmax.f32 v1, v6  }
0xf7: {  	v4 =	vmax.f32 v5, v4;
	v5 =	vnsel vm1, $0x0, v9;
	v1 =	vmax.f32 v1, v3  }
0xf8: {  	[tilespmem:s25], [sflag:$0x2] =	stream.strided.gather [hbm4b:s11+s22], $0x2000, s23, s22, $0x38;
	v2 =	vmax.f32 v2, v5;
	v1 =	vmax.f32 v1, v4;
	[tilespmem:$0x8400] =	vst v63  }
0xf9: {  	v1 =	vmax.f32 v1, v2  }
0xfa: {  	[tilespmem:s26], [sflag:$0x4] =	stream.strided.gather [hbm4b:s12+s22], $0x2000, s23, s22, $0x38;
	v0 =	vmax.f32 v1, v0;
	[tilespmem:$0x8400] =	vst v63  }
0xfb: {  	[tilespmem:$0x8180] =	vst v0  }
0xfc: {  	_ =	swait.ge [sflag:s28], $0x2000  }
0xfd: {  	[sflag:s28] =	ssyncset.done $0x0  }
0xfe: {  	[sflag:s28] =	ssyncadd.s32 $0xFFFFE000  }
0xff: {  	_ =	swait.ge [sflag:s29], $0x2000  }
0x100: {  	[sflag:s29] =	ssyncset.done $0x0  }
0x101: {  	s2 =	simm.s32 $0x4040;
	[sflag:s29] =	ssyncadd.s32 $0xFFFFE000  }
0x102: {  	s1 =	simm.s32 $0x40;
	v0 =	vld [tilespmem:s2+$0x30]  }
0x103: {  	v2 =	vld [tilespmem:s1+$0x30]  }
0x104: {  	v3 =	vld [tilespmem:s2+$0xFFFFFFC0]  }
0x105: {  	v4 =	vld [tilespmem:s2+$0xFFFFFFD0]  }
0x106: {  	v5 =	vld [tilespmem:s2+$0xFFFFFFE0]  }
0x107: {  	v6 =	vld [tilespmem:s2+$0xFFFFFFF0]  }
0x108: {  	v7 =	vld [tilespmem:s2+$0x0]  }
0x109: {  	v8 =	vld [tilespmem:s2+$0x10]  }
0x10a: {  	v9 =	vld [tilespmem:s1+$0xFFFFFFD0]  }
0x10b: {  	v12 =	vld [tilespmem:s2+$0x20]  }
0x10c: {  	v1 =	vimm.f32 $-Inf;
	v13 =	vld [tilespmem:s1+$0xFFFFFFE0]  }
0x10d: {  	vm0 =	vge.f32 v0, $5.000000000e-01;
	vm1 =	vge.f32 v4, $5.000000000e-01;
	vm5 =	vge.f32 v5, $5.000000000e-01  }
0x10e: {  	v11 =	vld [tilespmem:s1+$0xFFFFFFF0];
	vm4 =	vge.f32 v6, $5.000000000e-01;
	vm3 =	vge.f32 v7, $5.000000000e-01;
	vm2 =	vge.f32 v8, $5.000000000e-01  }
0x10f: {  	v10 =	vld [tilespmem:s1+$0x0];
	v6 =	vimm.f32 $-Inf;
	v5 =	vimm.f32 $-Inf;
	v7 =	vimm.f32 $-Inf  }
0x110: {  	v8 =	vld [tilespmem:s1+$0x10];
	v0 =	vnsel vm0, $0x0, v2;
	vm0 =	vge.f32 v3, $5.000000000e-01;
	v2 =	vnsel vm1, $0x0, v9  }
0x111: {  	vm1 =	vge.f32 v12, $5.000000000e-01;
	v9 =	vld [tilespmem:s1+$0x20];
	v13 =	vnsel vm5, $0x0, v13;
	v3 =	vimm.f32 $-Inf  }
0x112: {  	s3 =	simm.s32 $0x40C0;
	s2 =	simm.s32 $0x0;
	v12 =	vld [tilespmem:s1+$0xFFFFFFC0];
	v0 =	vmax.f32 v1, v0;
	v4 =	vmax.f32 v1, v2;
	v2 =	vimm.f32 $-Inf  }
.LBB2_10:
0x113: {  	v14 =	vld [tilespmem:s3+$0x30];
	s2 =	sadd.s32 $0x80, s2;
	v1 =	vmax.f32 v1, v13;
	v11 =	vnsel vm4, $0x0, v11;
	s1 =	sadd.s32 $0x80, s1  }
0x114: {  	v13 =	vld [tilespmem:s1+$0x30];
	p0 =	slt.u32 s2, $0x1F80;
	v6 =	vmax.f32 v6, v11;
	v10 =	vnsel vm3, $0x0, v10  }
0x115: {  	v11 =	vld [tilespmem:s3+$0xFFFFFFC0];
	v3 =	vmax.f32 v3, v10;
	v8 =	vnsel vm2, $0x0, v8  }
0x116: {  	v10 =	vld [tilespmem:s3+$0xFFFFFFD0];
	v5 =	vmax.f32 v5, v8;
	v8 =	vnsel vm1, $0x0, v9  }
0x117: {  	v9 =	vld [tilespmem:s3+$0xFFFFFFE0];
	v12 =	vnsel vm0, $0x0, v12;
	v2 =	vmax.f32 v2, v8  }
0x118: {  	v8 =	vld [tilespmem:s3+$0xFFFFFFF0];
	vm0 =	vge.f32 v14, $5.000000000e-01;
	v7 =	vmax.f32 v7, v12  }
0x119: {  	v12 =	vld [tilespmem:s3+$0x0];
	v13 =	vnsel vm0, $0x0, v13  }
0x11a: {  	vm0 =	vge.f32 v11, $5.000000000e-01;
	v14 =	vld [tilespmem:s3+$0x10];
	v0 =	vmax.f32 v0, v13  }
0x11b: {  	vm5 =	vge.f32 v10, $5.000000000e-01;
	v13 =	vld [tilespmem:s3+$0x20]  }
0x11c: {  	v15 =	vld [tilespmem:s1+$0xFFFFFFD0];
	vm6 =	vge.f32 v9, $5.000000000e-01  }
0x11d: {  	v16 =	vld [tilespmem:s1+$0xFFFFFFE0];
	vm4 =	vge.f32 v8, $5.000000000e-01  }
.Ltmp4:
0x11e: {  	v11 =	vld [tilespmem:s1+$0xFFFFFFF0];
	vm3 =	vge.f32 v12, $5.000000000e-01;
	(pc) =	sbr.rel @p0 .LBB2_10-.Ltmp4, $4  }
0x11f: {  	v10 =	vld [tilespmem:s1+$0x0];
	vm2 =	vge.f32 v14, $5.000000000e-01  }
0x120: {  	v8 =	vld [tilespmem:s1+$0x10];
	vm1 =	vge.f32 v13, $5.000000000e-01  }
0x121: {  	v13 =	vnsel vm5, $0x0, v15;
	v9 =	vld [tilespmem:s1+$0x20]  }
0x122: {  	s3 =	sadd.s32 $0x80, s3;
	v12 =	vld [tilespmem:s1+$0xFFFFFFC0];
	v4 =	vmax.f32 v4, v13;
	v13 =	vnsel vm6, $0x0, v16  }
0x123: {  	_ =	sdelay $0x3  }
0x124: {  	v12 =	vnsel vm0, $0x0, v12  }
0x125: {  	v7 =	vmax.f32 v7, v12  }
0x126: {  	v1 =	vmax.f32 v1, v13;
	v11 =	vnsel vm4, $0x0, v11;
	v4 =	vmax.f32 v7, v4  }
0x127: {  	v6 =	vmax.f32 v6, v11;
	v7 =	vnsel vm3, $0x0, v10;
	v1 =	vmax.f32 v4, v1  }
0x128: {  	v3 =	vmax.f32 v3, v7;
	v4 =	vnsel vm2, $0x0, v8;
	v1 =	vmax.f32 v1, v6  }
0x129: {  	v4 =	vmax.f32 v5, v4;
	v5 =	vnsel vm1, $0x0, v9;
	v1 =	vmax.f32 v1, v3  }
0x12a: {  	v2 =	vmax.f32 v2, v5;
	v1 =	vmax.f32 v1, v4  }
0x12b: {  	v1 =	vmax.f32 v1, v2  }
0x12c: {  	v0 =	vmax.f32 v1, v0  }
0x12d: {  	[tilespmem:$0x8200] =	vst v0  }
0x12e: {  	_ =	swait.ge [sflag:s30], $0x2000  }
0x12f: {  	[sflag:s30] =	ssyncset.done $0x0  }
0x130: {  	[sflag:s30] =	ssyncadd.s32 $0xFFFFE000  }
0x131: {  	_ =	swait.ge [sflag:s31], $0x2000  }
0x132: {  	[sflag:s31] =	ssyncset.done $0x0  }
0x133: {  	s2 =	simm.s32 $0x6040;
	[sflag:s31] =	ssyncadd.s32 $0xFFFFE000  }
0x134: {  	s1 =	simm.s32 $0x2040;
	v0 =	vld [tilespmem:s2+$0x30]  }
0x135: {  	v2 =	vld [tilespmem:s1+$0x30]  }
0x136: {  	v3 =	vld [tilespmem:s2+$0xFFFFFFC0]  }
0x137: {  	v4 =	vld [tilespmem:s2+$0xFFFFFFD0]  }
0x138: {  	v5 =	vld [tilespmem:s2+$0xFFFFFFE0]  }
0x139: {  	v6 =	vld [tilespmem:s2+$0xFFFFFFF0]  }
0x13a: {  	v7 =	vld [tilespmem:s2+$0x0]  }
0x13b: {  	v8 =	vld [tilespmem:s2+$0x10]  }
0x13c: {  	v9 =	vld [tilespmem:s1+$0xFFFFFFD0]  }
0x13d: {  	v12 =	vld [tilespmem:s2+$0x20]  }
0x13e: {  	v1 =	vimm.f32 $-Inf;
	v13 =	vld [tilespmem:s1+$0xFFFFFFE0]  }
0x13f: {  	vm0 =	vge.f32 v0, $5.000000000e-01;
	vm1 =	vge.f32 v4, $5.000000000e-01;
	vm5 =	vge.f32 v5, $5.000000000e-01  }
0x140: {  	v11 =	vld [tilespmem:s1+$0xFFFFFFF0];
	vm4 =	vge.f32 v6, $5.000000000e-01;
	vm3 =	vge.f32 v7, $5.000000000e-01;
	vm2 =	vge.f32 v8, $5.000000000e-01  }
0x141: {  	v10 =	vld [tilespmem:s1+$0x0];
	v6 =	vimm.f32 $-Inf;
	v5 =	vimm.f32 $-Inf;
	v7 =	vimm.f32 $-Inf  }
0x142: {  	v8 =	vld [tilespmem:s1+$0x10];
	v0 =	vnsel vm0, $0x0, v2;
	vm0 =	vge.f32 v3, $5.000000000e-01;
	v2 =	vnsel vm1, $0x0, v9  }
0x143: {  	vm1 =	vge.f32 v12, $5.000000000e-01;
	v9 =	vld [tilespmem:s1+$0x20];
	v13 =	vnsel vm5, $0x0, v13;
	v3 =	vimm.f32 $-Inf  }
0x144: {  	s3 =	simm.s32 $0x60C0;
	s2 =	simm.s32 $0x0;
	v12 =	vld [tilespmem:s1+$0xFFFFFFC0];
	v0 =	vmax.f32 v1, v0;
	v4 =	vmax.f32 v1, v2;
	v2 =	vimm.f32 $-Inf  }
.LBB2_12:
0x145: {  	v14 =	vld [tilespmem:s3+$0x30];
	s2 =	sadd.s32 $0x80, s2;
	v1 =	vmax.f32 v1, v13;
	v11 =	vnsel vm4, $0x0, v11;
	s1 =	sadd.s32 $0x80, s1  }
0x146: {  	v13 =	vld [tilespmem:s1+$0x30];
	p0 =	slt.u32 s2, $0x1F80;
	v6 =	vmax.f32 v6, v11;
	v10 =	vnsel vm3, $0x0, v10  }
0x147: {  	v11 =	vld [tilespmem:s3+$0xFFFFFFC0];
	v3 =	vmax.f32 v3, v10;
	v8 =	vnsel vm2, $0x0, v8  }
0x148: {  	v10 =	vld [tilespmem:s3+$0xFFFFFFD0];
	v5 =	vmax.f32 v5, v8;
	v8 =	vnsel vm1, $0x0, v9  }
0x149: {  	v9 =	vld [tilespmem:s3+$0xFFFFFFE0];
	v12 =	vnsel vm0, $0x0, v12;
	v2 =	vmax.f32 v2, v8  }
0x14a: {  	v8 =	vld [tilespmem:s3+$0xFFFFFFF0];
	vm0 =	vge.f32 v14, $5.000000000e-01;
	v7 =	vmax.f32 v7, v12  }
0x14b: {  	v12 =	vld [tilespmem:s3+$0x0];
	v13 =	vnsel vm0, $0x0, v13  }
0x14c: {  	vm0 =	vge.f32 v11, $5.000000000e-01;
	v14 =	vld [tilespmem:s3+$0x10];
	v0 =	vmax.f32 v0, v13  }
0x14d: {  	vm5 =	vge.f32 v10, $5.000000000e-01;
	v13 =	vld [tilespmem:s3+$0x20]  }
0x14e: {  	v15 =	vld [tilespmem:s1+$0xFFFFFFD0];
	vm6 =	vge.f32 v9, $5.000000000e-01  }
0x14f: {  	v16 =	vld [tilespmem:s1+$0xFFFFFFE0];
	vm4 =	vge.f32 v8, $5.000000000e-01  }
.Ltmp5:
0x150: {  	v11 =	vld [tilespmem:s1+$0xFFFFFFF0];
	vm3 =	vge.f32 v12, $5.000000000e-01;
	(pc) =	sbr.rel @p0 .LBB2_12-.Ltmp5, $4  }
0x151: {  	v10 =	vld [tilespmem:s1+$0x0];
	vm2 =	vge.f32 v14, $5.000000000e-01  }
0x152: {  	v8 =	vld [tilespmem:s1+$0x10];
	vm1 =	vge.f32 v13, $5.000000000e-01  }
0x153: {  	v13 =	vnsel vm5, $0x0, v15;
	v9 =	vld [tilespmem:s1+$0x20]  }
0x154: {  	s3 =	sadd.s32 $0x80, s3;
	v12 =	vld [tilespmem:s1+$0xFFFFFFC0];
	v4 =	vmax.f32 v4, v13;
	v13 =	vnsel vm6, $0x0, v16  }
0x155: {  	_ =	sdelay $0x3  }
0x156: {  	v12 =	vnsel vm0, $0x0, v12  }
0x157: {  	v7 =	vmax.f32 v7, v12  }
0x158: {  	v1 =	vmax.f32 v1, v13;
	v11 =	vnsel vm4, $0x0, v11;
	v4 =	vmax.f32 v7, v4  }
0x159: {  	v6 =	vmax.f32 v6, v11;
	v61 =	vnsel vm3, $0x0, v10;
	v1 =	vmax.f32 v4, v1  }
0x15a: {  	v3 =	vmax.f32 v3, v61;
	v62 =	vnsel vm2, $0x0, v8;
	v1 =	vmax.f32 v1, v6  }
0x15b: {  	v63 =	vnsel vm1, $0x0, v9;
	v4 =	vmax.f32 v5, v62;
	v1 =	vmax.f32 v1, v3  }
0x15c: {  	v2 =	vmax.f32 v2, v63;
	v1 =	vmax.f32 v1, v4  }
0x15d: {  	v1 =	vmax.f32 v1, v2  }
0x15e: {  	v0 =	vmax.f32 v1, v0  }
0x15f: {  	s1 =	simm.s32 $0x8000;
	[tilespmem:$0x8280] =	vst v0  }
0x160: {  	[hbm4b:s15+s14] =	stream.linear.scatter [tilespmem:s1], [sflag:$0x5], $0x10, $0x38;
	[tilespmem:$0x8400] =	vst v63  }
0x161: {  	_ =	swait.ge [sflag:s0], $0x10  }
0x162: {  	[sflag:s0] =	ssyncset.done $0x0  }
0x163: {  	s3 =	simm.s32 $0x8080;
	[sflag:s0] =	ssyncadd.s32 $0xFFFFFFF0  }
0x164: {  	[hbm4b:s16+s14] =	stream.linear.scatter [tilespmem:s3], [sflag:$0x5], $0x10, $0x38;
	[tilespmem:$0x8400] =	vst v63  }
0x165: {  	_ =	swait.ge [sflag:s0], $0x10  }
0x166: {  	[sflag:s0] =	ssyncset.done $0x0  }
0x167: {  	s2 =	simm.s32 $0x8100;
	[sflag:s0] =	ssyncadd.s32 $0xFFFFFFF0  }
0x168: {  	[hbm4b:s17+s14] =	stream.linear.scatter [tilespmem:s2], [sflag:$0x5], $0x10, $0x38;
	[tilespmem:$0x8400] =	vst v63  }
0x169: {  	_ =	swait.ge [sflag:s0], $0x10  }
0x16a: {  	[sflag:s0] =	ssyncset.done $0x0  }
0x16b: {  	s3 =	simm.s32 $0x8180;
	[sflag:s0] =	ssyncadd.s32 $0xFFFFFFF0  }
0x16c: {  	[hbm4b:s18+s14] =	stream.linear.scatter [tilespmem:s3], [sflag:$0x5], $0x10, $0x38;
	[tilespmem:$0x8400] =	vst v63  }
0x16d: {  	_ =	swait.ge [sflag:s0], $0x10  }
0x16e: {  	[sflag:s0] =	ssyncset.done $0x0  }
0x16f: {  	s2 =	simm.s32 $0x8200;
	[sflag:s0] =	ssyncadd.s32 $0xFFFFFFF0  }
0x170: {  	[hbm4b:s19+s14] =	stream.linear.scatter [tilespmem:s2], [sflag:$0x5], $0x10, $0x38;
	[tilespmem:$0x8400] =	vst v63  }
0x171: {  	s13 =	sadd.s32 $0x1, s13;
	_ =	swait.ge [sflag:s0], $0x10  }
0x172: {  	p0 =	sne.s32 s13, s21;
	[sflag:s0] =	ssyncset.done $0x0  }
.Ltmp6:
0x173: {  	s3 =	simm.s32 $0x8280;
	[sflag:s0] =	ssyncadd.s32 $0xFFFFFFF0;
	(pc) =	sbr.rel @p0 .LBB2_1-.Ltmp6, $4  }
0x174: {  	[hbm4b:s20+s14] =	stream.linear.scatter [tilespmem:s3], [sflag:$0x5], $0x10, $0x38;
	[tilespmem:$0x8400] =	vst v63  }
0x175: {  	_ =	swait.ge [sflag:s0], $0x10  }
0x176: {  	[sflag:s0] =	ssyncset.done $0x0  }
0x177: {  	[sflag:s0] =	ssyncadd.s32 $0xFFFFFFF0  }
0x178: {  	_ =	sfence.sel $0x180000  }
0x179: {  	[bflag:$0x0] =	sbarrier.arrive $0xFFFF  }
0x17a: {  	_ =	strace $0x90000047  }
0x17b: {  	s0 =	stileid.u32;
	[bflag:$0x2] =	sbarrier.arrive $0xFFFF  }
0x17c: {  	p0 =	sne.s32 s0, $0x0;
	s0 =	rddreg [dreg:$0x3]  }
0x17d: {  	s0 =	sadd.s32 @!p0 $0x100000, s0  }
0x17e: {  	[sflag:s0] =	ssyncadd.tile.s32 @!p0 $0x1;
	_ =	shalt  }
.Lfunc_end2:
_tile_overlayer_lowered:
.L_overlay_start_2:
0x17f: {  	(tag) =	ssettag $0x2  }
0x180: {  	s0 =	rddreg [dreg:$0x0];
	s2 =	stileid.u32  }
0x181: {  	s1 =	rddreg [dreg:$0x1];
	p0 =	sne.s32 s2, $0x0  }
0x182: {  	s3 =	rddreg [dreg:$0x2];
	[bflag:$0x3] =	sbarrier.arrive $0xFFFF;
	s2 =	simm.s32 @!p0 $0x1C05  }
0x183: {  	[timem:s3], [sflag:s2] =	dma.local @!p0 [hbm:s0], s1  }
0x184: {  	s0 =	simm.s32 @!p0 $0x5  }
0x185: {  	_ =	swait.ge @!p0 [sflag:s0], s1  }
0x186: {  	s1 =	ssub.s32 @!p0 $0x0, s1;
	[sflag:s0] =	ssyncset.done @!p0 $0x0  }
0x187: {  	[sflag:s0] =	ssyncadd.s32 @!p0 s1  }
0x188: {  	[bflag:$0x3] =	sbarrier.arrive $0xFFFF  }
0x189: {  	_ =	shalt  }

</sc_bundles>
